<compile_context>
chip_gen: v7x
topology: tpu7x:2x2x1
jax: 0.10.2.dev20260603
libtpu: 0.0.44.dev20260713+nightly
codegen_flags: <defaults>
</compile_context>

<pallas_src>
import functools

import jax
import jax.numpy as jnp
from jax import lax
from jax.experimental import pallas as pl
from jax.experimental.pallas import tpu as pltpu
from jax.experimental.pallas import tpu_sc as plsc

DIM = 768
HIDDEN = 3072
NUM_EXPERTS = 8
AUX_COEFF = 0.01
ZLOSS_COEFF = 0.001
T = 2048
BLK = 128
G_MAX = 40
N_PAD = G_MAX * BLK


def _router_body(x_ref, rw_ref, pos_ref, w_ref, te_ref, tv_ref, gm_ref,
                 aux_ref):
    x = x_ref[...]
    rw = rw_ref[...]
    logits = lax.dot_general(x, rw, (((1,), (1,)), ((), ())),
                             preferred_element_type=jnp.float32)
    rowmax = jnp.max(logits, axis=1, keepdims=True)
    ex = jnp.exp(logits - rowmax)
    sume = jnp.sum(ex, axis=1, keepdims=True)
    probs = ex / sume
    lse = jnp.log(sume) + rowmax

    eidx = lax.broadcasted_iota(jnp.int32, (T, NUM_EXPERTS), 1)
    m1 = jnp.max(probs, axis=1, keepdims=True)
    i1 = jnp.min(jnp.where(probs == m1, eidx, NUM_EXPERTS), axis=1, keepdims=True)
    sel1 = eidx == i1
    pm = jnp.where(sel1, -jnp.inf, probs)
    m2 = jnp.max(pm, axis=1, keepdims=True)
    i2 = jnp.min(jnp.where(pm == m2, eidx, NUM_EXPERTS), axis=1, keepdims=True)
    sel2 = eidx == i2
    denom = m1 + m2 + 1e-8
    w1 = m1 / denom
    w2 = m2 / denom

    ind1 = sel1.astype(jnp.float32)
    ind2 = sel2.astype(jnp.float32)

    cnt1 = jnp.sum(ind1, axis=0, keepdims=True)
    cnt = cnt1 + jnp.sum(ind2, axis=0, keepdims=True)
    sp = jnp.sum(probs, axis=0, keepdims=True)
    balance = (AUX_COEFF * NUM_EXPERTS / (T * T)) * jnp.sum(cnt * sp)
    zl = ZLOSS_COEFF * jnp.mean(lse * lse)
    aux_ref[...] = jnp.reshape(balance + zl, (1, 1))

    ri = lax.broadcasted_iota(jnp.int32, (T, T), 0)
    ci = lax.broadcasted_iota(jnp.int32, (T, T), 1)
    lmask = (ci < ri).astype(jnp.float32)
    ind12 = jnp.concatenate([ind1, ind2], axis=1)
    c12 = lax.dot_general(lmask, ind12, (((1,), (0,)), ((), ())),
                          preferred_element_type=jnp.float32)
    c1 = c12[:, :NUM_EXPERTS]
    c2 = c12[:, NUM_EXPERTS:]

    pe = jnp.floor((cnt + (BLK - 1)) / BLK) * BLK
    tri = (lax.broadcasted_iota(jnp.int32, (NUM_EXPERTS, NUM_EXPERTS), 0)
           < lax.broadcasted_iota(jnp.int32, (NUM_EXPERTS, NUM_EXPERTS), 1)
           ).astype(jnp.float32)
    baze = lax.dot_general(pe, tri, (((1,), (0,)), ((), ())),
                           preferred_element_type=jnp.float32)
    cump = baze + pe

    pos1 = jnp.sum(ind1 * (baze + c1 + c2), axis=1, keepdims=True)
    pos2 = jnp.sum(ind2 * (baze + c1 + c2 + ind1), axis=1, keepdims=True)
    pos_ref[...] = jnp.concatenate([pos1, pos2], axis=1).astype(jnp.int32)
    w_ref[...] = jnp.concatenate([w1, w2], axis=1)

    gl = lax.broadcasted_iota(jnp.int32, (1, 128), 1).astype(jnp.float32) * float(BLK)
    eg = jnp.zeros((1, 128), jnp.float32)
    for e in range(NUM_EXPERTS):
        eg = eg + (gl >= cump[0:1, e:e + 1]).astype(jnp.float32)
    tv = gl < cump[0:1, NUM_EXPERTS - 1:NUM_EXPERTS]
    e8 = lax.broadcasted_iota(jnp.int32, (1, NUM_EXPERTS), 1).astype(jnp.float32)
    laste = jnp.max(jnp.where(cnt > 0, e8, -1.0))
    te = jnp.where(tv, eg, laste)
    te_ref[...] = te.astype(jnp.int32)[:, :G_MAX]
    tv_ref[...] = tv.astype(jnp.int32)[:, :G_MAX]
    gidx = lax.broadcasted_iota(jnp.int32, (1, 128), 1).astype(jnp.float32)
    nvalid = cump[0:1, NUM_EXPERTS - 1:NUM_EXPERTS] * (1.0 / BLK)
    gm = jnp.minimum(gidx, nvalid - 1.0)
    gm_ref[...] = gm.astype(jnp.int32)[:, :G_MAX]


def _run_router(x2, router_w):
    return pl.pallas_call(
        _router_body,
        out_shape=[
            jax.ShapeDtypeStruct((T, 2), jnp.int32),
            jax.ShapeDtypeStruct((T, 2), jnp.float32),
            jax.ShapeDtypeStruct((1, G_MAX), jnp.int32),
            jax.ShapeDtypeStruct((1, G_MAX), jnp.int32),
            jax.ShapeDtypeStruct((1, G_MAX), jnp.int32),
            jax.ShapeDtypeStruct((1, 1), jnp.float32),
        ],
    )(x2, router_w)


def _mlp_outer(te_ref, tv_ref, gm_ref, xs_hbm, wfc_hbm, wpj_hbm, y_hbm):
    def inner(idx, xs_ref, wfc_ref, wpj_ref, y_ref):
        g = idx[0]

        @pl.when(tv_ref[g] != 0)
        def _():
            xb = xs_ref[...]
            h = lax.dot_general(xb, wfc_ref[0], (((1,), (1,)), ((), ())),
                                preferred_element_type=jnp.float32)
            h = jnp.maximum(h, 0.0)
            h = h * h
            y_ref[...] = lax.dot_general(h, wpj_ref[0], (((1,), (1,)), ((), ())),
                                         preferred_element_type=jnp.float32)

    wspec = dict(pipeline_mode=pl.Buffered(buffer_count=2, use_lookahead=True))
    pipe = pltpu.emit_pipeline(
        inner,
        grid=(G_MAX,),
        in_specs=[
            pl.BlockSpec((BLK, DIM), lambda g: (gm_ref[g], 0)),
            pl.BlockSpec((1, HIDDEN, DIM), lambda g: (te_ref[g], 0, 0), **wspec),
            pl.BlockSpec((1, DIM, HIDDEN), lambda g: (te_ref[g], 0, 0), **wspec),
        ],
        out_specs=[pl.BlockSpec((BLK, DIM), lambda g: (gm_ref[g], 0))],
        _explicit_indices=True,
    )
    pipe(xs_hbm, wfc_hbm, wpj_hbm, y_hbm)


def _run_grouped_mlp(te, tv, gm, xs, w_fc, w_proj):
    grid_spec = pltpu.PrefetchScalarGridSpec(
        num_scalar_prefetch=3,
        grid=(),
        in_specs=[pl.BlockSpec(memory_space=pltpu.MemorySpace.HBM)] * 3,
        out_specs=pl.BlockSpec(memory_space=pltpu.MemorySpace.HBM),
    )
    return pl.pallas_call(
        _mlp_outer,
        grid_spec=grid_spec,
        out_shape=jax.ShapeDtypeStruct((N_PAD, DIM), jnp.float32),
        compiler_params=pltpu.CompilerParams(
            vmem_limit_bytes=100 * 1024 * 1024,
        ),
    )(te, tv, gm, xs, w_fc, w_proj)


_NC = 2
_NS = 16
_NW = _NC * _NS
_CHUNK_D = T // _NW
_SC_MESH = dict(core_axis_name="c", subcore_axis_name="s")


def _split_even_odd(idx_v, even_v, odd_v, n):
    for k in range(n // 16):
        lanes = lax.broadcasted_iota(jnp.int32, (16,), 0) * 2 + 32 * k
        sl = pl.ds(16 * k, 16)
        even_v[sl] = plsc.load_gather(idx_v, [lanes])
        odd_v[sl] = plsc.load_gather(idx_v, [lanes + 1])


@functools.partial(
    pl.kernel,
    out_type=jax.ShapeDtypeStruct((N_PAD, DIM), jnp.float32),
    mesh=plsc.VectorSubcoreMesh(**_SC_MESH),
    scratch_types=[
        pltpu.VMEM((2 * _CHUNK_D,), jnp.int32),
        pltpu.VMEM((_CHUNK_D,), jnp.int32),
        pltpu.VMEM((_CHUNK_D,), jnp.int32),
        pltpu.VMEM((_CHUNK_D, DIM), jnp.float32),
        pltpu.SemaphoreType.DMA,
    ],
    compiler_params=pltpu.CompilerParams(needs_layout_passes=False),
)
def _sc_dispatch(x_hbm, pos_hbm, xs_hbm, idx_v, idx1_v, idx2_v, rows_v, sem):
    wid = lax.axis_index("s") * _NC + lax.axis_index("c")
    tb = wid * _CHUNK_D
    pltpu.sync_copy(pos_hbm.at[pl.ds(2 * tb, 2 * _CHUNK_D)], idx_v)
    pltpu.sync_copy(x_hbm.at[pl.ds(tb, _CHUNK_D)], rows_v)
    _split_even_odd(idx_v, idx1_v, idx2_v, _CHUNK_D)
    cp1 = pltpu.async_copy(rows_v, xs_hbm.at[idx1_v], sem)
    cp2 = pltpu.async_copy(rows_v, xs_hbm.at[idx2_v], sem)
    cp1.wait()
    cp2.wait()


@functools.partial(
    pl.kernel,
    out_type=jax.ShapeDtypeStruct((T, DIM), jnp.float32),
    mesh=plsc.VectorSubcoreMesh(**_SC_MESH),
    scratch_types=[
        pltpu.VMEM((2 * _CHUNK_D,), jnp.int32),
        pltpu.VMEM((_CHUNK_D,), jnp.int32),
        pltpu.VMEM((_CHUNK_D,), jnp.int32),
        pltpu.VMEM((2 * _CHUNK_D,), jnp.float32),
        pltpu.VMEM((_CHUNK_D, DIM), jnp.float32),
        pltpu.VMEM((_CHUNK_D, DIM), jnp.float32),
        pltpu.SemaphoreType.DMA,
    ],
    compiler_params=pltpu.CompilerParams(needs_layout_passes=False),
)
def _sc_combine(y_hbm, pos_hbm, w_hbm, out_hbm,
                idx_v, idx1_v, idx2_v, w_v, rows1_v, rows2_v, sem):
    wid = lax.axis_index("s") * _NC + lax.axis_index("c")
    tb = wid * _CHUNK_D
    pltpu.sync_copy(pos_hbm.at[pl.ds(2 * tb, 2 * _CHUNK_D)], idx_v)
    pltpu.sync_copy(w_hbm.at[pl.ds(2 * tb, 2 * _CHUNK_D)], w_v)
    _split_even_odd(idx_v, idx1_v, idx2_v, _CHUNK_D)
    cp1 = pltpu.async_copy(y_hbm.at[idx1_v], rows1_v, sem)
    cp2 = pltpu.async_copy(y_hbm.at[idx2_v], rows2_v, sem)
    cp1.wait()
    cp2.wait()

    def row_fn(r, carry):
        wv1 = plsc.load_gather(w_v, [jnp.zeros((16,), jnp.int32) + 2 * r])
        wv2 = plsc.load_gather(w_v, [jnp.zeros((16,), jnp.int32) + 2 * r + 1])
        for c in range(DIM // 16):
            sl = pl.ds(c * 16, 16)
            rows1_v[r, sl] = wv1 * rows1_v[r, sl] + wv2 * rows2_v[r, sl]
        return carry

    lax.fori_loop(0, _CHUNK_D, row_fn, 0)
    pltpu.sync_copy(rows1_v, out_hbm.at[pl.ds(tb, _CHUNK_D)])


def kernel(x, router_w, w_fc, w_proj):
    x2 = x.reshape(T, DIM)
    pos, w12, te, tv, gm, aux = _run_router(x2, router_w)
    pos_all = pos.reshape(2 * T)
    w_all = w12.reshape(2 * T)
    xs = _sc_dispatch(x2, pos_all)
    y = _run_grouped_mlp(te.reshape(G_MAX), tv.reshape(G_MAX),
                         gm.reshape(G_MAX), xs, w_fc, w_proj)
    out = _sc_combine(y, pos_all, w_all)
    return out.reshape(x.shape), aux[0, 0]

# --- scband reference (transcript-rebuilt; emitter-appended) ---
"""Pipeline reference for scband-mo-emlp-58179626991687 (READ-ONLY COPY).

The authoritative reference and input builder live on the scoring server;
editing this copy changes nothing except your own understanding.
"""

import jax, jax.numpy as jnp
import numpy as np

DIM = 768
HIDDEN = 3072
NUM_EXPERTS = 8
TOP_K = 2
AUX_COEFF = 0.01
ZLOSS_COEFF = 0.001


def setup_inputs(seed: int = 0) -> dict:
    key = jax.random.key(seed)
    k1, k2, k3, k4 = jax.random.split(key, 4)
    x = jax.random.normal(k1, (1, 2048, DIM), dtype=jnp.float32)
    router_w = jax.random.normal(k2, (NUM_EXPERTS, DIM), dtype=jnp.float32) * 0.01
    b_fc = 1.0 / np.sqrt(DIM)
    b_proj = 1.0 / np.sqrt(HIDDEN)
    w_fc = jax.random.uniform(k3, (NUM_EXPERTS, HIDDEN, DIM), dtype=jnp.float32, minval=-b_fc, maxval=b_fc)
    w_proj = jax.random.uniform(k4, (NUM_EXPERTS, DIM, HIDDEN), dtype=jnp.float32, minval=-b_proj, maxval=b_proj)
    return {"x": x, "router_w": router_w, "w_fc": w_fc, "w_proj": w_proj}


def reference(x, router_w, w_fc, w_proj):
    bsz, seq_len, dim = x.shape
    x_flat = x.reshape(-1, dim)
    # Router: linear -> softmax -> top-k
    router_logits = x_flat.astype(jnp.float32) @ router_w.T  # [T, E]
    router_probs = jax.nn.softmax(router_logits, axis=-1)
    top_k_probs, top_k_indices = jax.lax.top_k(router_probs, TOP_K)
    top_k_probs = top_k_probs / (jnp.sum(top_k_probs, axis=-1, keepdims=True) + 1e-08)
    # Per-expert combine weight: sum over the k slots selecting this expert.
    one_hot = jax.nn.one_hot(top_k_indices, NUM_EXPERTS, dtype=jnp.float32)  # [T, K, E]
    expert_weight = jnp.sum(one_hot * top_k_probs[..., None], axis=1)  # [T, E]
    # Dense expert compute (mathematically identical: unselected experts get
    # zero combine weight). ExpertMLP: proj(relu(fc(x))**2), no biases.
    h = jnp.einsum('td,ehd->teh', x_flat, w_fc)  # [T, E, H]
    h = jnp.square(jnp.maximum(h, 0.0))
    expert_out = jnp.einsum('teh,edh->ted', h, w_proj)  # [T, E, D]
    output = jnp.sum(expert_weight[..., None] * expert_out, axis=1)  # [T, D]
    # Aux losses (module defaults to training mode).
    tokens_per_expert = jax.lax.stop_gradient(jnp.mean(jnp.sum(one_hot, axis=1), axis=0))  # [E]
    prob_per_expert = jnp.mean(router_probs, axis=0)  # [E]
    balance_loss = AUX_COEFF * NUM_EXPERTS * jnp.sum(tokens_per_expert * prob_per_expert)
    z_loss = ZLOSS_COEFF * jnp.mean(jax.nn.logsumexp(router_logits, axis=-1) ** 2)
    aux_loss = balance_loss + z_loss
    return output.reshape(bsz, seq_len, dim), aux_loss

if __name__ == "__main__":
    import jax
    _d = setup_inputs()
    print(jax.jit(kernel)(*tuple(_d.values())))

</pallas_src>

<mosaic_0001>
#map = affine_map<(d0, d1) -> (0, 0)>
#map1 = affine_map<(d0, d1) -> (0)>
module attributes {stable_mosaic.version = 14 : i64} {
  func.func @_sc_dispatch(%arg0: i32, %arg1: i32, %arg2: memref<2048x768xf32, #tpu.memory_space<hbm>>, %arg3: memref<4096xi32, #tpu.memory_space<hbm>>, %arg4: memref<5120x768xf32, #tpu.memory_space<hbm>>, %arg5: memref<128xi32, #tpu.memory_space<vmem>>, %arg6: memref<64xi32, #tpu.memory_space<vmem>>, %arg7: memref<64xi32, #tpu.memory_space<vmem>>, %arg8: memref<64x768xf32, #tpu.memory_space<vmem>>, %arg9: memref<!tpu.dma_semaphore, #tpu.memory_space<semaphore_mem>>) attributes {dimension_semantics = [#tpu.dimension_semantics<core_parallel>, #tpu.dimension_semantics<subcore_parallel>], iteration_bounds = array<i64: 2, 16>, scalar_prefetch = 0 : i64, scratch_operands = 5 : i64, tpu.core_type = #tpu.core_type<sc_vector_subcore>, window_params = [{transform_indices = #map}, {transform_indices = #map1}, {transform_indices = #map}]} {
    %mul3A = arith.constant 2 : i32
    %mul3A_0 = arith.muli %arg1, %mul3A : i32
    %add3A = arith.addi %mul3A_0, %arg0 : i32
    %mul3A_1 = arith.constant 64 : i32
    %mul3A_2 = arith.muli %add3A, %mul3A_1 : i32
    %mul3A_3 = arith.constant 2 : i32
    %mul3A_4 = arith.muli %mul3A_3, %mul3A_2 : i32
    "tpu.region"() ({
      %run_scoped3A = tpu.sem_alloc : memref<!tpu.dma_semaphore, #tpu.memory_space<semaphore_mem>>
      %dma_start3A_76 = tpu.memref_slice %arg3[%mul3A_4] : memref<4096xi32, #tpu.memory_space<hbm>> -> memref<128xi32, #tpu.memory_space<hbm>>
      %dma_start3A_77 = tpu.memref_slice %arg3[%mul3A_4] : memref<4096xi32, #tpu.memory_space<hbm>> -> memref<128xi32, #tpu.memory_space<hbm>>
      tpu.enqueue_dma source(%dma_start3A_77 : memref<128xi32, #tpu.memory_space<hbm>>) target(%arg5 : memref<128xi32, #tpu.memory_space<vmem>>) target_semaphore(%run_scoped3A : memref<!tpu.dma_semaphore, #tpu.memory_space<semaphore_mem>>)
      %dma_wait3A_78 = tpu.memref_slice %arg3[%mul3A_4] : memref<4096xi32, #tpu.memory_space<hbm>> -> memref<128xi32, #tpu.memory_space<hbm>>
      %dma_wait3A_79 = tpu.memref_slice %arg3[%mul3A_4] : memref<4096xi32, #tpu.memory_space<hbm>> -> memref<128xi32, #tpu.memory_space<hbm>>
      tpu.wait_dma2 semaphore(%run_scoped3A : memref<!tpu.dma_semaphore, #tpu.memory_space<semaphore_mem>>) src(%dma_wait3A_79 : memref<128xi32, #tpu.memory_space<hbm>>) dst(%arg5 : memref<128xi32, #tpu.memory_space<vmem>>)
      tpu.yield
    }) : () -> ()
    "tpu.region"() ({
      %run_scoped3A = tpu.sem_alloc : memref<!tpu.dma_semaphore, #tpu.memory_space<semaphore_mem>>
      %dma_start3A_76 = arith.constant 0 : i32
      %dma_start3A_77 = tpu.memref_slice %arg2[%mul3A_2, %dma_start3A_76] : memref<2048x768xf32, #tpu.memory_space<hbm>> -> memref<64x768xf32, #tpu.memory_space<hbm>>
      %dma_start3A_78 = arith.constant 0 : i32
      %dma_start3A_79 = tpu.memref_slice %arg2[%mul3A_2, %dma_start3A_78] : memref<2048x768xf32, #tpu.memory_space<hbm>> -> memref<64x768xf32, #tpu.memory_space<hbm>>
      tpu.enqueue_dma source(%dma_start3A_79 : memref<64x768xf32, #tpu.memory_space<hbm>>) target(%arg8 : memref<64x768xf32, #tpu.memory_space<vmem>>) target_semaphore(%run_scoped3A : memref<!tpu.dma_semaphore, #tpu.memory_space<semaphore_mem>>)
      %dma_wait3A_80 = arith.constant 0 : i32
      %dma_wait3A_81 = tpu.memref_slice %arg2[%mul3A_2, %dma_wait3A_80] : memref<2048x768xf32, #tpu.memory_space<hbm>> -> memref<64x768xf32, #tpu.memory_space<hbm>>
      %dma_wait3A_82 = arith.constant 0 : i32
      %dma_wait3A_83 = tpu.memref_slice %arg2[%mul3A_2, %dma_wait3A_82] : memref<2048x768xf32, #tpu.memory_space<hbm>> -> memref<64x768xf32, #tpu.memory_space<hbm>>
      tpu.wait_dma2 semaphore(%run_scoped3A : memref<!tpu.dma_semaphore, #tpu.memory_space<semaphore_mem>>) src(%dma_wait3A_83 : memref<64x768xf32, #tpu.memory_space<hbm>>) dst(%arg8 : memref<64x768xf32, #tpu.memory_space<vmem>>)
      tpu.yield
    }) : () -> ()
    %iota3A = tpu.iota {dimensions = array<i32: 0>} : vector<16xi32>
    %mul3A_5 = arith.constant 2 : i32
    %mul3A_6 = vector.broadcast %mul3A_5 : i32 to vector<16xi32>
    %mul3A_7 = arith.muli %iota3A, %mul3A_6 : vector<16xi32>
    %add3A_8 = arith.constant 0 : i32
    %add3A_9 = vector.broadcast %add3A_8 : i32 to vector<16xi32>
    %add3A_10 = arith.addi %mul3A_7, %add3A_9 : vector<16xi32>
    %gather3A = tpu.vector_load_idx %arg5[%add3A_10] : memref<128xi32, #tpu.memory_space<vmem>>[vector<16xi32>], vector<16xi32>,
    %swap3A = arith.constant 0 : index
    %swap3A_11 = tpu.vector_load %arg6[%swap3A] {strides = array<i32>} : memref<64xi32, #tpu.memory_space<vmem>>, vector<16xi32>,
    tpu.vector_store %arg6[%swap3A], %gather3A {strides = array<i32>} : memref<64xi32, #tpu.memory_space<vmem>>, vector<16xi32>,
    %add3A_12 = arith.constant 1 : i32
    %add3A_13 = vector.broadcast %add3A_12 : i32 to vector<16xi32>
    %add3A_14 = arith.addi %add3A_10, %add3A_13 : vector<16xi32>
    %gather3A_15 = tpu.vector_load_idx %arg5[%add3A_14] : memref<128xi32, #tpu.memory_space<vmem>>[vector<16xi32>], vector<16xi32>,
    %swap3A_16 = arith.constant 0 : index
    %swap3A_17 = tpu.vector_load %arg7[%swap3A_16] {strides = array<i32>} : memref<64xi32, #tpu.memory_space<vmem>>, vector<16xi32>,
    tpu.vector_store %arg7[%swap3A_16], %gather3A_15 {strides = array<i32>} : memref<64xi32, #tpu.memory_space<vmem>>, vector<16xi32>,
    %iota3A_18 = tpu.iota {dimensions = array<i32: 0>} : vector<16xi32>
    %mul3A_19 = arith.constant 2 : i32
    %mul3A_20 = vector.broadcast %mul3A_19 : i32 to vector<16xi32>
    %mul3A_21 = arith.muli %iota3A_18, %mul3A_20 : vector<16xi32>
    %add3A_22 = arith.constant 32 : i32
    %add3A_23 = vector.broadcast %add3A_22 : i32 to vector<16xi32>
    %add3A_24 = arith.addi %mul3A_21, %add3A_23 : vector<16xi32>
    %gather3A_25 = tpu.vector_load_idx %arg5[%add3A_24] : memref<128xi32, #tpu.memory_space<vmem>>[vector<16xi32>], vector<16xi32>,
    %swap3A_26 = arith.constant 16 : index
    %swap3A_27 = tpu.vector_load %arg6[%swap3A_26] {strides = array<i32>} : memref<64xi32, #tpu.memory_space<vmem>>, vector<16xi32>,
    tpu.vector_store %arg6[%swap3A_26], %gather3A_25 {strides = array<i32>} : memref<64xi32, #tpu.memory_space<vmem>>, vector<16xi32>,
    %add3A_28 = arith.constant 1 : i32
    %add3A_29 = vector.broadcast %add3A_28 : i32 to vector<16xi32>
    %add3A_30 = arith.addi %add3A_24, %add3A_29 : vector<16xi32>
    %gather3A_31 = tpu.vector_load_idx %arg5[%add3A_30] : memref<128xi32, #tpu.memory_space<vmem>>[vector<16xi32>], vector<16xi32>,
    %swap3A_32 = arith.constant 16 : index
    %swap3A_33 = tpu.vector_load %arg7[%swap3A_32] {strides = array<i32>} : memref<64xi32, #tpu.memory_space<vmem>>, vector<16xi32>,
    tpu.vector_store %arg7[%swap3A_32], %gather3A_31 {strides = array<i32>} : memref<64xi32, #tpu.memory_space<vmem>>, vector<16xi32>,
    %iota3A_34 = tpu.iota {dimensions = array<i32: 0>} : vector<16xi32>
    %mul3A_35 = arith.constant 2 : i32
    %mul3A_36 = vector.broadcast %mul3A_35 : i32 to vector<16xi32>
    %mul3A_37 = arith.muli %iota3A_34, %mul3A_36 : vector<16xi32>
    %add3A_38 = arith.constant 64 : i32
    %add3A_39 = vector.broadcast %add3A_38 : i32 to vector<16xi32>
    %add3A_40 = arith.addi %mul3A_37, %add3A_39 : vector<16xi32>
    %gather3A_41 = tpu.vector_load_idx %arg5[%add3A_40] : memref<128xi32, #tpu.memory_space<vmem>>[vector<16xi32>], vector<16xi32>,
    %swap3A_42 = arith.constant 32 : index
    %swap3A_43 = tpu.vector_load %arg6[%swap3A_42] {strides = array<i32>} : memref<64xi32, #tpu.memory_space<vmem>>, vector<16xi32>,
    tpu.vector_store %arg6[%swap3A_42], %gather3A_41 {strides = array<i32>} : memref<64xi32, #tpu.memory_space<vmem>>, vector<16xi32>,
    %add3A_44 = arith.constant 1 : i32
    %add3A_45 = vector.broadcast %add3A_44 : i32 to vector<16xi32>
    %add3A_46 = arith.addi %add3A_40, %add3A_45 : vector<16xi32>
    %gather3A_47 = tpu.vector_load_idx %arg5[%add3A_46] : memref<128xi32, #tpu.memory_space<vmem>>[vector<16xi32>], vector<16xi32>,
    %swap3A_48 = arith.constant 32 : index
    %swap3A_49 = tpu.vector_load %arg7[%swap3A_48] {strides = array<i32>} : memref<64xi32, #tpu.memory_space<vmem>>, vector<16xi32>,
    tpu.vector_store %arg7[%swap3A_48], %gather3A_47 {strides = array<i32>} : memref<64xi32, #tpu.memory_space<vmem>>, vector<16xi32>,
    %iota3A_50 = tpu.iota {dimensions = array<i32: 0>} : vector<16xi32>
    %mul3A_51 = arith.constant 2 : i32
    %mul3A_52 = vector.broadcast %mul3A_51 : i32 to vector<16xi32>
    %mul3A_53 = arith.muli %iota3A_50, %mul3A_52 : vector<16xi32>
    %add3A_54 = arith.constant 96 : i32
    %add3A_55 = vector.broadcast %add3A_54 : i32 to vector<16xi32>
    %add3A_56 = arith.addi %mul3A_53, %add3A_55 : vector<16xi32>
    %gather3A_57 = tpu.vector_load_idx %arg5[%add3A_56] : memref<128xi32, #tpu.memory_space<vmem>>[vector<16xi32>], vector<16xi32>,
    %swap3A_58 = arith.constant 48 : index
    %swap3A_59 = tpu.vector_load %arg6[%swap3A_58] {strides = array<i32>} : memref<64xi32, #tpu.memory_space<vmem>>, vector<16xi32>,
    tpu.vector_store %arg6[%swap3A_58], %gather3A_57 {strides = array<i32>} : memref<64xi32, #tpu.memory_space<vmem>>, vector<16xi32>,
    %add3A_60 = arith.constant 1 : i32
    %add3A_61 = vector.broadcast %add3A_60 : i32 to vector<16xi32>
    %add3A_62 = arith.addi %add3A_56, %add3A_61 : vector<16xi32>
    %gather3A_63 = tpu.vector_load_idx %arg5[%add3A_62] : memref<128xi32, #tpu.memory_space<vmem>>[vector<16xi32>], vector<16xi32>,
    %swap3A_64 = arith.constant 48 : index
    %swap3A_65 = tpu.vector_load %arg7[%swap3A_64] {strides = array<i32>} : memref<64xi32, #tpu.memory_space<vmem>>, vector<16xi32>,
    tpu.vector_store %arg7[%swap3A_64], %gather3A_63 {strides = array<i32>} : memref<64xi32, #tpu.memory_space<vmem>>, vector<16xi32>,
    %dma_start3A = arith.constant 0 : i32
    %dma_start3A_66 = arith.constant 0 : i32
    %dma_start3A_67 = tpu.memref_slice %arg4[%dma_start3A, %dma_start3A_66] : memref<5120x768xf32, #tpu.memory_space<hbm>> -> memref<5120x768xf32, #tpu.memory_space<hbm>>
    tpu.enqueue_indirect_dma source(%arg8 : memref<64x768xf32, #tpu.memory_space<vmem>>) target(%dma_start3A_67 : memref<5120x768xf32, #tpu.memory_space<hbm>>) offsets(%arg6 : memref<64xi32, #tpu.memory_space<vmem>>) semaphore(%arg9 : memref<!tpu.dma_semaphore, #tpu.memory_space<semaphore_mem>>)
    %dma_start3A_68 = arith.constant 0 : i32
    %dma_start3A_69 = arith.constant 0 : i32
    %dma_start3A_70 = tpu.memref_slice %arg4[%dma_start3A_68, %dma_start3A_69] : memref<5120x768xf32, #tpu.memory_space<hbm>> -> memref<5120x768xf32, #tpu.memory_space<hbm>>
    tpu.enqueue_indirect_dma source(%arg8 : memref<64x768xf32, #tpu.memory_space<vmem>>) target(%dma_start3A_70 : memref<5120x768xf32, #tpu.memory_space<hbm>>) offsets(%arg7 : memref<64xi32, #tpu.memory_space<vmem>>) semaphore(%arg9 : memref<!tpu.dma_semaphore, #tpu.memory_space<semaphore_mem>>)
    %dma_wait3A = arith.constant 0 : i32
    %dma_wait3A_71 = arith.constant 0 : i32
    %dma_wait3A_72 = tpu.memref_slice %arg4[%dma_wait3A, %dma_wait3A_71] : memref<5120x768xf32, #tpu.memory_space<hbm>> -> memref<5120x768xf32, #tpu.memory_space<hbm>>
    tpu.wait_indirect_dma semaphore(%arg9 : memref<!tpu.dma_semaphore, #tpu.memory_space<semaphore_mem>>) src(%arg8 : memref<64x768xf32, #tpu.memory_space<vmem>>) dst(%dma_wait3A_72 : memref<5120x768xf32, #tpu.memory_space<hbm>>)
    %dma_wait3A_73 = arith.constant 0 : i32
    %dma_wait3A_74 = arith.constant 0 : i32
    %dma_wait3A_75 = tpu.memref_slice %arg4[%dma_wait3A_73, %dma_wait3A_74] : memref<5120x768xf32, #tpu.memory_space<hbm>> -> memref<5120x768xf32, #tpu.memory_space<hbm>>
    tpu.wait_indirect_dma semaphore(%arg9 : memref<!tpu.dma_semaphore, #tpu.memory_space<semaphore_mem>>) src(%arg8 : memref<64x768xf32, #tpu.memory_space<vmem>>) dst(%dma_wait3A_75 : memref<5120x768xf32, #tpu.memory_space<hbm>>)
    return
  }
}

#map = affine_map<(d0, d1) -> (0, 0)>
#map1 = affine_map<(d0, d1) -> (0)>
module attributes {stable_mosaic.version = 14 : i64} {
  func.func @_sc_combine(%arg0: i32, %arg1: i32, %arg2: memref<5120x768xf32, #tpu.memory_space<hbm>>, %arg3: memref<4096xi32, #tpu.memory_space<hbm>>, %arg4: memref<4096xf32, #tpu.memory_space<hbm>>, %arg5: memref<2048x768xf32, #tpu.memory_space<hbm>>, %arg6: memref<128xi32, #tpu.memory_space<vmem>>, %arg7: memref<64xi32, #tpu.memory_space<vmem>>, %arg8: memref<64xi32, #tpu.memory_space<vmem>>, %arg9: memref<128xf32, #tpu.memory_space<vmem>>, %arg10: memref<64x768xf32, #tpu.memory_space<vmem>>, %arg11: memref<64x768xf32, #tpu.memory_space<vmem>>, %arg12: memref<!tpu.dma_semaphore, #tpu.memory_space<semaphore_mem>>) attributes {dimension_semantics = [#tpu.dimension_semantics<core_parallel>, #tpu.dimension_semantics<subcore_parallel>], iteration_bounds = array<i64: 2, 16>, scalar_prefetch = 0 : i64, scratch_operands = 7 : i64, tpu.core_type = #tpu.core_type<sc_vector_subcore>, window_params = [{transform_indices = #map}, {transform_indices = #map1}, {transform_indices = #map1}, {transform_indices = #map}]} {
    %mul3A = arith.constant 2 : i32
    %mul3A_0 = arith.muli %arg1, %mul3A : i32
    %add3A = arith.addi %mul3A_0, %arg0 : i32
    %mul3A_1 = arith.constant 64 : i32
    %mul3A_2 = arith.muli %add3A, %mul3A_1 : i32
    %mul3A_3 = arith.constant 2 : i32
    %mul3A_4 = arith.muli %mul3A_3, %mul3A_2 : i32
    "tpu.region"() ({
      %run_scoped3A = tpu.sem_alloc : memref<!tpu.dma_semaphore, #tpu.memory_space<semaphore_mem>>
      %dma_start3A_83 = tpu.memref_slice %arg3[%mul3A_4] : memref<4096xi32, #tpu.memory_space<hbm>> -> memref<128xi32, #tpu.memory_space<hbm>>
      %dma_start3A_84 = tpu.memref_slice %arg3[%mul3A_4] : memref<4096xi32, #tpu.memory_space<hbm>> -> memref<128xi32, #tpu.memory_space<hbm>>
      tpu.enqueue_dma source(%dma_start3A_84 : memref<128xi32, #tpu.memory_space<hbm>>) target(%arg6 : memref<128xi32, #tpu.memory_space<vmem>>) target_semaphore(%run_scoped3A : memref<!tpu.dma_semaphore, #tpu.memory_space<semaphore_mem>>)
      %dma_wait3A_85 = tpu.memref_slice %arg3[%mul3A_4] : memref<4096xi32, #tpu.memory_space<hbm>> -> memref<128xi32, #tpu.memory_space<hbm>>
      %dma_wait3A_86 = tpu.memref_slice %arg3[%mul3A_4] : memref<4096xi32, #tpu.memory_space<hbm>> -> memref<128xi32, #tpu.memory_space<hbm>>
      tpu.wait_dma2 semaphore(%run_scoped3A : memref<!tpu.dma_semaphore, #tpu.memory_space<semaphore_mem>>) src(%dma_wait3A_86 : memref<128xi32, #tpu.memory_space<hbm>>) dst(%arg6 : memref<128xi32, #tpu.memory_space<vmem>>)
      tpu.yield
    }) : () -> ()
    %mul3A_5 = arith.constant 2 : i32
    %mul3A_6 = arith.muli %mul3A_5, %mul3A_2 : i32
    "tpu.region"() ({
      %run_scoped3A = tpu.sem_alloc : memref<!tpu.dma_semaphore, #tpu.memory_space<semaphore_mem>>
      %dma_start3A_83 = tpu.memref_slice %arg4[%mul3A_6] : memref<4096xf32, #tpu.memory_space<hbm>> -> memref<128xf32, #tpu.memory_space<hbm>>
      %dma_start3A_84 = tpu.memref_slice %arg4[%mul3A_6] : memref<4096xf32, #tpu.memory_space<hbm>> -> memref<128xf32, #tpu.memory_space<hbm>>
      tpu.enqueue_dma source(%dma_start3A_84 : memref<128xf32, #tpu.memory_space<hbm>>) target(%arg9 : memref<128xf32, #tpu.memory_space<vmem>>) target_semaphore(%run_scoped3A : memref<!tpu.dma_semaphore, #tpu.memory_space<semaphore_mem>>)
      %dma_wait3A_85 = tpu.memref_slice %arg4[%mul3A_6] : memref<4096xf32, #tpu.memory_space<hbm>> -> memref<128xf32, #tpu.memory_space<hbm>>
      %dma_wait3A_86 = tpu.memref_slice %arg4[%mul3A_6] : memref<4096xf32, #tpu.memory_space<hbm>> -> memref<128xf32, #tpu.memory_space<hbm>>
      tpu.wait_dma2 semaphore(%run_scoped3A : memref<!tpu.dma_semaphore, #tpu.memory_space<semaphore_mem>>) src(%dma_wait3A_86 : memref<128xf32, #tpu.memory_space<hbm>>) dst(%arg9 : memref<128xf32, #tpu.memory_space<vmem>>)
      tpu.yield
    }) : () -> ()
    %iota3A = tpu.iota {dimensions = array<i32: 0>} : vector<16xi32>
    %mul3A_7 = arith.constant 2 : i32
    %mul3A_8 = vector.broadcast %mul3A_7 : i32 to vector<16xi32>
    %mul3A_9 = arith.muli %iota3A, %mul3A_8 : vector<16xi32>
    %add3A_10 = arith.constant 0 : i32
    %add3A_11 = vector.broadcast %add3A_10 : i32 to vector<16xi32>
    %add3A_12 = arith.addi %mul3A_9, %add3A_11 : vector<16xi32>
    %gather3A = tpu.vector_load_idx %arg6[%add3A_12] : memref<128xi32, #tpu.memory_space<vmem>>[vector<16xi32>], vector<16xi32>,
    %swap3A = arith.constant 0 : index
    %swap3A_13 = tpu.vector_load %arg7[%swap3A] {strides = array<i32>} : memref<64xi32, #tpu.memory_space<vmem>>, vector<16xi32>,
    tpu.vector_store %arg7[%swap3A], %gather3A {strides = array<i32>} : memref<64xi32, #tpu.memory_space<vmem>>, vector<16xi32>,
    %add3A_14 = arith.constant 1 : i32
    %add3A_15 = vector.broadcast %add3A_14 : i32 to vector<16xi32>
    %add3A_16 = arith.addi %add3A_12, %add3A_15 : vector<16xi32>
    %gather3A_17 = tpu.vector_load_idx %arg6[%add3A_16] : memref<128xi32, #tpu.memory_space<vmem>>[vector<16xi32>], vector<16xi32>,
    %swap3A_18 = arith.constant 0 : index
    %swap3A_19 = tpu.vector_load %arg8[%swap3A_18] {strides = array<i32>} : memref<64xi32, #tpu.memory_space<vmem>>, vector<16xi32>,
    tpu.vector_store %arg8[%swap3A_18], %gather3A_17 {strides = array<i32>} : memref<64xi32, #tpu.memory_space<vmem>>, vector<16xi32>,
    %iota3A_20 = tpu.iota {dimensions = array<i32: 0>} : vector<16xi32>
    %mul3A_21 = arith.constant 2 : i32
    %mul3A_22 = vector.broadcast %mul3A_21 : i32 to vector<16xi32>
    %mul3A_23 = arith.muli %iota3A_20, %mul3A_22 : vector<16xi32>
    %add3A_24 = arith.constant 32 : i32
    %add3A_25 = vector.broadcast %add3A_24 : i32 to vector<16xi32>
    %add3A_26 = arith.addi %mul3A_23, %add3A_25 : vector<16xi32>
    %gather3A_27 = tpu.vector_load_idx %arg6[%add3A_26] : memref<128xi32, #tpu.memory_space<vmem>>[vector<16xi32>], vector<16xi32>,
    %swap3A_28 = arith.constant 16 : index
    %swap3A_29 = tpu.vector_load %arg7[%swap3A_28] {strides = array<i32>} : memref<64xi32, #tpu.memory_space<vmem>>, vector<16xi32>,
    tpu.vector_store %arg7[%swap3A_28], %gather3A_27 {strides = array<i32>} : memref<64xi32, #tpu.memory_space<vmem>>, vector<16xi32>,
    %add3A_30 = arith.constant 1 : i32
    %add3A_31 = vector.broadcast %add3A_30 : i32 to vector<16xi32>
    %add3A_32 = arith.addi %add3A_26, %add3A_31 : vector<16xi32>
    %gather3A_33 = tpu.vector_load_idx %arg6[%add3A_32] : memref<128xi32, #tpu.memory_space<vmem>>[vector<16xi32>], vector<16xi32>,
    %swap3A_34 = arith.constant 16 : index
    %swap3A_35 = tpu.vector_load %arg8[%swap3A_34] {strides = array<i32>} : memref<64xi32, #tpu.memory_space<vmem>>, vector<16xi32>,
    tpu.vector_store %arg8[%swap3A_34], %gather3A_33 {strides = array<i32>} : memref<64xi32, #tpu.memory_space<vmem>>, vector<16xi32>,
    %iota3A_36 = tpu.iota {dimensions = array<i32: 0>} : vector<16xi32>
    %mul3A_37 = arith.constant 2 : i32
    %mul3A_38 = vector.broadcast %mul3A_37 : i32 to vector<16xi32>
    %mul3A_39 = arith.muli %iota3A_36, %mul3A_38 : vector<16xi32>
    %add3A_40 = arith.constant 64 : i32
    %add3A_41 = vector.broadcast %add3A_40 : i32 to vector<16xi32>
    %add3A_42 = arith.addi %mul3A_39, %add3A_41 : vector<16xi32>
    %gather3A_43 = tpu.vector_load_idx %arg6[%add3A_42] : memref<128xi32, #tpu.memory_space<vmem>>[vector<16xi32>], vector<16xi32>,
    %swap3A_44 = arith.constant 32 : index
    %swap3A_45 = tpu.vector_load %arg7[%swap3A_44] {strides = array<i32>} : memref<64xi32, #tpu.memory_space<vmem>>, vector<16xi32>,
    tpu.vector_store %arg7[%swap3A_44], %gather3A_43 {strides = array<i32>} : memref<64xi32, #tpu.memory_space<vmem>>, vector<16xi32>,
    %add3A_46 = arith.constant 1 : i32
    %add3A_47 = vector.broadcast %add3A_46 : i32 to vector<16xi32>
    %add3A_48 = arith.addi %add3A_42, %add3A_47 : vector<16xi32>
    %gather3A_49 = tpu.vector_load_idx %arg6[%add3A_48] : memref<128xi32, #tpu.memory_space<vmem>>[vector<16xi32>], vector<16xi32>,
    %swap3A_50 = arith.constant 32 : index
    %swap3A_51 = tpu.vector_load %arg8[%swap3A_50] {strides = array<i32>} : memref<64xi32, #tpu.memory_space<vmem>>, vector<16xi32>,
    tpu.vector_store %arg8[%swap3A_50], %gather3A_49 {strides = array<i32>} : memref<64xi32, #tpu.memory_space<vmem>>, vector<16xi32>,
    %iota3A_52 = tpu.iota {dimensions = array<i32: 0>} : vector<16xi32>
    %mul3A_53 = arith.constant 2 : i32
    %mul3A_54 = vector.broadcast %mul3A_53 : i32 to vector<16xi32>
    %mul3A_55 = arith.muli %iota3A_52, %mul3A_54 : vector<16xi32>
    %add3A_56 = arith.constant 96 : i32
    %add3A_57 = vector.broadcast %add3A_56 : i32 to vector<16xi32>
    %add3A_58 = arith.addi %mul3A_55, %add3A_57 : vector<16xi32>
    %gather3A_59 = tpu.vector_load_idx %arg6[%add3A_58] : memref<128xi32, #tpu.memory_space<vmem>>[vector<16xi32>], vector<16xi32>,
    %swap3A_60 = arith.constant 48 : index
    %swap3A_61 = tpu.vector_load %arg7[%swap3A_60] {strides = array<i32>} : memref<64xi32, #tpu.memory_space<vmem>>, vector<16xi32>,
    tpu.vector_store %arg7[%swap3A_60], %gather3A_59 {strides = array<i32>} : memref<64xi32, #tpu.memory_space<vmem>>, vector<16xi32>,
    %add3A_62 = arith.constant 1 : i32
    %add3A_63 = vector.broadcast %add3A_62 : i32 to vector<16xi32>
    %add3A_64 = arith.addi %add3A_58, %add3A_63 : vector<16xi32>
    %gather3A_65 = tpu.vector_load_idx %arg6[%add3A_64] : memref<128xi32, #tpu.memory_space<vmem>>[vector<16xi32>], vector<16xi32>,
    %swap3A_66 = arith.constant 48 : index
    %swap3A_67 = tpu.vector_load %arg8[%swap3A_66] {strides = array<i32>} : memref<64xi32, #tpu.memory_space<vmem>>, vector<16xi32>,
    tpu.vector_store %arg8[%swap3A_66], %gather3A_65 {strides = array<i32>} : memref<64xi32, #tpu.memory_space<vmem>>, vector<16xi32>,
    %dma_start3A = arith.constant 0 : i32
    %dma_start3A_68 = arith.constant 0 : i32
    %dma_start3A_69 = tpu.memref_slice %arg2[%dma_start3A, %dma_start3A_68] : memref<5120x768xf32, #tpu.memory_space<hbm>> -> memref<5120x768xf32, #tpu.memory_space<hbm>>
    tpu.enqueue_indirect_dma source(%dma_start3A_69 : memref<5120x768xf32, #tpu.memory_space<hbm>>) target(%arg10 : memref<64x768xf32, #tpu.memory_space<vmem>>) offsets(%arg7 : memref<64xi32, #tpu.memory_space<vmem>>) semaphore(%arg12 : memref<!tpu.dma_semaphore, #tpu.memory_space<semaphore_mem>>)
    %dma_start3A_70 = arith.constant 0 : i32
    %dma_start3A_71 = arith.constant 0 : i32
    %dma_start3A_72 = tpu.memref_slice %arg2[%dma_start3A_70, %dma_start3A_71] : memref<5120x768xf32, #tpu.memory_space<hbm>> -> memref<5120x768xf32, #tpu.memory_space<hbm>>
    tpu.enqueue_indirect_dma source(%dma_start3A_72 : memref<5120x768xf32, #tpu.memory_space<hbm>>) target(%arg11 : memref<64x768xf32, #tpu.memory_space<vmem>>) offsets(%arg8 : memref<64xi32, #tpu.memory_space<vmem>>) semaphore(%arg12 : memref<!tpu.dma_semaphore, #tpu.memory_space<semaphore_mem>>)
    %dma_wait3A = arith.constant 0 : i32
    %dma_wait3A_73 = arith.constant 0 : i32
    %dma_wait3A_74 = tpu.memref_slice %arg2[%dma_wait3A, %dma_wait3A_73] : memref<5120x768xf32, #tpu.memory_space<hbm>> -> memref<5120x768xf32, #tpu.memory_space<hbm>>
    tpu.wait_indirect_dma semaphore(%arg12 : memref<!tpu.dma_semaphore, #tpu.memory_space<semaphore_mem>>) src(%dma_wait3A_74 : memref<5120x768xf32, #tpu.memory_space<hbm>>) dst(%arg10 : memref<64x768xf32, #tpu.memory_space<vmem>>)
    %dma_wait3A_75 = arith.constant 0 : i32
    %dma_wait3A_76 = arith.constant 0 : i32
    %dma_wait3A_77 = tpu.memref_slice %arg2[%dma_wait3A_75, %dma_wait3A_76] : memref<5120x768xf32, #tpu.memory_space<hbm>> -> memref<5120x768xf32, #tpu.memory_space<hbm>>
    tpu.wait_indirect_dma semaphore(%arg12 : memref<!tpu.dma_semaphore, #tpu.memory_space<semaphore_mem>>) src(%dma_wait3A_77 : memref<5120x768xf32, #tpu.memory_space<hbm>>) dst(%arg11 : memref<64x768xf32, #tpu.memory_space<vmem>>)
    %scan3A = arith.constant 0 : i32
    %scan3A_78 = arith.constant 0 : i32
    %scan3A_79 = arith.constant 64 : i32
    %scan3A_80 = arith.addi %scan3A_78, %scan3A_79 : i32
    %scan3A_81 = arith.constant 1 : i32
    scf.for %scan3A_83 = %scan3A_78 to %scan3A_80 step %scan3A_81  : i32 {
      %broadcast_in_dim3A = arith.constant 0 : i32
      %broadcast_in_dim3A_84 = vector.broadcast %broadcast_in_dim3A : i32 to vector<16xi32>
      %mul3A_85 = arith.constant 2 : i32
      %mul3A_86 = arith.muli %mul3A_85, %scan3A_83 : i32
      %add3A_87 = vector.broadcast %mul3A_86 : i32 to vector<16xi32>
      %add3A_88 = arith.addi %broadcast_in_dim3A_84, %add3A_87 : vector<16xi32>
      %gather3A_89 = tpu.vector_load_idx %arg9[%add3A_88] : memref<128xf32, #tpu.memory_space<vmem>>[vector<16xi32>], vector<16xf32>,
      %broadcast_in_dim3A_90 = arith.constant 0 : i32
      %broadcast_in_dim3A_91 = vector.broadcast %broadcast_in_dim3A_90 : i32 to vector<16xi32>
      %mul3A_92 = arith.constant 2 : i32
      %mul3A_93 = arith.muli %mul3A_92, %scan3A_83 : i32
      %add3A_94 = vector.broadcast %mul3A_93 : i32 to vector<16xi32>
      %add3A_95 = arith.addi %broadcast_in_dim3A_91, %add3A_94 : vector<16xi32>
      %add3A_96 = arith.constant 1 : i32
      %add3A_97 = vector.broadcast %add3A_96 : i32 to vector<16xi32>
      %add3A_98 = arith.addi %add3A_95, %add3A_97 : vector<16xi32>
      %gather3A_99 = tpu.vector_load_idx %arg9[%add3A_98] : memref<128xf32, #tpu.memory_space<vmem>>[vector<16xi32>], vector<16xf32>,
      %get3A = arith.index_cast %scan3A_83 : i32 to index
      %get3A_100 = arith.constant 0 : index
      %get3A_101 = tpu.vector_load %arg10[%get3A, %get3A_100] {strides = array<i32>} : memref<64x768xf32, #tpu.memory_space<vmem>>, vector<16xf32>,
      %mul3A_102 = arith.mulf %gather3A_89, %get3A_101 : vector<16xf32>
      %get3A_103 = arith.index_cast %scan3A_83 : i32 to index
      %get3A_104 = arith.constant 0 : index
      %get3A_105 = tpu.vector_load %arg11[%get3A_103, %get3A_104] {strides = array<i32>} : memref<64x768xf32, #tpu.memory_space<vmem>>, vector<16xf32>,
      %mul3A_106 = arith.mulf %gather3A_99, %get3A_105 : vector<16xf32>
      %add3A_107 = arith.addf %mul3A_102, %mul3A_106 : vector<16xf32>
      %swap3A_108 = arith.index_cast %scan3A_83 : i32 to index
      %swap3A_109 = arith.constant 0 : index
      %swap3A_110 = tpu.vector_load %arg10[%swap3A_108, %swap3A_109] {strides = array<i32>} : memref<64x768xf32, #tpu.memory_space<vmem>>, vector<16xf32>,
      tpu.vector_store %arg10[%swap3A_108, %swap3A_109], %add3A_107 {strides = array<i32>} : memref<64x768xf32, #tpu.memory_space<vmem>>, vector<16xf32>,
      %get3A_111 = arith.index_cast %scan3A_83 : i32 to index
      %get3A_112 = arith.constant 16 : index
      %get3A_113 = tpu.vector_load %arg10[%get3A_111, %get3A_112] {strides = array<i32>} : memref<64x768xf32, #tpu.memory_space<vmem>>, vector<16xf32>,
      %mul3A_114 = arith.mulf %gather3A_89, %get3A_113 : vector<16xf32>
      %get3A_115 = arith.index_cast %scan3A_83 : i32 to index
      %get3A_116 = arith.constant 16 : index
      %get3A_117 = tpu.vector_load %arg11[%get3A_115, %get3A_116] {strides = array<i32>} : memref<64x768xf32, #tpu.memory_space<vmem>>, vector<16xf32>,
      %mul3A_118 = arith.mulf %gather3A_99, %get3A_117 : vector<16xf32>
      %add3A_119 = arith.addf %mul3A_114, %mul3A_118 : vector<16xf32>
      %swap3A_120 = arith.index_cast %scan3A_83 : i32 to index
      %swap3A_121 = arith.constant 16 : index
      %swap3A_122 = tpu.vector_load %arg10[%swap3A_120, %swap3A_121] {strides = array<i32>} : memref<64x768xf32, #tpu.memory_space<vmem>>, vector<16xf32>,
      tpu.vector_store %arg10[%swap3A_120, %swap3A_121], %add3A_119 {strides = array<i32>} : memref<64x768xf32, #tpu.memory_space<vmem>>, vector<16xf32>,
      %get3A_123 = arith.index_cast %scan3A_83 : i32 to index
      %get3A_124 = arith.constant 32 : index
      %get3A_125 = tpu.vector_load %arg10[%get3A_123, %get3A_124] {strides = array<i32>} : memref<64x768xf32, #tpu.memory_space<vmem>>, vector<16xf32>,
      %mul3A_126 = arith.mulf %gather3A_89, %get3A_125 : vector<16xf32>
      %get3A_127 = arith.index_cast %scan3A_83 : i32 to index
      %get3A_128 = arith.constant 32 : index
      %get3A_129 = tpu.vector_load %arg11[%get3A_127, %get3A_128] {strides = array<i32>} : memref<64x768xf32, #tpu.memory_space<vmem>>, vector<16xf32>,
      %mul3A_130 = arith.mulf %gather3A_99, %get3A_129 : vector<16xf32>
      %add3A_131 = arith.addf %mul3A_126, %mul3A_130 : vector<16xf32>
      %swap3A_132 = arith.index_cast %scan3A_83 : i32 to index
      %swap3A_133 = arith.constant 32 : index
      %swap3A_134 = tpu.vector_load %arg10[%swap3A_132, %swap3A_133] {strides = array<i32>} : memref<64x768xf32, #tpu.memory_space<vmem>>, vector<16xf32>,
      tpu.vector_store %arg10[%swap3A_132, %swap3A_133], %add3A_131 {strides = array<i32>} : memref<64x768xf32, #tpu.memory_space<vmem>>, vector<16xf32>,
      %get3A_135 = arith.index_cast %scan3A_83 : i32 to index
      %get3A_136 = arith.constant 48 : index
      %get3A_137 = tpu.vector_load %arg10[%get3A_135, %get3A_136] {strides = array<i32>} : memref<64x768xf32, #tpu.memory_space<vmem>>, vector<16xf32>,
      %mul3A_138 = arith.mulf %gather3A_89, %get3A_137 : vector<16xf32>
      %get3A_139 = arith.index_cast %scan3A_83 : i32 to index
      %get3A_140 = arith.constant 48 : index
      %get3A_141 = tpu.vector_load %arg11[%get3A_139, %get3A_140] {strides = array<i32>} : memref<64x768xf32, #tpu.memory_space<vmem>>, vector<16xf32>,
      %mul3A_142 = arith.mulf %gather3A_99, %get3A_141 : vector<16xf32>
      %add3A_143 = arith.addf %mul3A_138, %mul3A_142 : vector<16xf32>
      %swap3A_144 = arith.index_cast %scan3A_83 : i32 to index
      %swap3A_145 = arith.constant 48 : index
      %swap3A_146 = tpu.vector_load %arg10[%swap3A_144, %swap3A_145] {strides = array<i32>} : memref<64x768xf32, #tpu.memory_space<vmem>>, vector<16xf32>,
      tpu.vector_store %arg10[%swap3A_144, %swap3A_145], %add3A_143 {strides = array<i32>} : memref<64x768xf32, #tpu.memory_space<vmem>>, vector<16xf32>,
      %get3A_147 = arith.index_cast %scan3A_83 : i32 to index
      %get3A_148 = arith.constant 64 : index
      %get3A_149 = tpu.vector_load %arg10[%get3A_147, %get3A_148] {strides = array<i32>} : memref<64x768xf32, #tpu.memory_space<vmem>>, vector<16xf32>,
      %mul3A_150 = arith.mulf %gather3A_89, %get3A_149 : vector<16xf32>
      %get3A_151 = arith.index_cast %scan3A_83 : i32 to index
      %get3A_152 = arith.constant 64 : index
      %get3A_153 = tpu.vector_load %arg11[%get3A_151, %get3A_152] {strides = array<i32>} : memref<64x768xf32, #tpu.memory_space<vmem>>, vector<16xf32>,
      %mul3A_154 = arith.mulf %gather3A_99, %get3A_153 : vector<16xf32>
      %add3A_155 = arith.addf %mul3A_150, %mul3A_154 : vector<16xf32>
      %swap3A_156 = arith.index_cast %scan3A_83 : i32 to index
      %swap3A_157 = arith.constant 64 : index
      %swap3A_158 = tpu.vector_load %arg10[%swap3A_156, %swap3A_157] {strides = array<i32>} : memref<64x768xf32, #tpu.memory_space<vmem>>, vector<16xf32>,
      tpu.vector_store %arg10[%swap3A_156, %swap3A_157], %add3A_155 {strides = array<i32>} : memref<64x768xf32, #tpu.memory_space<vmem>>, vector<16xf32>,
      %get3A_159 = arith.index_cast %scan3A_83 : i32 to index
      %get3A_160 = arith.constant 80 : index
      %get3A_161 = tpu.vector_load %arg10[%get3A_159, %get3A_160] {strides = array<i32>} : memref<64x768xf32, #tpu.memory_space<vmem>>, vector<16xf32>,
      %mul3A_162 = arith.mulf %gather3A_89, %get3A_161 : vector<16xf32>
      %get3A_163 = arith.index_cast %scan3A_83 : i32 to index
      %get3A_164 = arith.constant 80 : index
      %get3A_165 = tpu.vector_load %arg11[%get3A_163, %get3A_164] {strides = array<i32>} : memref<64x768xf32, #tpu.memory_space<vmem>>, vector<16xf32>,
      %mul3A_166 = arith.mulf %gather3A_99, %get3A_165 : vector<16xf32>
      %add3A_167 = arith.addf %mul3A_162, %mul3A_166 : vector<16xf32>
      %swap3A_168 = arith.index_cast %scan3A_83 : i32 to index
      %swap3A_169 = arith.constant 80 : index
      %swap3A_170 = tpu.vector_load %arg10[%swap3A_168, %swap3A_169] {strides = array<i32>} : memref<64x768xf32, #tpu.memory_space<vmem>>, vector<16xf32>,
      tpu.vector_store %arg10[%swap3A_168, %swap3A_169], %add3A_167 {strides = array<i32>} : memref<64x768xf32, #tpu.memory_space<vmem>>, vector<16xf32>,
      %get3A_171 = arith.index_cast %scan3A_83 : i32 to index
      %get3A_172 = arith.constant 96 : index
      %get3A_173 = tpu.vector_load %arg10[%get3A_171, %get3A_172] {strides = array<i32>} : memref<64x768xf32, #tpu.memory_space<vmem>>, vector<16xf32>,
      %mul3A_174 = arith.mulf %gather3A_89, %get3A_173 : vector<16xf32>
      %get3A_175 = arith.index_cast %scan3A_83 : i32 to index
      %get3A_176 = arith.constant 96 : index
      %get3A_177 = tpu.vector_load %arg11[%get3A_175, %get3A_176] {strides = array<i32>} : memref<64x768xf32, #tpu.memory_space<vmem>>, vector<16xf32>,
      %mul3A_178 = arith.mulf %gather3A_99, %get3A_177 : vector<16xf32>
      %add3A_179 = arith.addf %mul3A_174, %mul3A_178 : vector<16xf32>
      %swap3A_180 = arith.index_cast %scan3A_83 : i32 to index
      %swap3A_181 = arith.constant 96 : index
      %swap3A_182 = tpu.vector_load %arg10[%swap3A_180, %swap3A_181] {strides = array<i32>} : memref<64x768xf32, #tpu.memory_space<vmem>>, vector<16xf32>,
      tpu.vector_store %arg10[%swap3A_180, %swap3A_181], %add3A_179 {strides = array<i32>} : memref<64x768xf32, #tpu.memory_space<vmem>>, vector<16xf32>,
      %get3A_183 = arith.index_cast %scan3A_83 : i32 to index
      %get3A_184 = arith.constant 112 : index
      %get3A_185 = tpu.vector_load %arg10[%get3A_183, %get3A_184] {strides = array<i32>} : memref<64x768xf32, #tpu.memory_space<vmem>>, vector<16xf32>,
      %mul3A_186 = arith.mulf %gather3A_89, %get3A_185 : vector<16xf32>
      %get3A_187 = arith.index_cast %scan3A_83 : i32 to index
      %get3A_188 = arith.constant 112 : index
      %get3A_189 = tpu.vector_load %arg11[%get3A_187, %get3A_188] {strides = array<i32>} : memref<64x768xf32, #tpu.memory_space<vmem>>, vector<16xf32>,
      %mul3A_190 = arith.mulf %gather3A_99, %get3A_189 : vector<16xf32>
      %add3A_191 = arith.addf %mul3A_186, %mul3A_190 : vector<16xf32>
      %swap3A_192 = arith.index_cast %scan3A_83 : i32 to index
      %swap3A_193 = arith.constant 112 : index
      %swap3A_194 = tpu.vector_load %arg10[%swap3A_192, %swap3A_193] {strides = array<i32>} : memref<64x768xf32, #tpu.memory_space<vmem>>, vector<16xf32>,
      tpu.vector_store %arg10[%swap3A_192, %swap3A_193], %add3A_191 {strides = array<i32>} : memref<64x768xf32, #tpu.memory_space<vmem>>, vector<16xf32>,
      %get3A_195 = arith.index_cast %scan3A_83 : i32 to index
      %get3A_196 = arith.constant 128 : index
      %get3A_197 = tpu.vector_load %arg10[%get3A_195, %get3A_196] {strides = array<i32>} : memref<64x768xf32, #tpu.memory_space<vmem>>, vector<16xf32>,
      %mul3A_198 = arith.mulf %gather3A_89, %get3A_197 : vector<16xf32>
      %get3A_199 = arith.index_cast %scan3A_83 : i32 to index
      %get3A_200 = arith.constant 128 : index
      %get3A_201 = tpu.vector_load %arg11[%get3A_199, %get3A_200] {strides = array<i32>} : memref<64x768xf32, #tpu.memory_space<vmem>>, vector<16xf32>,
      %mul3A_202 = arith.mulf %gather3A_99, %get3A_201 : vector<16xf32>
      %add3A_203 = arith.addf %mul3A_198, %mul3A_202 : vector<16xf32>
      %swap3A_204 = arith.index_cast %scan3A_83 : i32 to index
      %swap3A_205 = arith.constant 128 : index
      %swap3A_206 = tpu.vector_load %arg10[%swap3A_204, %swap3A_205] {strides = array<i32>} : memref<64x768xf32, #tpu.memory_space<vmem>>, vector<16xf32>,
      tpu.vector_store %arg10[%swap3A_204, %swap3A_205], %add3A_203 {strides = array<i32>} : memref<64x768xf32, #tpu.memory_space<vmem>>, vector<16xf32>,
      %get3A_207 = arith.index_cast %scan3A_83 : i32 to index
      %get3A_208 = arith.constant 144 : index
      %get3A_209 = tpu.vector_load %arg10[%get3A_207, %get3A_208] {strides = array<i32>} : memref<64x768xf32, #tpu.memory_space<vmem>>, vector<16xf32>,
      %mul3A_210 = arith.mulf %gather3A_89, %get3A_209 : vector<16xf32>
      %get3A_211 = arith.index_cast %scan3A_83 : i32 to index
      %get3A_212 = arith.constant 144 : index
      %get3A_213 = tpu.vector_load %arg11[%get3A_211, %get3A_212] {strides = array<i32>} : memref<64x768xf32, #tpu.memory_space<vmem>>, vector<16xf32>,
      %mul3A_214 = arith.mulf %gather3A_99, %get3A_213 : vector<16xf32>
      %add3A_215 = arith.addf %mul3A_210, %mul3A_214 : vector<16xf32>
      %swap3A_216 = arith.index_cast %scan3A_83 : i32 to index
      %swap3A_217 = arith.constant 144 : index
      %swap3A_218 = tpu.vector_load %arg10[%swap3A_216, %swap3A_217] {strides = array<i32>} : memref<64x768xf32, #tpu.memory_space<vmem>>, vector<16xf32>,
      tpu.vector_store %arg10[%swap3A_216, %swap3A_217], %add3A_215 {strides = array<i32>} : memref<64x768xf32, #tpu.memory_space<vmem>>, vector<16xf32>,
      %get3A_219 = arith.index_cast %scan3A_83 : i32 to index
      %get3A_220 = arith.constant 160 : index
      %get3A_221 = tpu.vector_load %arg10[%get3A_219, %get3A_220] {strides = array<i32>} : memref<64x768xf32, #tpu.memory_space<vmem>>, vector<16xf32>,
      %mul3A_222 = arith.mulf %gather3A_89, %get3A_221 : vector<16xf32>
      %get3A_223 = arith.index_cast %scan3A_83 : i32 to index
      %get3A_224 = arith.constant 160 : index
      %get3A_225 = tpu.vector_load %arg11[%get3A_223, %get3A_224] {strides = array<i32>} : memref<64x768xf32, #tpu.memory_space<vmem>>, vector<16xf32>,
      %mul3A_226 = arith.mulf %gather3A_99, %get3A_225 : vector<16xf32>
      %add3A_227 = arith.addf %mul3A_222, %mul3A_226 : vector<16xf32>
      %swap3A_228 = arith.index_cast %scan3A_83 : i32 to index
      %swap3A_229 = arith.constant 160 : index
      %swap3A_230 = tpu.vector_load %arg10[%swap3A_228, %swap3A_229] {strides = array<i32>} : memref<64x768xf32, #tpu.memory_space<vmem>>, vector<16xf32>,
      tpu.vector_store %arg10[%swap3A_228, %swap3A_229], %add3A_227 {strides = array<i32>} : memref<64x768xf32, #tpu.memory_space<vmem>>, vector<16xf32>,
      %get3A_231 = arith.index_cast %scan3A_83 : i32 to index
      %get3A_232 = arith.constant 176 : index
      %get3A_233 = tpu.vector_load %arg10[%get3A_231, %get3A_232] {strides = array<i32>} : memref<64x768xf32, #tpu.memory_space<vmem>>, vector<16xf32>,
      %mul3A_234 = arith.mulf %gather3A_89, %get3A_233 : vector<16xf32>
      %get3A_235 = arith.index_cast %scan3A_83 : i32 to index
      %get3A_236 = arith.constant 176 : index
      %get3A_237 = tpu.vector_load %arg11[%get3A_235, %get3A_236] {strides = array<i32>} : memref<64x768xf32, #tpu.memory_space<vmem>>, vector<16xf32>,
      %mul3A_238 = arith.mulf %gather3A_99, %get3A_237 : vector<16xf32>
      %add3A_239 = arith.addf %mul3A_234, %mul3A_238 : vector<16xf32>
      %swap3A_240 = arith.index_cast %scan3A_83 : i32 to index
      %swap3A_241 = arith.constant 176 : index
      %swap3A_242 = tpu.vector_load %arg10[%swap3A_240, %swap3A_241] {strides = array<i32>} : memref<64x768xf32, #tpu.memory_space<vmem>>, vector<16xf32>,
      tpu.vector_store %arg10[%swap3A_240, %swap3A_241], %add3A_239 {strides = array<i32>} : memref<64x768xf32, #tpu.memory_space<vmem>>, vector<16xf32>,
      %get3A_243 = arith.index_cast %scan3A_83 : i32 to index
      %get3A_244 = arith.constant 192 : index
      %get3A_245 = tpu.vector_load %arg10[%get3A_243, %get3A_244] {strides = array<i32>} : memref<64x768xf32, #tpu.memory_space<vmem>>, vector<16xf32>,
      %mul3A_246 = arith.mulf %gather3A_89, %get3A_245 : vector<16xf32>
      %get3A_247 = arith.index_cast %scan3A_83 : i32 to index
      %get3A_248 = arith.constant 192 : index
      %get3A_249 = tpu.vector_load %arg11[%get3A_247, %get3A_248] {strides = array<i32>} : memref<64x768xf32, #tpu.memory_space<vmem>>, vector<16xf32>,
      %mul3A_250 = arith.mulf %gather3A_99, %get3A_249 : vector<16xf32>
      %add3A_251 = arith.addf %mul3A_246, %mul3A_250 : vector<16xf32>
      %swap3A_252 = arith.index_cast %scan3A_83 : i32 to index
      %swap3A_253 = arith.constant 192 : index
      %swap3A_254 = tpu.vector_load %arg10[%swap3A_252, %swap3A_253] {strides = array<i32>} : memref<64x768xf32, #tpu.memory_space<vmem>>, vector<16xf32>,
      tpu.vector_store %arg10[%swap3A_252, %swap3A_253], %add3A_251 {strides = array<i32>} : memref<64x768xf32, #tpu.memory_space<vmem>>, vector<16xf32>,
      %get3A_255 = arith.index_cast %scan3A_83 : i32 to index
      %get3A_256 = arith.constant 208 : index
      %get3A_257 = tpu.vector_load %arg10[%get3A_255, %get3A_256] {strides = array<i32>} : memref<64x768xf32, #tpu.memory_space<vmem>>, vector<16xf32>,
      %mul3A_258 = arith.mulf %gather3A_89, %get3A_257 : vector<16xf32>
      %get3A_259 = arith.index_cast %scan3A_83 : i32 to index
      %get3A_260 = arith.constant 208 : index
      %get3A_261 = tpu.vector_load %arg11[%get3A_259, %get3A_260] {strides = array<i32>} : memref<64x768xf32, #tpu.memory_space<vmem>>, vector<16xf32>,
      %mul3A_262 = arith.mulf %gather3A_99, %get3A_261 : vector<16xf32>
      %add3A_263 = arith.addf %mul3A_258, %mul3A_262 : vector<16xf32>
      %swap3A_264 = arith.index_cast %scan3A_83 : i32 to index
      %swap3A_265 = arith.constant 208 : index
      %swap3A_266 = tpu.vector_load %arg10[%swap3A_264, %swap3A_265] {strides = array<i32>} : memref<64x768xf32, #tpu.memory_space<vmem>>, vector<16xf32>,
      tpu.vector_store %arg10[%swap3A_264, %swap3A_265], %add3A_263 {strides = array<i32>} : memref<64x768xf32, #tpu.memory_space<vmem>>, vector<16xf32>,
      %get3A_267 = arith.index_cast %scan3A_83 : i32 to index
      %get3A_268 = arith.constant 224 : index
      %get3A_269 = tpu.vector_load %arg10[%get3A_267, %get3A_268] {strides = array<i32>} : memref<64x768xf32, #tpu.memory_space<vmem>>, vector<16xf32>,
      %mul3A_270 = arith.mulf %gather3A_89, %get3A_269 : vector<16xf32>
      %get3A_271 = arith.index_cast %scan3A_83 : i32 to index
      %get3A_272 = arith.constant 224 : index
      %get3A_273 = tpu.vector_load %arg11[%get3A_271, %get3A_272] {strides = array<i32>} : memref<64x768xf32, #tpu.memory_space<vmem>>, vector<16xf32>,
      %mul3A_274 = arith.mulf %gather3A_99, %get3A_273 : vector<16xf32>
      %add3A_275 = arith.addf %mul3A_270, %mul3A_274 : vector<16xf32>
      %swap3A_276 = arith.index_cast %scan3A_83 : i32 to index
      %swap3A_277 = arith.constant 224 : index
      %swap3A_278 = tpu.vector_load %arg10[%swap3A_276, %swap3A_277] {strides = array<i32>} : memref<64x768xf32, #tpu.memory_space<vmem>>, vector<16xf32>,
      tpu.vector_store %arg10[%swap3A_276, %swap3A_277], %add3A_275 {strides = array<i32>} : memref<64x768xf32, #tpu.memory_space<vmem>>, vector<16xf32>,
      %get3A_279 = arith.index_cast %scan3A_83 : i32 to index
      %get3A_280 = arith.constant 240 : index
      %get3A_281 = tpu.vector_load %arg10[%get3A_279, %get3A_280] {strides = array<i32>} : memref<64x768xf32, #tpu.memory_space<vmem>>, vector<16xf32>,
      %mul3A_282 = arith.mulf %gather3A_89, %get3A_281 : vector<16xf32>
      %get3A_283 = arith.index_cast %scan3A_83 : i32 to index
      %get3A_284 = arith.constant 240 : index
      %get3A_285 = tpu.vector_load %arg11[%get3A_283, %get3A_284] {strides = array<i32>} : memref<64x768xf32, #tpu.memory_space<vmem>>, vector<16xf32>,
      %mul3A_286 = arith.mulf %gather3A_99, %get3A_285 : vector<16xf32>
      %add3A_287 = arith.addf %mul3A_282, %mul3A_286 : vector<16xf32>
      %swap3A_288 = arith.index_cast %scan3A_83 : i32 to index
      %swap3A_289 = arith.constant 240 : index
      %swap3A_290 = tpu.vector_load %arg10[%swap3A_288, %swap3A_289] {strides = array<i32>} : memref<64x768xf32, #tpu.memory_space<vmem>>, vector<16xf32>,
      tpu.vector_store %arg10[%swap3A_288, %swap3A_289], %add3A_287 {strides = array<i32>} : memref<64x768xf32, #tpu.memory_space<vmem>>, vector<16xf32>,
      %get3A_291 = arith.index_cast %scan3A_83 : i32 to index
      %get3A_292 = arith.constant 256 : index
      %get3A_293 = tpu.vector_load %arg10[%get3A_291, %get3A_292] {strides = array<i32>} : memref<64x768xf32, #tpu.memory_space<vmem>>, vector<16xf32>,
      %mul3A_294 = arith.mulf %gather3A_89, %get3A_293 : vector<16xf32>
      %get3A_295 = arith.index_cast %scan3A_83 : i32 to index
      %get3A_296 = arith.constant 256 : index
      %get3A_297 = tpu.vector_load %arg11[%get3A_295, %get3A_296] {strides = array<i32>} : memref<64x768xf32, #tpu.memory_space<vmem>>, vector<16xf32>,
      %mul3A_298 = arith.mulf %gather3A_99, %get3A_297 : vector<16xf32>
      %add3A_299 = arith.addf %mul3A_294, %mul3A_298 : vector<16xf32>
      %swap3A_300 = arith.index_cast %scan3A_83 : i32 to index
      %swap3A_301 = arith.constant 256 : index
      %swap3A_302 = tpu.vector_load %arg10[%swap3A_300, %swap3A_301] {strides = array<i32>} : memref<64x768xf32, #tpu.memory_space<vmem>>, vector<16xf32>,
      tpu.vector_store %arg10[%swap3A_300, %swap3A_301], %add3A_299 {strides = array<i32>} : memref<64x768xf32, #tpu.memory_space<vmem>>, vector<16xf32>,
      %get3A_303 = arith.index_cast %scan3A_83 : i32 to index
      %get3A_304 = arith.constant 272 : index
      %get3A_305 = tpu.vector_load %arg10[%get3A_303, %get3A_304] {strides = array<i32>} : memref<64x768xf32, #tpu.memory_space<vmem>>, vector<16xf32>,
      %mul3A_306 = arith.mulf %gather3A_89, %get3A_305 : vector<16xf32>
      %get3A_307 = arith.index_cast %scan3A_83 : i32 to index
      %get3A_308 = arith.constant 272 : index
      %get3A_309 = tpu.vector_load %arg11[%get3A_307, %get3A_308] {strides = array<i32>} : memref<64x768xf32, #tpu.memory_space<vmem>>, vector<16xf32>,
      %mul3A_310 = arith.mulf %gather3A_99, %get3A_309 : vector<16xf32>
      %add3A_311 = arith.addf %mul3A_306, %mul3A_310 : vector<16xf32>
      %swap3A_312 = arith.index_cast %scan3A_83 : i32 to index
      %swap3A_313 = arith.constant 272 : index
      %swap3A_314 = tpu.vector_load %arg10[%swap3A_312, %swap3A_313] {strides = array<i32>} : memref<64x768xf32, #tpu.memory_space<vmem>>, vector<16xf32>,
      tpu.vector_store %arg10[%swap3A_312, %swap3A_313], %add3A_311 {strides = array<i32>} : memref<64x768xf32, #tpu.memory_space<vmem>>, vector<16xf32>,
      %get3A_315 = arith.index_cast %scan3A_83 : i32 to index
      %get3A_316 = arith.constant 288 : index
      %get3A_317 = tpu.vector_load %arg10[%get3A_315, %get3A_316] {strides = array<i32>} : memref<64x768xf32, #tpu.memory_space<vmem>>, vector<16xf32>,
      %mul3A_318 = arith.mulf %gather3A_89, %get3A_317 : vector<16xf32>
      %get3A_319 = arith.index_cast %scan3A_83 : i32 to index
      %get3A_320 = arith.constant 288 : index
      %get3A_321 = tpu.vector_load %arg11[%get3A_319, %get3A_320] {strides = array<i32>} : memref<64x768xf32, #tpu.memory_space<vmem>>, vector<16xf32>,
      %mul3A_322 = arith.mulf %gather3A_99, %get3A_321 : vector<16xf32>
      %add3A_323 = arith.addf %mul3A_318, %mul3A_322 : vector<16xf32>
      %swap3A_324 = arith.index_cast %scan3A_83 : i32 to index
      %swap3A_325 = arith.constant 288 : index
      %swap3A_326 = tpu.vector_load %arg10[%swap3A_324, %swap3A_325] {strides = array<i32>} : memref<64x768xf32, #tpu.memory_space<vmem>>, vector<16xf32>,
      tpu.vector_store %arg10[%swap3A_324, %swap3A_325], %add3A_323 {strides = array<i32>} : memref<64x768xf32, #tpu.memory_space<vmem>>, vector<16xf32>,
      %get3A_327 = arith.index_cast %scan3A_83 : i32 to index
      %get3A_328 = arith.constant 304 : index
      %get3A_329 = tpu.vector_load %arg10[%get3A_327, %get3A_328] {strides = array<i32>} : memref<64x768xf32, #tpu.memory_space<vmem>>, vector<16xf32>,
      %mul3A_330 = arith.mulf %gather3A_89, %get3A_329 : vector<16xf32>
      %get3A_331 = arith.index_cast %scan3A_83 : i32 to index
      %get3A_332 = arith.constant 304 : index
      %get3A_333 = tpu.vector_load %arg11[%get3A_331, %get3A_332] {strides = array<i32>} : memref<64x768xf32, #tpu.memory_space<vmem>>, vector<16xf32>,
      %mul3A_334 = arith.mulf %gather3A_99, %get3A_333 : vector<16xf32>
      %add3A_335 = arith.addf %mul3A_330, %mul3A_334 : vector<16xf32>
      %swap3A_336 = arith.index_cast %scan3A_83 : i32 to index
      %swap3A_337 = arith.constant 304 : index
      %swap3A_338 = tpu.vector_load %arg10[%swap3A_336, %swap3A_337] {strides = array<i32>} : memref<64x768xf32, #tpu.memory_space<vmem>>, vector<16xf32>,
      tpu.vector_store %arg10[%swap3A_336, %swap3A_337], %add3A_335 {strides = array<i32>} : memref<64x768xf32, #tpu.memory_space<vmem>>, vector<16xf32>,
      %get3A_339 = arith.index_cast %scan3A_83 : i32 to index
      %get3A_340 = arith.constant 320 : index
      %get3A_341 = tpu.vector_load %arg10[%get3A_339, %get3A_340] {strides = array<i32>} : memref<64x768xf32, #tpu.memory_space<vmem>>, vector<16xf32>,
      %mul3A_342 = arith.mulf %gather3A_89, %get3A_341 : vector<16xf32>
      %get3A_343 = arith.index_cast %scan3A_83 : i32 to index
      %get3A_344 = arith.constant 320 : index
      %get3A_345 = tpu.vector_load %arg11[%get3A_343, %get3A_344] {strides = array<i32>} : memref<64x768xf32, #tpu.memory_space<vmem>>, vector<16xf32>,
      %mul3A_346 = arith.mulf %gather3A_99, %get3A_345 : vector<16xf32>
      %add3A_347 = arith.addf %mul3A_342, %mul3A_346 : vector<16xf32>
      %swap3A_348 = arith.index_cast %scan3A_83 : i32 to index
      %swap3A_349 = arith.constant 320 : index
      %swap3A_350 = tpu.vector_load %arg10[%swap3A_348, %swap3A_349] {strides = array<i32>} : memref<64x768xf32, #tpu.memory_space<vmem>>, vector<16xf32>,
      tpu.vector_store %arg10[%swap3A_348, %swap3A_349], %add3A_347 {strides = array<i32>} : memref<64x768xf32, #tpu.memory_space<vmem>>, vector<16xf32>,
      %get3A_351 = arith.index_cast %scan3A_83 : i32 to index
      %get3A_352 = arith.constant 336 : index
      %get3A_353 = tpu.vector_load %arg10[%get3A_351, %get3A_352] {strides = array<i32>} : memref<64x768xf32, #tpu.memory_space<vmem>>, vector<16xf32>,
      %mul3A_354 = arith.mulf %gather3A_89, %get3A_353 : vector<16xf32>
      %get3A_355 = arith.index_cast %scan3A_83 : i32 to index
      %get3A_356 = arith.constant 336 : index
      %get3A_357 = tpu.vector_load %arg11[%get3A_355, %get3A_356] {strides = array<i32>} : memref<64x768xf32, #tpu.memory_space<vmem>>, vector<16xf32>,
      %mul3A_358 = arith.mulf %gather3A_99, %get3A_357 : vector<16xf32>
      %add3A_359 = arith.addf %mul3A_354, %mul3A_358 : vector<16xf32>
      %swap3A_360 = arith.index_cast %scan3A_83 : i32 to index
      %swap3A_361 = arith.constant 336 : index
      %swap3A_362 = tpu.vector_load %arg10[%swap3A_360, %swap3A_361] {strides = array<i32>} : memref<64x768xf32, #tpu.memory_space<vmem>>, vector<16xf32>,
      tpu.vector_store %arg10[%swap3A_360, %swap3A_361], %add3A_359 {strides = array<i32>} : memref<64x768xf32, #tpu.memory_space<vmem>>, vector<16xf32>,
      %get3A_363 = arith.index_cast %scan3A_83 : i32 to index
      %get3A_364 = arith.constant 352 : index
      %get3A_365 = tpu.vector_load %arg10[%get3A_363, %get3A_364] {strides = array<i32>} : memref<64x768xf32, #tpu.memory_space<vmem>>, vector<16xf32>,
      %mul3A_366 = arith.mulf %gather3A_89, %get3A_365 : vector<16xf32>
      %get3A_367 = arith.index_cast %scan3A_83 : i32 to index
      %get3A_368 = arith.constant 352 : index
      %get3A_369 = tpu.vector_load %arg11[%get3A_367, %get3A_368] {strides = array<i32>} : memref<64x768xf32, #tpu.memory_space<vmem>>, vector<16xf32>,
      %mul3A_370 = arith.mulf %gather3A_99, %get3A_369 : vector<16xf32>
      %add3A_371 = arith.addf %mul3A_366, %mul3A_370 : vector<16xf32>
      %swap3A_372 = arith.index_cast %scan3A_83 : i32 to index
      %swap3A_373 = arith.constant 352 : index
      %swap3A_374 = tpu.vector_load %arg10[%swap3A_372, %swap3A_373] {strides = array<i32>} : memref<64x768xf32, #tpu.memory_space<vmem>>, vector<16xf32>,
      tpu.vector_store %arg10[%swap3A_372, %swap3A_373], %add3A_371 {strides = array<i32>} : memref<64x768xf32, #tpu.memory_space<vmem>>, vector<16xf32>,
      %get3A_375 = arith.index_cast %scan3A_83 : i32 to index
      %get3A_376 = arith.constant 368 : index
      %get3A_377 = tpu.vector_load %arg10[%get3A_375, %get3A_376] {strides = array<i32>} : memref<64x768xf32, #tpu.memory_space<vmem>>, vector<16xf32>,
      %mul3A_378 = arith.mulf %gather3A_89, %get3A_377 : vector<16xf32>
      %get3A_379 = arith.index_cast %scan3A_83 : i32 to index
      %get3A_380 = arith.constant 368 : index
      %get3A_381 = tpu.vector_load %arg11[%get3A_379, %get3A_380] {strides = array<i32>} : memref<64x768xf32, #tpu.memory_space<vmem>>, vector<16xf32>,
      %mul3A_382 = arith.mulf %gather3A_99, %get3A_381 : vector<16xf32>
      %add3A_383 = arith.addf %mul3A_378, %mul3A_382 : vector<16xf32>
      %swap3A_384 = arith.index_cast %scan3A_83 : i32 to index
      %swap3A_385 = arith.constant 368 : index
      %swap3A_386 = tpu.vector_load %arg10[%swap3A_384, %swap3A_385] {strides = array<i32>} : memref<64x768xf32, #tpu.memory_space<vmem>>, vector<16xf32>,
      tpu.vector_store %arg10[%swap3A_384, %swap3A_385], %add3A_383 {strides = array<i32>} : memref<64x768xf32, #tpu.memory_space<vmem>>, vector<16xf32>,
      %get3A_387 = arith.index_cast %scan3A_83 : i32 to index
      %get3A_388 = arith.constant 384 : index
      %get3A_389 = tpu.vector_load %arg10[%get3A_387, %get3A_388] {strides = array<i32>} : memref<64x768xf32, #tpu.memory_space<vmem>>, vector<16xf32>,
      %mul3A_390 = arith.mulf %gather3A_89, %get3A_389 : vector<16xf32>
      %get3A_391 = arith.index_cast %scan3A_83 : i32 to index
      %get3A_392 = arith.constant 384 : index
      %get3A_393 = tpu.vector_load %arg11[%get3A_391, %get3A_392] {strides = array<i32>} : memref<64x768xf32, #tpu.memory_space<vmem>>, vector<16xf32>,
      %mul3A_394 = arith.mulf %gather3A_99, %get3A_393 : vector<16xf32>
      %add3A_395 = arith.addf %mul3A_390, %mul3A_394 : vector<16xf32>
      %swap3A_396 = arith.index_cast %scan3A_83 : i32 to index
      %swap3A_397 = arith.constant 384 : index
      %swap3A_398 = tpu.vector_load %arg10[%swap3A_396, %swap3A_397] {strides = array<i32>} : memref<64x768xf32, #tpu.memory_space<vmem>>, vector<16xf32>,
      tpu.vector_store %arg10[%swap3A_396, %swap3A_397], %add3A_395 {strides = array<i32>} : memref<64x768xf32, #tpu.memory_space<vmem>>, vector<16xf32>,
      %get3A_399 = arith.index_cast %scan3A_83 : i32 to index
      %get3A_400 = arith.constant 400 : index
      %get3A_401 = tpu.vector_load %arg10[%get3A_399, %get3A_400] {strides = array<i32>} : memref<64x768xf32, #tpu.memory_space<vmem>>, vector<16xf32>,
      %mul3A_402 = arith.mulf %gather3A_89, %get3A_401 : vector<16xf32>
      %get3A_403 = arith.index_cast %scan3A_83 : i32 to index
      %get3A_404 = arith.constant 400 : index
      %get3A_405 = tpu.vector_load %arg11[%get3A_403, %get3A_404] {strides = array<i32>} : memref<64x768xf32, #tpu.memory_space<vmem>>, vector<16xf32>,
      %mul3A_406 = arith.mulf %gather3A_99, %get3A_405 : vector<16xf32>
      %add3A_407 = arith.addf %mul3A_402, %mul3A_406 : vector<16xf32>
      %swap3A_408 = arith.index_cast %scan3A_83 : i32 to index
      %swap3A_409 = arith.constant 400 : index
      %swap3A_410 = tpu.vector_load %arg10[%swap3A_408, %swap3A_409] {strides = array<i32>} : memref<64x768xf32, #tpu.memory_space<vmem>>, vector<16xf32>,
      tpu.vector_store %arg10[%swap3A_408, %swap3A_409], %add3A_407 {strides = array<i32>} : memref<64x768xf32, #tpu.memory_space<vmem>>, vector<16xf32>,
      %get3A_411 = arith.index_cast %scan3A_83 : i32 to index
      %get3A_412 = arith.constant 416 : index
      %get3A_413 = tpu.vector_load %arg10[%get3A_411, %get3A_412] {strides = array<i32>} : memref<64x768xf32, #tpu.memory_space<vmem>>, vector<16xf32>,
      %mul3A_414 = arith.mulf %gather3A_89, %get3A_413 : vector<16xf32>
      %get3A_415 = arith.index_cast %scan3A_83 : i32 to index
      %get3A_416 = arith.constant 416 : index
      %get3A_417 = tpu.vector_load %arg11[%get3A_415, %get3A_416] {strides = array<i32>} : memref<64x768xf32, #tpu.memory_space<vmem>>, vector<16xf32>,
      %mul3A_418 = arith.mulf %gather3A_99, %get3A_417 : vector<16xf32>
      %add3A_419 = arith.addf %mul3A_414, %mul3A_418 : vector<16xf32>
      %swap3A_420 = arith.index_cast %scan3A_83 : i32 to index
      %swap3A_421 = arith.constant 416 : index
      %swap3A_422 = tpu.vector_load %arg10[%swap3A_420, %swap3A_421] {strides = array<i32>} : memref<64x768xf32, #tpu.memory_space<vmem>>, vector<16xf32>,
      tpu.vector_store %arg10[%swap3A_420, %swap3A_421], %add3A_419 {strides = array<i32>} : memref<64x768xf32, #tpu.memory_space<vmem>>, vector<16xf32>,
      %get3A_423 = arith.index_cast %scan3A_83 : i32 to index
      %get3A_424 = arith.constant 432 : index
      %get3A_425 = tpu.vector_load %arg10[%get3A_423, %get3A_424] {strides = array<i32>} : memref<64x768xf32, #tpu.memory_space<vmem>>, vector<16xf32>,
      %mul3A_426 = arith.mulf %gather3A_89, %get3A_425 : vector<16xf32>
      %get3A_427 = arith.index_cast %scan3A_83 : i32 to index
      %get3A_428 = arith.constant 432 : index
      %get3A_429 = tpu.vector_load %arg11[%get3A_427, %get3A_428] {strides = array<i32>} : memref<64x768xf32, #tpu.memory_space<vmem>>, vector<16xf32>,
      %mul3A_430 = arith.mulf %gather3A_99, %get3A_429 : vector<16xf32>
      %add3A_431 = arith.addf %mul3A_426, %mul3A_430 : vector<16xf32>
      %swap3A_432 = arith.index_cast %scan3A_83 : i32 to index
      %swap3A_433 = arith.constant 432 : index
      %swap3A_434 = tpu.vector_load %arg10[%swap3A_432, %swap3A_433] {strides = array<i32>} : memref<64x768xf32, #tpu.memory_space<vmem>>, vector<16xf32>,
      tpu.vector_store %arg10[%swap3A_432, %swap3A_433], %add3A_431 {strides = array<i32>} : memref<64x768xf32, #tpu.memory_space<vmem>>, vector<16xf32>,
      %get3A_435 = arith.index_cast %scan3A_83 : i32 to index
      %get3A_436 = arith.constant 448 : index
      %get3A_437 = tpu.vector_load %arg10[%get3A_435, %get3A_436] {strides = array<i32>} : memref<64x768xf32, #tpu.memory_space<vmem>>, vector<16xf32>,
      %mul3A_438 = arith.mulf %gather3A_89, %get3A_437 : vector<16xf32>
      %get3A_439 = arith.index_cast %scan3A_83 : i32 to index
      %get3A_440 = arith.constant 448 : index
      %get3A_441 = tpu.vector_load %arg11[%get3A_439, %get3A_440] {strides = array<i32>} : memref<64x768xf32, #tpu.memory_space<vmem>>, vector<16xf32>,
      %mul3A_442 = arith.mulf %gather3A_99, %get3A_441 : vector<16xf32>
      %add3A_443 = arith.addf %mul3A_438, %mul3A_442 : vector<16xf32>
      %swap3A_444 = arith.index_cast %scan3A_83 : i32 to index
      %swap3A_445 = arith.constant 448 : index
      %swap3A_446 = tpu.vector_load %arg10[%swap3A_444, %swap3A_445] {strides = array<i32>} : memref<64x768xf32, #tpu.memory_space<vmem>>, vector<16xf32>,
      tpu.vector_store %arg10[%swap3A_444, %swap3A_445], %add3A_443 {strides = array<i32>} : memref<64x768xf32, #tpu.memory_space<vmem>>, vector<16xf32>,
      %get3A_447 = arith.index_cast %scan3A_83 : i32 to index
      %get3A_448 = arith.constant 464 : index
      %get3A_449 = tpu.vector_load %arg10[%get3A_447, %get3A_448] {strides = array<i32>} : memref<64x768xf32, #tpu.memory_space<vmem>>, vector<16xf32>,
      %mul3A_450 = arith.mulf %gather3A_89, %get3A_449 : vector<16xf32>
      %get3A_451 = arith.index_cast %scan3A_83 : i32 to index
      %get3A_452 = arith.constant 464 : index
      %get3A_453 = tpu.vector_load %arg11[%get3A_451, %get3A_452] {strides = array<i32>} : memref<64x768xf32, #tpu.memory_space<vmem>>, vector<16xf32>,
      %mul3A_454 = arith.mulf %gather3A_99, %get3A_453 : vector<16xf32>
      %add3A_455 = arith.addf %mul3A_450, %mul3A_454 : vector<16xf32>
      %swap3A_456 = arith.index_cast %scan3A_83 : i32 to index
      %swap3A_457 = arith.constant 464 : index
      %swap3A_458 = tpu.vector_load %arg10[%swap3A_456, %swap3A_457] {strides = array<i32>} : memref<64x768xf32, #tpu.memory_space<vmem>>, vector<16xf32>,
      tpu.vector_store %arg10[%swap3A_456, %swap3A_457], %add3A_455 {strides = array<i32>} : memref<64x768xf32, #tpu.memory_space<vmem>>, vector<16xf32>,
      %get3A_459 = arith.index_cast %scan3A_83 : i32 to index
      %get3A_460 = arith.constant 480 : index
      %get3A_461 = tpu.vector_load %arg10[%get3A_459, %get3A_460] {strides = array<i32>} : memref<64x768xf32, #tpu.memory_space<vmem>>, vector<16xf32>,
      %mul3A_462 = arith.mulf %gather3A_89, %get3A_461 : vector<16xf32>
      %get3A_463 = arith.index_cast %scan3A_83 : i32 to index
      %get3A_464 = arith.constant 480 : index
      %get3A_465 = tpu.vector_load %arg11[%get3A_463, %get3A_464] {strides = array<i32>} : memref<64x768xf32, #tpu.memory_space<vmem>>, vector<16xf32>,
      %mul3A_466 = arith.mulf %gather3A_99, %get3A_465 : vector<16xf32>
      %add3A_467 = arith.addf %mul3A_462, %mul3A_466 : vector<16xf32>
      %swap3A_468 = arith.index_cast %scan3A_83 : i32 to index
      %swap3A_469 = arith.constant 480 : index
      %swap3A_470 = tpu.vector_load %arg10[%swap3A_468, %swap3A_469] {strides = array<i32>} : memref<64x768xf32, #tpu.memory_space<vmem>>, vector<16xf32>,
      tpu.vector_store %arg10[%swap3A_468, %swap3A_469], %add3A_467 {strides = array<i32>} : memref<64x768xf32, #tpu.memory_space<vmem>>, vector<16xf32>,
      %get3A_471 = arith.index_cast %scan3A_83 : i32 to index
      %get3A_472 = arith.constant 496 : index
      %get3A_473 = tpu.vector_load %arg10[%get3A_471, %get3A_472] {strides = array<i32>} : memref<64x768xf32, #tpu.memory_space<vmem>>, vector<16xf32>,
      %mul3A_474 = arith.mulf %gather3A_89, %get3A_473 : vector<16xf32>
      %get3A_475 = arith.index_cast %scan3A_83 : i32 to index
      %get3A_476 = arith.constant 496 : index
      %get3A_477 = tpu.vector_load %arg11[%get3A_475, %get3A_476] {strides = array<i32>} : memref<64x768xf32, #tpu.memory_space<vmem>>, vector<16xf32>,
      %mul3A_478 = arith.mulf %gather3A_99, %get3A_477 : vector<16xf32>
      %add3A_479 = arith.addf %mul3A_474, %mul3A_478 : vector<16xf32>
      %swap3A_480 = arith.index_cast %scan3A_83 : i32 to index
      %swap3A_481 = arith.constant 496 : index
      %swap3A_482 = tpu.vector_load %arg10[%swap3A_480, %swap3A_481] {strides = array<i32>} : memref<64x768xf32, #tpu.memory_space<vmem>>, vector<16xf32>,
      tpu.vector_store %arg10[%swap3A_480, %swap3A_481], %add3A_479 {strides = array<i32>} : memref<64x768xf32, #tpu.memory_space<vmem>>, vector<16xf32>,
      %get3A_483 = arith.index_cast %scan3A_83 : i32 to index
      %get3A_484 = arith.constant 512 : index
      %get3A_485 = tpu.vector_load %arg10[%get3A_483, %get3A_484] {strides = array<i32>} : memref<64x768xf32, #tpu.memory_space<vmem>>, vector<16xf32>,
      %mul3A_486 = arith.mulf %gather3A_89, %get3A_485 : vector<16xf32>
      %get3A_487 = arith.index_cast %scan3A_83 : i32 to index
      %get3A_488 = arith.constant 512 : index
      %get3A_489 = tpu.vector_load %arg11[%get3A_487, %get3A_488] {strides = array<i32>} : memref<64x768xf32, #tpu.memory_space<vmem>>, vector<16xf32>,
      %mul3A_490 = arith.mulf %gather3A_99, %get3A_489 : vector<16xf32>
      %add3A_491 = arith.addf %mul3A_486, %mul3A_490 : vector<16xf32>
      %swap3A_492 = arith.index_cast %scan3A_83 : i32 to index
      %swap3A_493 = arith.constant 512 : index
      %swap3A_494 = tpu.vector_load %arg10[%swap3A_492, %swap3A_493] {strides = array<i32>} : memref<64x768xf32, #tpu.memory_space<vmem>>, vector<16xf32>,
      tpu.vector_store %arg10[%swap3A_492, %swap3A_493], %add3A_491 {strides = array<i32>} : memref<64x768xf32, #tpu.memory_space<vmem>>, vector<16xf32>,
      %get3A_495 = arith.index_cast %scan3A_83 : i32 to index
      %get3A_496 = arith.constant 528 : index
      %get3A_497 = tpu.vector_load %arg10[%get3A_495, %get3A_496] {strides = array<i32>} : memref<64x768xf32, #tpu.memory_space<vmem>>, vector<16xf32>,
      %mul3A_498 = arith.mulf %gather3A_89, %get3A_497 : vector<16xf32>
      %get3A_499 = arith.index_cast %scan3A_83 : i32 to index
      %get3A_500 = arith.constant 528 : index
      %get3A_501 = tpu.vector_load %arg11[%get3A_499, %get3A_500] {strides = array<i32>} : memref<64x768xf32, #tpu.memory_space<vmem>>, vector<16xf32>,
      %mul3A_502 = arith.mulf %gather3A_99, %get3A_501 : vector<16xf32>
      %add3A_503 = arith.addf %mul3A_498, %mul3A_502 : vector<16xf32>
      %swap3A_504 = arith.index_cast %scan3A_83 : i32 to index
      %swap3A_505 = arith.constant 528 : index
      %swap3A_506 = tpu.vector_load %arg10[%swap3A_504, %swap3A_505] {strides = array<i32>} : memref<64x768xf32, #tpu.memory_space<vmem>>, vector<16xf32>,
      tpu.vector_store %arg10[%swap3A_504, %swap3A_505], %add3A_503 {strides = array<i32>} : memref<64x768xf32, #tpu.memory_space<vmem>>, vector<16xf32>,
      %get3A_507 = arith.index_cast %scan3A_83 : i32 to index
      %get3A_508 = arith.constant 544 : index
      %get3A_509 = tpu.vector_load %arg10[%get3A_507, %get3A_508] {strides = array<i32>} : memref<64x768xf32, #tpu.memory_space<vmem>>, vector<16xf32>,
      %mul3A_510 = arith.mulf %gather3A_89, %get3A_509 : vector<16xf32>
      %get3A_511 = arith.index_cast %scan3A_83 : i32 to index
      %get3A_512 = arith.constant 544 : index
      %get3A_513 = tpu.vector_load %arg11[%get3A_511, %get3A_512] {strides = array<i32>} : memref<64x768xf32, #tpu.memory_space<vmem>>, vector<16xf32>,
      %mul3A_514 = arith.mulf %gather3A_99, %get3A_513 : vector<16xf32>
      %add3A_515 = arith.addf %mul3A_510, %mul3A_514 : vector<16xf32>
      %swap3A_516 = arith.index_cast %scan3A_83 : i32 to index
      %swap3A_517 = arith.constant 544 : index
      %swap3A_518 = tpu.vector_load %arg10[%swap3A_516, %swap3A_517] {strides = array<i32>} : memref<64x768xf32, #tpu.memory_space<vmem>>, vector<16xf32>,
      tpu.vector_store %arg10[%swap3A_516, %swap3A_517], %add3A_515 {strides = array<i32>} : memref<64x768xf32, #tpu.memory_space<vmem>>, vector<16xf32>,
      %get3A_519 = arith.index_cast %scan3A_83 : i32 to index
      %get3A_520 = arith.constant 560 : index
      %get3A_521 = tpu.vector_load %arg10[%get3A_519, %get3A_520] {strides = array<i32>} : memref<64x768xf32, #tpu.memory_space<vmem>>, vector<16xf32>,
      %mul3A_522 = arith.mulf %gather3A_89, %get3A_521 : vector<16xf32>
      %get3A_523 = arith.index_cast %scan3A_83 : i32 to index
      %get3A_524 = arith.constant 560 : index
      %get3A_525 = tpu.vector_load %arg11[%get3A_523, %get3A_524] {strides = array<i32>} : memref<64x768xf32, #tpu.memory_space<vmem>>, vector<16xf32>,
      %mul3A_526 = arith.mulf %gather3A_99, %get3A_525 : vector<16xf32>
      %add3A_527 = arith.addf %mul3A_522, %mul3A_526 : vector<16xf32>
      %swap3A_528 = arith.index_cast %scan3A_83 : i32 to index
      %swap3A_529 = arith.constant 560 : index
      %swap3A_530 = tpu.vector_load %arg10[%swap3A_528, %swap3A_529] {strides = array<i32>} : memref<64x768xf32, #tpu.memory_space<vmem>>, vector<16xf32>,
      tpu.vector_store %arg10[%swap3A_528, %swap3A_529], %add3A_527 {strides = array<i32>} : memref<64x768xf32, #tpu.memory_space<vmem>>, vector<16xf32>,
      %get3A_531 = arith.index_cast %scan3A_83 : i32 to index
      %get3A_532 = arith.constant 576 : index
      %get3A_533 = tpu.vector_load %arg10[%get3A_531, %get3A_532] {strides = array<i32>} : memref<64x768xf32, #tpu.memory_space<vmem>>, vector<16xf32>,
      %mul3A_534 = arith.mulf %gather3A_89, %get3A_533 : vector<16xf32>
      %get3A_535 = arith.index_cast %scan3A_83 : i32 to index
      %get3A_536 = arith.constant 576 : index
      %get3A_537 = tpu.vector_load %arg11[%get3A_535, %get3A_536] {strides = array<i32>} : memref<64x768xf32, #tpu.memory_space<vmem>>, vector<16xf32>,
      %mul3A_538 = arith.mulf %gather3A_99, %get3A_537 : vector<16xf32>
      %add3A_539 = arith.addf %mul3A_534, %mul3A_538 : vector<16xf32>
      %swap3A_540 = arith.index_cast %scan3A_83 : i32 to index
      %swap3A_541 = arith.constant 576 : index
      %swap3A_542 = tpu.vector_load %arg10[%swap3A_540, %swap3A_541] {strides = array<i32>} : memref<64x768xf32, #tpu.memory_space<vmem>>, vector<16xf32>,
      tpu.vector_store %arg10[%swap3A_540, %swap3A_541], %add3A_539 {strides = array<i32>} : memref<64x768xf32, #tpu.memory_space<vmem>>, vector<16xf32>,
      %get3A_543 = arith.index_cast %scan3A_83 : i32 to index
      %get3A_544 = arith.constant 592 : index
      %get3A_545 = tpu.vector_load %arg10[%get3A_543, %get3A_544] {strides = array<i32>} : memref<64x768xf32, #tpu.memory_space<vmem>>, vector<16xf32>,
      %mul3A_546 = arith.mulf %gather3A_89, %get3A_545 : vector<16xf32>
      %get3A_547 = arith.index_cast %scan3A_83 : i32 to index
      %get3A_548 = arith.constant 592 : index
      %get3A_549 = tpu.vector_load %arg11[%get3A_547, %get3A_548] {strides = array<i32>} : memref<64x768xf32, #tpu.memory_space<vmem>>, vector<16xf32>,
      %mul3A_550 = arith.mulf %gather3A_99, %get3A_549 : vector<16xf32>
      %add3A_551 = arith.addf %mul3A_546, %mul3A_550 : vector<16xf32>
      %swap3A_552 = arith.index_cast %scan3A_83 : i32 to index
      %swap3A_553 = arith.constant 592 : index
      %swap3A_554 = tpu.vector_load %arg10[%swap3A_552, %swap3A_553] {strides = array<i32>} : memref<64x768xf32, #tpu.memory_space<vmem>>, vector<16xf32>,
      tpu.vector_store %arg10[%swap3A_552, %swap3A_553], %add3A_551 {strides = array<i32>} : memref<64x768xf32, #tpu.memory_space<vmem>>, vector<16xf32>,
      %get3A_555 = arith.index_cast %scan3A_83 : i32 to index
      %get3A_556 = arith.constant 608 : index
      %get3A_557 = tpu.vector_load %arg10[%get3A_555, %get3A_556] {strides = array<i32>} : memref<64x768xf32, #tpu.memory_space<vmem>>, vector<16xf32>,
      %mul3A_558 = arith.mulf %gather3A_89, %get3A_557 : vector<16xf32>
      %get3A_559 = arith.index_cast %scan3A_83 : i32 to index
      %get3A_560 = arith.constant 608 : index
      %get3A_561 = tpu.vector_load %arg11[%get3A_559, %get3A_560] {strides = array<i32>} : memref<64x768xf32, #tpu.memory_space<vmem>>, vector<16xf32>,
      %mul3A_562 = arith.mulf %gather3A_99, %get3A_561 : vector<16xf32>
      %add3A_563 = arith.addf %mul3A_558, %mul3A_562 : vector<16xf32>
      %swap3A_564 = arith.index_cast %scan3A_83 : i32 to index
      %swap3A_565 = arith.constant 608 : index
      %swap3A_566 = tpu.vector_load %arg10[%swap3A_564, %swap3A_565] {strides = array<i32>} : memref<64x768xf32, #tpu.memory_space<vmem>>, vector<16xf32>,
      tpu.vector_store %arg10[%swap3A_564, %swap3A_565], %add3A_563 {strides = array<i32>} : memref<64x768xf32, #tpu.memory_space<vmem>>, vector<16xf32>,
      %get3A_567 = arith.index_cast %scan3A_83 : i32 to index
      %get3A_568 = arith.constant 624 : index
      %get3A_569 = tpu.vector_load %arg10[%get3A_567, %get3A_568] {strides = array<i32>} : memref<64x768xf32, #tpu.memory_space<vmem>>, vector<16xf32>,
      %mul3A_570 = arith.mulf %gather3A_89, %get3A_569 : vector<16xf32>
      %get3A_571 = arith.index_cast %scan3A_83 : i32 to index
      %get3A_572 = arith.constant 624 : index
      %get3A_573 = tpu.vector_load %arg11[%get3A_571, %get3A_572] {strides = array<i32>} : memref<64x768xf32, #tpu.memory_space<vmem>>, vector<16xf32>,
      %mul3A_574 = arith.mulf %gather3A_99, %get3A_573 : vector<16xf32>
      %add3A_575 = arith.addf %mul3A_570, %mul3A_574 : vector<16xf32>
      %swap3A_576 = arith.index_cast %scan3A_83 : i32 to index
      %swap3A_577 = arith.constant 624 : index
      %swap3A_578 = tpu.vector_load %arg10[%swap3A_576, %swap3A_577] {strides = array<i32>} : memref<64x768xf32, #tpu.memory_space<vmem>>, vector<16xf32>,
      tpu.vector_store %arg10[%swap3A_576, %swap3A_577], %add3A_575 {strides = array<i32>} : memref<64x768xf32, #tpu.memory_space<vmem>>, vector<16xf32>,
      %get3A_579 = arith.index_cast %scan3A_83 : i32 to index
      %get3A_580 = arith.constant 640 : index
      %get3A_581 = tpu.vector_load %arg10[%get3A_579, %get3A_580] {strides = array<i32>} : memref<64x768xf32, #tpu.memory_space<vmem>>, vector<16xf32>,
      %mul3A_582 = arith.mulf %gather3A_89, %get3A_581 : vector<16xf32>
      %get3A_583 = arith.index_cast %scan3A_83 : i32 to index
      %get3A_584 = arith.constant 640 : index
      %get3A_585 = tpu.vector_load %arg11[%get3A_583, %get3A_584] {strides = array<i32>} : memref<64x768xf32, #tpu.memory_space<vmem>>, vector<16xf32>,
      %mul3A_586 = arith.mulf %gather3A_99, %get3A_585 : vector<16xf32>
      %add3A_587 = arith.addf %mul3A_582, %mul3A_586 : vector<16xf32>
      %swap3A_588 = arith.index_cast %scan3A_83 : i32 to index
      %swap3A_589 = arith.constant 640 : index
      %swap3A_590 = tpu.vector_load %arg10[%swap3A_588, %swap3A_589] {strides = array<i32>} : memref<64x768xf32, #tpu.memory_space<vmem>>, vector<16xf32>,
      tpu.vector_store %arg10[%swap3A_588, %swap3A_589], %add3A_587 {strides = array<i32>} : memref<64x768xf32, #tpu.memory_space<vmem>>, vector<16xf32>,
      %get3A_591 = arith.index_cast %scan3A_83 : i32 to index
      %get3A_592 = arith.constant 656 : index
      %get3A_593 = tpu.vector_load %arg10[%get3A_591, %get3A_592] {strides = array<i32>} : memref<64x768xf32, #tpu.memory_space<vmem>>, vector<16xf32>,
      %mul3A_594 = arith.mulf %gather3A_89, %get3A_593 : vector<16xf32>
      %get3A_595 = arith.index_cast %scan3A_83 : i32 to index
      %get3A_596 = arith.constant 656 : index
      %get3A_597 = tpu.vector_load %arg11[%get3A_595, %get3A_596] {strides = array<i32>} : memref<64x768xf32, #tpu.memory_space<vmem>>, vector<16xf32>,
      %mul3A_598 = arith.mulf %gather3A_99, %get3A_597 : vector<16xf32>
      %add3A_599 = arith.addf %mul3A_594, %mul3A_598 : vector<16xf32>
      %swap3A_600 = arith.index_cast %scan3A_83 : i32 to index
      %swap3A_601 = arith.constant 656 : index
      %swap3A_602 = tpu.vector_load %arg10[%swap3A_600, %swap3A_601] {strides = array<i32>} : memref<64x768xf32, #tpu.memory_space<vmem>>, vector<16xf32>,
      tpu.vector_store %arg10[%swap3A_600, %swap3A_601], %add3A_599 {strides = array<i32>} : memref<64x768xf32, #tpu.memory_space<vmem>>, vector<16xf32>,
      %get3A_603 = arith.index_cast %scan3A_83 : i32 to index
      %get3A_604 = arith.constant 672 : index
      %get3A_605 = tpu.vector_load %arg10[%get3A_603, %get3A_604] {strides = array<i32>} : memref<64x768xf32, #tpu.memory_space<vmem>>, vector<16xf32>,
      %mul3A_606 = arith.mulf %gather3A_89, %get3A_605 : vector<16xf32>
      %get3A_607 = arith.index_cast %scan3A_83 : i32 to index
      %get3A_608 = arith.constant 672 : index
      %get3A_609 = tpu.vector_load %arg11[%get3A_607, %get3A_608] {strides = array<i32>} : memref<64x768xf32, #tpu.memory_space<vmem>>, vector<16xf32>,
      %mul3A_610 = arith.mulf %gather3A_99, %get3A_609 : vector<16xf32>
      %add3A_611 = arith.addf %mul3A_606, %mul3A_610 : vector<16xf32>
      %swap3A_612 = arith.index_cast %scan3A_83 : i32 to index
      %swap3A_613 = arith.constant 672 : index
      %swap3A_614 = tpu.vector_load %arg10[%swap3A_612, %swap3A_613] {strides = array<i32>} : memref<64x768xf32, #tpu.memory_space<vmem>>, vector<16xf32>,
      tpu.vector_store %arg10[%swap3A_612, %swap3A_613], %add3A_611 {strides = array<i32>} : memref<64x768xf32, #tpu.memory_space<vmem>>, vector<16xf32>,
      %get3A_615 = arith.index_cast %scan3A_83 : i32 to index
      %get3A_616 = arith.constant 688 : index
      %get3A_617 = tpu.vector_load %arg10[%get3A_615, %get3A_616] {strides = array<i32>} : memref<64x768xf32, #tpu.memory_space<vmem>>, vector<16xf32>,
      %mul3A_618 = arith.mulf %gather3A_89, %get3A_617 : vector<16xf32>
      %get3A_619 = arith.index_cast %scan3A_83 : i32 to index
      %get3A_620 = arith.constant 688 : index
      %get3A_621 = tpu.vector_load %arg11[%get3A_619, %get3A_620] {strides = array<i32>} : memref<64x768xf32, #tpu.memory_space<vmem>>, vector<16xf32>,
      %mul3A_622 = arith.mulf %gather3A_99, %get3A_621 : vector<16xf32>
      %add3A_623 = arith.addf %mul3A_618, %mul3A_622 : vector<16xf32>
      %swap3A_624 = arith.index_cast %scan3A_83 : i32 to index
      %swap3A_625 = arith.constant 688 : index
      %swap3A_626 = tpu.vector_load %arg10[%swap3A_624, %swap3A_625] {strides = array<i32>} : memref<64x768xf32, #tpu.memory_space<vmem>>, vector<16xf32>,
      tpu.vector_store %arg10[%swap3A_624, %swap3A_625], %add3A_623 {strides = array<i32>} : memref<64x768xf32, #tpu.memory_space<vmem>>, vector<16xf32>,
      %get3A_627 = arith.index_cast %scan3A_83 : i32 to index
      %get3A_628 = arith.constant 704 : index
      %get3A_629 = tpu.vector_load %arg10[%get3A_627, %get3A_628] {strides = array<i32>} : memref<64x768xf32, #tpu.memory_space<vmem>>, vector<16xf32>,
      %mul3A_630 = arith.mulf %gather3A_89, %get3A_629 : vector<16xf32>
      %get3A_631 = arith.index_cast %scan3A_83 : i32 to index
      %get3A_632 = arith.constant 704 : index
      %get3A_633 = tpu.vector_load %arg11[%get3A_631, %get3A_632] {strides = array<i32>} : memref<64x768xf32, #tpu.memory_space<vmem>>, vector<16xf32>,
      %mul3A_634 = arith.mulf %gather3A_99, %get3A_633 : vector<16xf32>
      %add3A_635 = arith.addf %mul3A_630, %mul3A_634 : vector<16xf32>
      %swap3A_636 = arith.index_cast %scan3A_83 : i32 to index
      %swap3A_637 = arith.constant 704 : index
      %swap3A_638 = tpu.vector_load %arg10[%swap3A_636, %swap3A_637] {strides = array<i32>} : memref<64x768xf32, #tpu.memory_space<vmem>>, vector<16xf32>,
      tpu.vector_store %arg10[%swap3A_636, %swap3A_637], %add3A_635 {strides = array<i32>} : memref<64x768xf32, #tpu.memory_space<vmem>>, vector<16xf32>,
      %get3A_639 = arith.index_cast %scan3A_83 : i32 to index
      %get3A_640 = arith.constant 720 : index
      %get3A_641 = tpu.vector_load %arg10[%get3A_639, %get3A_640] {strides = array<i32>} : memref<64x768xf32, #tpu.memory_space<vmem>>, vector<16xf32>,
      %mul3A_642 = arith.mulf %gather3A_89, %get3A_641 : vector<16xf32>
      %get3A_643 = arith.index_cast %scan3A_83 : i32 to index
      %get3A_644 = arith.constant 720 : index
      %get3A_645 = tpu.vector_load %arg11[%get3A_643, %get3A_644] {strides = array<i32>} : memref<64x768xf32, #tpu.memory_space<vmem>>, vector<16xf32>,
      %mul3A_646 = arith.mulf %gather3A_99, %get3A_645 : vector<16xf32>
      %add3A_647 = arith.addf %mul3A_642, %mul3A_646 : vector<16xf32>
      %swap3A_648 = arith.index_cast %scan3A_83 : i32 to index
      %swap3A_649 = arith.constant 720 : index
      %swap3A_650 = tpu.vector_load %arg10[%swap3A_648, %swap3A_649] {strides = array<i32>} : memref<64x768xf32, #tpu.memory_space<vmem>>, vector<16xf32>,
      tpu.vector_store %arg10[%swap3A_648, %swap3A_649], %add3A_647 {strides = array<i32>} : memref<64x768xf32, #tpu.memory_space<vmem>>, vector<16xf32>,
      %get3A_651 = arith.index_cast %scan3A_83 : i32 to index
      %get3A_652 = arith.constant 736 : index
      %get3A_653 = tpu.vector_load %arg10[%get3A_651, %get3A_652] {strides = array<i32>} : memref<64x768xf32, #tpu.memory_space<vmem>>, vector<16xf32>,
      %mul3A_654 = arith.mulf %gather3A_89, %get3A_653 : vector<16xf32>
      %get3A_655 = arith.index_cast %scan3A_83 : i32 to index
      %get3A_656 = arith.constant 736 : index
      %get3A_657 = tpu.vector_load %arg11[%get3A_655, %get3A_656] {strides = array<i32>} : memref<64x768xf32, #tpu.memory_space<vmem>>, vector<16xf32>,
      %mul3A_658 = arith.mulf %gather3A_99, %get3A_657 : vector<16xf32>
      %add3A_659 = arith.addf %mul3A_654, %mul3A_658 : vector<16xf32>
      %swap3A_660 = arith.index_cast %scan3A_83 : i32 to index
      %swap3A_661 = arith.constant 736 : index
      %swap3A_662 = tpu.vector_load %arg10[%swap3A_660, %swap3A_661] {strides = array<i32>} : memref<64x768xf32, #tpu.memory_space<vmem>>, vector<16xf32>,
      tpu.vector_store %arg10[%swap3A_660, %swap3A_661], %add3A_659 {strides = array<i32>} : memref<64x768xf32, #tpu.memory_space<vmem>>, vector<16xf32>,
      %get3A_663 = arith.index_cast %scan3A_83 : i32 to index
      %get3A_664 = arith.constant 752 : index
      %get3A_665 = tpu.vector_load %arg10[%get3A_663, %get3A_664] {strides = array<i32>} : memref<64x768xf32, #tpu.memory_space<vmem>>, vector<16xf32>,
      %mul3A_666 = arith.mulf %gather3A_89, %get3A_665 : vector<16xf32>
      %get3A_667 = arith.index_cast %scan3A_83 : i32 to index
      %get3A_668 = arith.constant 752 : index
      %get3A_669 = tpu.vector_load %arg11[%get3A_667, %get3A_668] {strides = array<i32>} : memref<64x768xf32, #tpu.memory_space<vmem>>, vector<16xf32>,
      %mul3A_670 = arith.mulf %gather3A_99, %get3A_669 : vector<16xf32>
      %add3A_671 = arith.addf %mul3A_666, %mul3A_670 : vector<16xf32>
      %swap3A_672 = arith.index_cast %scan3A_83 : i32 to index
      %swap3A_673 = arith.constant 752 : index
      %swap3A_674 = tpu.vector_load %arg10[%swap3A_672, %swap3A_673] {strides = array<i32>} : memref<64x768xf32, #tpu.memory_space<vmem>>, vector<16xf32>,
      tpu.vector_store %arg10[%swap3A_672, %swap3A_673], %add3A_671 {strides = array<i32>} : memref<64x768xf32, #tpu.memory_space<vmem>>, vector<16xf32>,
    }
    %scan3A_82 = arith.constant 64 : i32
    "tpu.region"() ({
      %run_scoped3A = tpu.sem_alloc : memref<!tpu.dma_semaphore, #tpu.memory_space<semaphore_mem>>
      %dma_start3A_83 = arith.constant 0 : i32
      %dma_start3A_84 = tpu.memref_slice %arg5[%mul3A_2, %dma_start3A_83] : memref<2048x768xf32, #tpu.memory_space<hbm>> -> memref<64x768xf32, #tpu.memory_space<hbm>>
      %dma_start3A_85 = arith.constant 0 : i32
      %dma_start3A_86 = tpu.memref_slice %arg5[%mul3A_2, %dma_start3A_85] : memref<2048x768xf32, #tpu.memory_space<hbm>> -> memref<64x768xf32, #tpu.memory_space<hbm>>
      tpu.enqueue_dma source(%arg10 : memref<64x768xf32, #tpu.memory_space<vmem>>) target(%dma_start3A_86 : memref<64x768xf32, #tpu.memory_space<hbm>>) target_semaphore(%run_scoped3A : memref<!tpu.dma_semaphore, #tpu.memory_space<semaphore_mem>>)
      %dma_wait3A_87 = arith.constant 0 : i32
      %dma_wait3A_88 = tpu.memref_slice %arg5[%mul3A_2, %dma_wait3A_87] : memref<2048x768xf32, #tpu.memory_space<hbm>> -> memref<64x768xf32, #tpu.memory_space<hbm>>
      %dma_wait3A_89 = arith.constant 0 : i32
      %dma_wait3A_90 = tpu.memref_slice %arg5[%mul3A_2, %dma_wait3A_89] : memref<2048x768xf32, #tpu.memory_space<hbm>> -> memref<64x768xf32, #tpu.memory_space<hbm>>
      tpu.wait_dma2 semaphore(%run_scoped3A : memref<!tpu.dma_semaphore, #tpu.memory_space<semaphore_mem>>) src(%arg10 : memref<64x768xf32, #tpu.memory_space<vmem>>) dst(%dma_wait3A_90 : memref<64x768xf32, #tpu.memory_space<hbm>>)
      tpu.yield
    }) : () -> ()
    return
  }
}

module attributes {stable_mosaic.version = 14 : i64} {
  func.func @_router_body(%arg0: memref<2048x768xf32, #tpu.memory_space<vmem>>, %arg1: memref<8x768xf32, #tpu.memory_space<vmem>>, %arg2: memref<2048x2xi32, #tpu.memory_space<vmem>>, %arg3: memref<2048x2xf32, #tpu.memory_space<vmem>>, %arg4: memref<1x40xi32, #tpu.memory_space<vmem>>, %arg5: memref<1x40xi32, #tpu.memory_space<vmem>>, %arg6: memref<1x40xi32, #tpu.memory_space<vmem>>, %arg7: memref<1x1xf32, #tpu.memory_space<vmem>>) attributes {dimension_semantics = [], scalar_prefetch = 0 : i64, scratch_operands = 0 : i64, tpu.core_type = #tpu.core_type<tc>} {
    %get3A = arith.constant 0 : index
    %get3A_0 = arith.constant 0 : index
    %get3A_1 = vector.load %arg0[%get3A, %get3A_0] : memref<2048x768xf32, #tpu.memory_space<vmem>>, vector<2048x768xf32>
    %get3A_2 = arith.constant 0 : index
    %get3A_3 = arith.constant 0 : index
    %get3A_4 = vector.load %arg1[%get3A_2, %get3A_3] : memref<8x768xf32, #tpu.memory_space<vmem>>, vector<8x768xf32>
    %dot_general3A = arith.constant dense<0.000000e+00> : vector<2048x8xf32>
    %dot_general3A_5 = tpu.matmul %get3A_1, %get3A_4, %dot_general3A {dimension_numbers = #tpu.dot_dimension_numbers<[1], [1], [0], [0], [0, 0, 1, 0], [], []>, transpose_lhs_hint = false} : vector<2048x768xf32>, vector<8x768xf32>, vector<2048x8xf32> -> vector<2048x8xf32>
    %reduce_max3A = arith.constant dense<0xFF800000> : vector<2048xf32>
    %reduce_max3A_6 = vector.multi_reduction <maximumf>, %dot_general3A_5, %reduce_max3A [1] : vector<2048x8xf32> to vector<2048xf32>
    %broadcast_in_dim3A = vector.shape_cast %reduce_max3A_6 : vector<2048xf32> to vector<2048x1xf32>
    %sub3A = vector.broadcast %broadcast_in_dim3A : vector<2048x1xf32> to vector<2048x8xf32>
    %sub3A_7 = arith.subf %dot_general3A_5, %sub3A : vector<2048x8xf32>
    %exp3A = math.exp %sub3A_7 : vector<2048x8xf32>
    %reduce_sum3A = arith.constant dense<0.000000e+00> : vector<2048xf32>
    %reduce_sum3A_8 = vector.multi_reduction <add>, %exp3A, %reduce_sum3A [1] : vector<2048x8xf32> to vector<2048xf32>
    %broadcast_in_dim3A_9 = vector.shape_cast %reduce_sum3A_8 : vector<2048xf32> to vector<2048x1xf32>
    %div3A = vector.broadcast %broadcast_in_dim3A_9 : vector<2048x1xf32> to vector<2048x8xf32>
    %div3A_10 = arith.divf %exp3A, %div3A : vector<2048x8xf32>
    %log3A = math.log %broadcast_in_dim3A_9 : vector<2048x1xf32>
    %add3A = arith.addf %log3A, %broadcast_in_dim3A : vector<2048x1xf32>
    %iota3A = tpu.iota {dimensions = array<i32: 1>} : vector<2048x8xi32>
    %reduce_max3A_11 = arith.constant dense<0xFF800000> : vector<2048xf32>
    %reduce_max3A_12 = vector.multi_reduction <maximumf>, %div3A_10, %reduce_max3A_11 [1] : vector<2048x8xf32> to vector<2048xf32>
    %broadcast_in_dim3A_13 = vector.shape_cast %reduce_max3A_12 : vector<2048xf32> to vector<2048x1xf32>
    %eq3A = vector.broadcast %broadcast_in_dim3A_13 : vector<2048x1xf32> to vector<2048x8xf32>
    %eq3A_14 = arith.cmpf oeq, %div3A_10, %eq3A : vector<2048x8xf32>
    %jit3A = arith.constant 8 : i32
    %broadcast_in_dim3A_15 = vector.broadcast %jit3A : i32 to vector<2048x8xi32>
    %select_n3A = arith.select %eq3A_14, %iota3A, %broadcast_in_dim3A_15 : vector<2048x8xi1>, vector<2048x8xi32>
    %reduce_min3A = arith.constant dense<2147483647> : vector<2048xi32>
    %reduce_min3A_16 = vector.multi_reduction <minsi>, %select_n3A, %reduce_min3A [1] : vector<2048x8xi32> to vector<2048xi32>
    %broadcast_in_dim3A_17 = vector.shape_cast %reduce_min3A_16 : vector<2048xi32> to vector<2048x1xi32>
    %eq3A_18 = vector.broadcast %broadcast_in_dim3A_17 : vector<2048x1xi32> to vector<2048x8xi32>
    %eq3A_19 = arith.cmpi eq, %iota3A, %eq3A_18 : vector<2048x8xi32>
    %jit3A_20 = arith.constant 0xFF800000 : f32
    %broadcast_in_dim3A_21 = vector.broadcast %jit3A_20 : f32 to vector<2048x8xf32>
    %select_n3A_22 = arith.select %eq3A_19, %broadcast_in_dim3A_21, %div3A_10 : vector<2048x8xi1>, vector<2048x8xf32>
    %reduce_max3A_23 = arith.constant dense<0xFF800000> : vector<2048xf32>
    %reduce_max3A_24 = vector.multi_reduction <maximumf>, %select_n3A_22, %reduce_max3A_23 [1] : vector<2048x8xf32> to vector<2048xf32>
    %broadcast_in_dim3A_25 = vector.shape_cast %reduce_max3A_24 : vector<2048xf32> to vector<2048x1xf32>
    %eq3A_26 = vector.broadcast %broadcast_in_dim3A_25 : vector<2048x1xf32> to vector<2048x8xf32>
    %eq3A_27 = arith.cmpf oeq, %select_n3A_22, %eq3A_26 : vector<2048x8xf32>
    %jit3A_28 = arith.constant 8 : i32
    %broadcast_in_dim3A_29 = vector.broadcast %jit3A_28 : i32 to vector<2048x8xi32>
    %select_n3A_30 = arith.select %eq3A_27, %iota3A, %broadcast_in_dim3A_29 : vector<2048x8xi1>, vector<2048x8xi32>
    %reduce_min3A_31 = arith.constant dense<2147483647> : vector<2048xi32>
    %reduce_min3A_32 = vector.multi_reduction <minsi>, %select_n3A_30, %reduce_min3A_31 [1] : vector<2048x8xi32> to vector<2048xi32>
    %broadcast_in_dim3A_33 = vector.shape_cast %reduce_min3A_32 : vector<2048xi32> to vector<2048x1xi32>
    %eq3A_34 = vector.broadcast %broadcast_in_dim3A_33 : vector<2048x1xi32> to vector<2048x8xi32>
    %eq3A_35 = arith.cmpi eq, %iota3A, %eq3A_34 : vector<2048x8xi32>
    %add3A_36 = arith.addf %broadcast_in_dim3A_13, %broadcast_in_dim3A_25 : vector<2048x1xf32>
    %add3A_37 = arith.constant 9.99999993E-9 : f32
    %add3A_38 = vector.broadcast %add3A_37 : f32 to vector<2048x1xf32>
    %add3A_39 = arith.addf %add3A_36, %add3A_38 : vector<2048x1xf32>
    %div3A_40 = arith.divf %broadcast_in_dim3A_13, %add3A_39 : vector<2048x1xf32>
    %div3A_41 = arith.divf %broadcast_in_dim3A_25, %add3A_39 : vector<2048x1xf32>
    %convert_element_type3A = arith.extui %eq3A_19 : vector<2048x8xi1> to vector<2048x8xi32>
    %convert_element_type3A_42 = arith.sitofp %convert_element_type3A : vector<2048x8xi32> to vector<2048x8xf32>
    %convert_element_type3A_43 = arith.extui %eq3A_35 : vector<2048x8xi1> to vector<2048x8xi32>
    %convert_element_type3A_44 = arith.sitofp %convert_element_type3A_43 : vector<2048x8xi32> to vector<2048x8xf32>
    %reduce_sum3A_45 = arith.constant dense<0.000000e+00> : vector<8xf32>
    %reduce_sum3A_46 = vector.multi_reduction <add>, %convert_element_type3A_42, %reduce_sum3A_45 [0] : vector<2048x8xf32> to vector<8xf32>
    %broadcast_in_dim3A_47 = vector.shape_cast %reduce_sum3A_46 : vector<8xf32> to vector<1x8xf32>
    %reduce_sum3A_48 = arith.constant dense<0.000000e+00> : vector<8xf32>
    %reduce_sum3A_49 = vector.multi_reduction <add>, %convert_element_type3A_44, %reduce_sum3A_48 [0] : vector<2048x8xf32> to vector<8xf32>
    %broadcast_in_dim3A_50 = vector.shape_cast %reduce_sum3A_49 : vector<8xf32> to vector<1x8xf32>
    %add3A_51 = arith.addf %broadcast_in_dim3A_47, %broadcast_in_dim3A_50 : vector<1x8xf32>
    %reduce_sum3A_52 = arith.constant dense<0.000000e+00> : vector<8xf32>
    %reduce_sum3A_53 = vector.multi_reduction <add>, %div3A_10, %reduce_sum3A_52 [0] : vector<2048x8xf32> to vector<8xf32>
    %broadcast_in_dim3A_54 = vector.shape_cast %reduce_sum3A_53 : vector<8xf32> to vector<1x8xf32>
    %mul3A = arith.mulf %add3A_51, %broadcast_in_dim3A_54 : vector<1x8xf32>
    %reduce_sum3A_55 = vector.shape_cast %mul3A : vector<1x8xf32> to vector<1x1x8xf32>
    %reduce_sum3A_56 = arith.constant dense<0.000000e+00> : vector<1xf32>
    %reduce_sum3A_57 = vector.multi_reduction <add>, %reduce_sum3A_55, %reduce_sum3A_56 [1, 2] : vector<1x1x8xf32> to vector<1xf32>
    %reduce_sum3A_58 = vector.shape_cast %reduce_sum3A_57 : vector<1xf32> to vector<1x1x1xf32>
    %reduce_sum3A_59 = vector.extract %reduce_sum3A_58[0, 0, 0] : f32 from vector<1x1x1xf32>
    %mul3A_60 = arith.constant 1.90734859E-8 : f32
    %mul3A_61 = arith.mulf %mul3A_60, %reduce_sum3A_59 : f32
    %mul3A_62 = arith.mulf %add3A, %add3A : vector<2048x1xf32>
    %reduce_sum3A_63 = vector.shape_cast %mul3A_62 : vector<2048x1xf32> to vector<1x2048x1xf32>
    %reduce_sum3A_64 = arith.constant dense<0.000000e+00> : vector<1xf32>
    %reduce_sum3A_65 = vector.multi_reduction <add>, %reduce_sum3A_63, %reduce_sum3A_64 [1, 2] : vector<1x2048x1xf32> to vector<1xf32>
    %reduce_sum3A_66 = vector.shape_cast %reduce_sum3A_65 : vector<1xf32> to vector<1x1x1xf32>
    %reduce_sum3A_67 = vector.extract %reduce_sum3A_66[0, 0, 0] : f32 from vector<1x1x1xf32>
    %div3A_68 = arith.constant 2.048000e+03 : f32
    %div3A_69 = arith.divf %reduce_sum3A_67, %div3A_68 : f32
    %mul3A_70 = arith.constant 1.000000e-03 : f32
    %mul3A_71 = arith.mulf %mul3A_70, %div3A_69 : f32
    %add3A_72 = arith.addf %mul3A_61, %mul3A_71 : f32
    %reshape3A = vector.broadcast %add3A_72 : f32 to vector<1x1xf32>
    %swap3A = arith.constant 0 : index
    %swap3A_73 = arith.constant 0 : index
    %swap3A_74 = vector.load %arg7[%swap3A, %swap3A_73] : memref<1x1xf32, #tpu.memory_space<vmem>>, vector<1x1xf32>
    tpu.vector_store %arg7[%swap3A, %swap3A_73], %reshape3A {strides = array<i32>} : memref<1x1xf32, #tpu.memory_space<vmem>>, vector<1x1xf32>,
    %iota3A_75 = tpu.iota {dimensions = array<i32: 0>} : vector<2048x2048xi32>
    %iota3A_76 = tpu.iota {dimensions = array<i32: 1>} : vector<2048x2048xi32>
    %lt3A = arith.cmpi slt, %iota3A_76, %iota3A_75 : vector<2048x2048xi32>
    %convert_element_type3A_77 = arith.extui %lt3A : vector<2048x2048xi1> to vector<2048x2048xi32>
    %convert_element_type3A_78 = arith.sitofp %convert_element_type3A_77 : vector<2048x2048xi32> to vector<2048x2048xf32>
    %concatenate3A = tpu.concatenate %convert_element_type3A_42, %convert_element_type3A_44 in 1 : vector<2048x8xf32>, vector<2048x8xf32> -> vector<2048x16xf32>
    %dot_general3A_79 = arith.constant dense<0.000000e+00> : vector<2048x16xf32>
    %dot_general3A_80 = tpu.matmul %convert_element_type3A_78, %concatenate3A, %dot_general3A_79 {dimension_numbers = #tpu.dot_dimension_numbers<[1], [0], [0], [1], [0, 0, 1, 1], [], []>, transpose_lhs_hint = false} : vector<2048x2048xf32>, vector<2048x16xf32>, vector<2048x16xf32> -> vector<2048x16xf32>
    %slice3A = vector.extract_strided_slice %dot_general3A_80 {offsets = [0, 0], sizes = [2048, 8], strides = [1, 1]} : vector<2048x16xf32> to vector<2048x8xf32>
    %slice3A_81 = vector.extract_strided_slice %dot_general3A_80 {offsets = [0, 8], sizes = [2048, 8], strides = [1, 1]} : vector<2048x16xf32> to vector<2048x8xf32>
    %add3A_82 = arith.constant 1.270000e+02 : f32
    %add3A_83 = vector.broadcast %add3A_82 : f32 to vector<1x8xf32>
    %add3A_84 = arith.addf %add3A_51, %add3A_83 : vector<1x8xf32>
    %div3A_85 = arith.constant 1.280000e+02 : f32
    %div3A_86 = vector.broadcast %div3A_85 : f32 to vector<1x8xf32>
    %div3A_87 = arith.divf %add3A_84, %div3A_86 : vector<1x8xf32>
    %floor3A = math.floor %div3A_87 : vector<1x8xf32>
    %mul3A_88 = arith.constant 1.280000e+02 : f32
    %mul3A_89 = vector.broadcast %mul3A_88 : f32 to vector<1x8xf32>
    %mul3A_90 = arith.mulf %floor3A, %mul3A_89 : vector<1x8xf32>
    %iota3A_91 = tpu.iota {dimensions = array<i32: 0>} : vector<8x8xi32>
    %iota3A_92 = tpu.iota {dimensions = array<i32: 1>} : vector<8x8xi32>
    %lt3A_93 = arith.cmpi slt, %iota3A_91, %iota3A_92 : vector<8x8xi32>
    %convert_element_type3A_94 = arith.extui %lt3A_93 : vector<8x8xi1> to vector<8x8xi32>
    %convert_element_type3A_95 = arith.sitofp %convert_element_type3A_94 : vector<8x8xi32> to vector<8x8xf32>
    %dot_general3A_96 = arith.constant dense<0.000000e+00> : vector<1x8xf32>
    %dot_general3A_97 = tpu.matmul %mul3A_90, %convert_element_type3A_95, %dot_general3A_96 {dimension_numbers = #tpu.dot_dimension_numbers<[1], [0], [0], [1], [0, 0, 1, 1], [], []>, transpose_lhs_hint = false} : vector<1x8xf32>, vector<8x8xf32>, vector<1x8xf32> -> vector<1x8xf32>
    %add3A_98 = arith.addf %dot_general3A_97, %mul3A_90 : vector<1x8xf32>
    %add3A_99 = vector.broadcast %dot_general3A_97 : vector<1x8xf32> to vector<2048x8xf32>
    %add3A_100 = arith.addf %add3A_99, %slice3A : vector<2048x8xf32>
    %add3A_101 = arith.addf %add3A_100, %slice3A_81 : vector<2048x8xf32>
    %mul3A_102 = arith.mulf %convert_element_type3A_42, %add3A_101 : vector<2048x8xf32>
    %reduce_sum3A_103 = arith.constant dense<0.000000e+00> : vector<2048xf32>
    %reduce_sum3A_104 = vector.multi_reduction <add>, %mul3A_102, %reduce_sum3A_103 [1] : vector<2048x8xf32> to vector<2048xf32>
    %broadcast_in_dim3A_105 = vector.shape_cast %reduce_sum3A_104 : vector<2048xf32> to vector<2048x1xf32>
    %add3A_106 = vector.broadcast %dot_general3A_97 : vector<1x8xf32> to vector<2048x8xf32>
    %add3A_107 = arith.addf %add3A_106, %slice3A : vector<2048x8xf32>
    %add3A_108 = arith.addf %add3A_107, %slice3A_81 : vector<2048x8xf32>
    %add3A_109 = arith.addf %add3A_108, %convert_element_type3A_42 : vector<2048x8xf32>
    %mul3A_110 = arith.mulf %convert_element_type3A_44, %add3A_109 : vector<2048x8xf32>
    %reduce_sum3A_111 = arith.constant dense<0.000000e+00> : vector<2048xf32>
    %reduce_sum3A_112 = vector.multi_reduction <add>, %mul3A_110, %reduce_sum3A_111 [1] : vector<2048x8xf32> to vector<2048xf32>
    %broadcast_in_dim3A_113 = vector.shape_cast %reduce_sum3A_112 : vector<2048xf32> to vector<2048x1xf32>
    %concatenate3A_114 = tpu.concatenate %broadcast_in_dim3A_105, %broadcast_in_dim3A_113 in 1 : vector<2048x1xf32>, vector<2048x1xf32> -> vector<2048x2xf32>
    %convert_element_type3A_115 = arith.fptosi %concatenate3A_114 : vector<2048x2xf32> to vector<2048x2xi32>
    %swap3A_116 = arith.constant 0 : index
    %swap3A_117 = arith.constant 0 : index
    %swap3A_118 = vector.load %arg2[%swap3A_116, %swap3A_117] : memref<2048x2xi32, #tpu.memory_space<vmem>>, vector<2048x2xi32>
    tpu.vector_store %arg2[%swap3A_116, %swap3A_117], %convert_element_type3A_115 {strides = array<i32>} : memref<2048x2xi32, #tpu.memory_space<vmem>>, vector<2048x2xi32>,
    %concatenate3A_119 = tpu.concatenate %div3A_40, %div3A_41 in 1 : vector<2048x1xf32>, vector<2048x1xf32> -> vector<2048x2xf32>
    %swap3A_120 = arith.constant 0 : index
    %swap3A_121 = arith.constant 0 : index
    %swap3A_122 = vector.load %arg3[%swap3A_120, %swap3A_121] : memref<2048x2xf32, #tpu.memory_space<vmem>>, vector<2048x2xf32>
    tpu.vector_store %arg3[%swap3A_120, %swap3A_121], %concatenate3A_119 {strides = array<i32>} : memref<2048x2xf32, #tpu.memory_space<vmem>>, vector<2048x2xf32>,
    %iota3A_123 = tpu.iota {dimensions = array<i32: 1>} : vector<1x128xi32>
    %convert_element_type3A_124 = arith.sitofp %iota3A_123 : vector<1x128xi32> to vector<1x128xf32>
    %mul3A_125 = arith.constant 1.280000e+02 : f32
    %mul3A_126 = vector.broadcast %mul3A_125 : f32 to vector<1x128xf32>
    %mul3A_127 = arith.mulf %convert_element_type3A_124, %mul3A_126 : vector<1x128xf32>
    %broadcast_in_dim3A_128 = arith.constant 0.000000e+00 : f32
    %broadcast_in_dim3A_129 = vector.broadcast %broadcast_in_dim3A_128 : f32 to vector<1x128xf32>
    %slice3A_130 = vector.extract_strided_slice %add3A_98 {offsets = [0, 0], sizes = [1, 1], strides = [1, 1]} : vector<1x8xf32> to vector<1x1xf32>
    %ge3A = vector.broadcast %slice3A_130 : vector<1x1xf32> to vector<1x128xf32>
    %ge3A_131 = arith.cmpf oge, %mul3A_127, %ge3A : vector<1x128xf32>
    %convert_element_type3A_132 = arith.extui %ge3A_131 : vector<1x128xi1> to vector<1x128xi32>
    %convert_element_type3A_133 = arith.sitofp %convert_element_type3A_132 : vector<1x128xi32> to vector<1x128xf32>
    %add3A_134 = arith.addf %broadcast_in_dim3A_129, %convert_element_type3A_133 : vector<1x128xf32>
    %slice3A_135 = vector.extract_strided_slice %add3A_98 {offsets = [0, 1], sizes = [1, 1], strides = [1, 1]} : vector<1x8xf32> to vector<1x1xf32>
    %ge3A_136 = vector.broadcast %slice3A_135 : vector<1x1xf32> to vector<1x128xf32>
    %ge3A_137 = arith.cmpf oge, %mul3A_127, %ge3A_136 : vector<1x128xf32>
    %convert_element_type3A_138 = arith.extui %ge3A_137 : vector<1x128xi1> to vector<1x128xi32>
    %convert_element_type3A_139 = arith.sitofp %convert_element_type3A_138 : vector<1x128xi32> to vector<1x128xf32>
    %add3A_140 = arith.addf %add3A_134, %convert_element_type3A_139 : vector<1x128xf32>
    %slice3A_141 = vector.extract_strided_slice %add3A_98 {offsets = [0, 2], sizes = [1, 1], strides = [1, 1]} : vector<1x8xf32> to vector<1x1xf32>
    %ge3A_142 = vector.broadcast %slice3A_141 : vector<1x1xf32> to vector<1x128xf32>
    %ge3A_143 = arith.cmpf oge, %mul3A_127, %ge3A_142 : vector<1x128xf32>
    %convert_element_type3A_144 = arith.extui %ge3A_143 : vector<1x128xi1> to vector<1x128xi32>
    %convert_element_type3A_145 = arith.sitofp %convert_element_type3A_144 : vector<1x128xi32> to vector<1x128xf32>
    %add3A_146 = arith.addf %add3A_140, %convert_element_type3A_145 : vector<1x128xf32>
    %slice3A_147 = vector.extract_strided_slice %add3A_98 {offsets = [0, 3], sizes = [1, 1], strides = [1, 1]} : vector<1x8xf32> to vector<1x1xf32>
    %ge3A_148 = vector.broadcast %slice3A_147 : vector<1x1xf32> to vector<1x128xf32>
    %ge3A_149 = arith.cmpf oge, %mul3A_127, %ge3A_148 : vector<1x128xf32>
    %convert_element_type3A_150 = arith.extui %ge3A_149 : vector<1x128xi1> to vector<1x128xi32>
    %convert_element_type3A_151 = arith.sitofp %convert_element_type3A_150 : vector<1x128xi32> to vector<1x128xf32>
    %add3A_152 = arith.addf %add3A_146, %convert_element_type3A_151 : vector<1x128xf32>
    %slice3A_153 = vector.extract_strided_slice %add3A_98 {offsets = [0, 4], sizes = [1, 1], strides = [1, 1]} : vector<1x8xf32> to vector<1x1xf32>
    %ge3A_154 = vector.broadcast %slice3A_153 : vector<1x1xf32> to vector<1x128xf32>
    %ge3A_155 = arith.cmpf oge, %mul3A_127, %ge3A_154 : vector<1x128xf32>
    %convert_element_type3A_156 = arith.extui %ge3A_155 : vector<1x128xi1> to vector<1x128xi32>
    %convert_element_type3A_157 = arith.sitofp %convert_element_type3A_156 : vector<1x128xi32> to vector<1x128xf32>
    %add3A_158 = arith.addf %add3A_152, %convert_element_type3A_157 : vector<1x128xf32>
    %slice3A_159 = vector.extract_strided_slice %add3A_98 {offsets = [0, 5], sizes = [1, 1], strides = [1, 1]} : vector<1x8xf32> to vector<1x1xf32>
    %ge3A_160 = vector.broadcast %slice3A_159 : vector<1x1xf32> to vector<1x128xf32>
    %ge3A_161 = arith.cmpf oge, %mul3A_127, %ge3A_160 : vector<1x128xf32>
    %convert_element_type3A_162 = arith.extui %ge3A_161 : vector<1x128xi1> to vector<1x128xi32>
    %convert_element_type3A_163 = arith.sitofp %convert_element_type3A_162 : vector<1x128xi32> to vector<1x128xf32>
    %add3A_164 = arith.addf %add3A_158, %convert_element_type3A_163 : vector<1x128xf32>
    %slice3A_165 = vector.extract_strided_slice %add3A_98 {offsets = [0, 6], sizes = [1, 1], strides = [1, 1]} : vector<1x8xf32> to vector<1x1xf32>
    %ge3A_166 = vector.broadcast %slice3A_165 : vector<1x1xf32> to vector<1x128xf32>
    %ge3A_167 = arith.cmpf oge, %mul3A_127, %ge3A_166 : vector<1x128xf32>
    %convert_element_type3A_168 = arith.extui %ge3A_167 : vector<1x128xi1> to vector<1x128xi32>
    %convert_element_type3A_169 = arith.sitofp %convert_element_type3A_168 : vector<1x128xi32> to vector<1x128xf32>
    %add3A_170 = arith.addf %add3A_164, %convert_element_type3A_169 : vector<1x128xf32>
    %slice3A_171 = vector.extract_strided_slice %add3A_98 {offsets = [0, 7], sizes = [1, 1], strides = [1, 1]} : vector<1x8xf32> to vector<1x1xf32>
    %ge3A_172 = vector.broadcast %slice3A_171 : vector<1x1xf32> to vector<1x128xf32>
    %ge3A_173 = arith.cmpf oge, %mul3A_127, %ge3A_172 : vector<1x128xf32>
    %convert_element_type3A_174 = arith.extui %ge3A_173 : vector<1x128xi1> to vector<1x128xi32>
    %convert_element_type3A_175 = arith.sitofp %convert_element_type3A_174 : vector<1x128xi32> to vector<1x128xf32>
    %add3A_176 = arith.addf %add3A_170, %convert_element_type3A_175 : vector<1x128xf32>
    %slice3A_177 = vector.extract_strided_slice %add3A_98 {offsets = [0, 7], sizes = [1, 1], strides = [1, 1]} : vector<1x8xf32> to vector<1x1xf32>
    %lt3A_178 = vector.broadcast %slice3A_177 : vector<1x1xf32> to vector<1x128xf32>
    %lt3A_179 = arith.cmpf olt, %mul3A_127, %lt3A_178 : vector<1x128xf32>
    %iota3A_180 = tpu.iota {dimensions = array<i32: 1>} : vector<1x8xi32>
    %convert_element_type3A_181 = arith.sitofp %iota3A_180 : vector<1x8xi32> to vector<1x8xf32>
    %gt3A = arith.constant 0.000000e+00 : f32
    %gt3A_182 = vector.broadcast %gt3A : f32 to vector<1x8xf32>
    %gt3A_183 = arith.cmpf ogt, %add3A_51, %gt3A_182 : vector<1x8xf32>
    %jit3A_184 = arith.constant -1.000000e+00 : f32
    %broadcast_in_dim3A_185 = vector.broadcast %jit3A_184 : f32 to vector<1x8xf32>
    %select_n3A_186 = arith.select %gt3A_183, %convert_element_type3A_181, %broadcast_in_dim3A_185 : vector<1x8xi1>, vector<1x8xf32>
    %reduce_max3A_187 = vector.shape_cast %select_n3A_186 : vector<1x8xf32> to vector<1x1x8xf32>
    %reduce_max3A_188 = arith.constant dense<0xFF800000> : vector<1xf32>
    %reduce_max3A_189 = vector.multi_reduction <maximumf>, %reduce_max3A_187, %reduce_max3A_188 [1, 2] : vector<1x1x8xf32> to vector<1xf32>
    %reduce_max3A_190 = vector.shape_cast %reduce_max3A_189 : vector<1xf32> to vector<1x1x1xf32>
    %reduce_max3A_191 = vector.extract %reduce_max3A_190[0, 0, 0] : f32 from vector<1x1x1xf32>
    %broadcast_in_dim3A_192 = vector.broadcast %reduce_max3A_191 : f32 to vector<1x128xf32>
    %select_n3A_193 = arith.select %lt3A_179, %add3A_176, %broadcast_in_dim3A_192 : vector<1x128xi1>, vector<1x128xf32>
    %convert_element_type3A_194 = arith.fptosi %select_n3A_193 : vector<1x128xf32> to vector<1x128xi32>
    %slice3A_195 = vector.extract_strided_slice %convert_element_type3A_194 {offsets = [0, 0], sizes = [1, 40], strides = [1, 1]} : vector<1x128xi32> to vector<1x40xi32>
    %swap3A_196 = arith.constant 0 : index
    %swap3A_197 = arith.constant 0 : index
    %swap3A_198 = vector.load %arg4[%swap3A_196, %swap3A_197] : memref<1x40xi32, #tpu.memory_space<vmem>>, vector<1x40xi32>
    tpu.vector_store %arg4[%swap3A_196, %swap3A_197], %slice3A_195 {strides = array<i32>} : memref<1x40xi32, #tpu.memory_space<vmem>>, vector<1x40xi32>,
    %convert_element_type3A_199 = arith.extui %lt3A_179 : vector<1x128xi1> to vector<1x128xi32>
    %slice3A_200 = vector.extract_strided_slice %convert_element_type3A_199 {offsets = [0, 0], sizes = [1, 40], strides = [1, 1]} : vector<1x128xi32> to vector<1x40xi32>
    %swap3A_201 = arith.constant 0 : index
    %swap3A_202 = arith.constant 0 : index
    %swap3A_203 = vector.load %arg5[%swap3A_201, %swap3A_202] : memref<1x40xi32, #tpu.memory_space<vmem>>, vector<1x40xi32>
    tpu.vector_store %arg5[%swap3A_201, %swap3A_202], %slice3A_200 {strides = array<i32>} : memref<1x40xi32, #tpu.memory_space<vmem>>, vector<1x40xi32>,
    %iota3A_204 = tpu.iota {dimensions = array<i32: 1>} : vector<1x128xi32>
    %convert_element_type3A_205 = arith.sitofp %iota3A_204 : vector<1x128xi32> to vector<1x128xf32>
    %slice3A_206 = vector.extract_strided_slice %add3A_98 {offsets = [0, 7], sizes = [1, 1], strides = [1, 1]} : vector<1x8xf32> to vector<1x1xf32>
    %mul3A_207 = arith.constant 7.812500e-03 : f32
    %mul3A_208 = vector.broadcast %mul3A_207 : f32 to vector<1x1xf32>
    %mul3A_209 = arith.mulf %slice3A_206, %mul3A_208 : vector<1x1xf32>
    %sub3A_210 = arith.constant 1.000000e+00 : f32
    %sub3A_211 = vector.broadcast %sub3A_210 : f32 to vector<1x1xf32>
    %sub3A_212 = arith.subf %mul3A_209, %sub3A_211 : vector<1x1xf32>
    %min3A = vector.broadcast %sub3A_212 : vector<1x1xf32> to vector<1x128xf32>
    %min3A_213 = arith.minimumf %convert_element_type3A_205, %min3A : vector<1x128xf32>
    %convert_element_type3A_214 = arith.fptosi %min3A_213 : vector<1x128xf32> to vector<1x128xi32>
    %slice3A_215 = vector.extract_strided_slice %convert_element_type3A_214 {offsets = [0, 0], sizes = [1, 40], strides = [1, 1]} : vector<1x128xi32> to vector<1x40xi32>
    %swap3A_216 = arith.constant 0 : index
    %swap3A_217 = arith.constant 0 : index
    %swap3A_218 = vector.load %arg6[%swap3A_216, %swap3A_217] : memref<1x40xi32, #tpu.memory_space<vmem>>, vector<1x40xi32>
    tpu.vector_store %arg6[%swap3A_216, %swap3A_217], %slice3A_215 {strides = array<i32>} : memref<1x40xi32, #tpu.memory_space<vmem>>, vector<1x40xi32>,
    return
  }
}

module attributes {stable_mosaic.version = 14 : i64} {
  func.func @_mlp_outer(%arg0: memref<40xi32, #tpu.memory_space<smem>>, %arg1: memref<40xi32, #tpu.memory_space<smem>>, %arg2: memref<40xi32, #tpu.memory_space<smem>>, %arg3: memref<5120x768xf32, #tpu.memory_space<hbm>>, %arg4: memref<8x3072x768xf32, #tpu.memory_space<hbm>>, %arg5: memref<8x768x3072xf32, #tpu.memory_space<hbm>>, %arg6: memref<5120x768xf32, #tpu.memory_space<hbm>>) attributes {dimension_semantics = [], scalar_prefetch = 3 : i64, scratch_operands = 0 : i64, tpu.core_type = #tpu.core_type<tc>} {
    "tpu.region"() ({
      %run_scoped3A = memref.alloca() : memref<2x128x768xf32, #tpu.memory_space<vmem>>
      %run_scoped3A_0 = tpu.sem_alloc : memref<2x!tpu.dma_semaphore, #tpu.memory_space<semaphore_mem>>
      %run_scoped3A_1 = memref.alloca() : memref<2x1x3072x768xf32, #tpu.memory_space<vmem>>
      %run_scoped3A_2 = tpu.sem_alloc : memref<2x!tpu.dma_semaphore, #tpu.memory_space<semaphore_mem>>
      %run_scoped3A_3 = memref.alloca() : memref<2x1x768x3072xf32, #tpu.memory_space<vmem>>
      %run_scoped3A_4 = tpu.sem_alloc : memref<2x!tpu.dma_semaphore, #tpu.memory_space<semaphore_mem>>
      %run_scoped3A_5 = memref.alloca() : memref<2x128x768xf32, #tpu.memory_space<vmem>>
      %run_scoped3A_6 = tpu.sem_alloc : memref<2x!tpu.dma_semaphore, #tpu.memory_space<semaphore_mem>>
      %select_n3A = arith.constant true
      %select_n3A_7 = arith.constant 0 : i32
      %select_n3A_8 = arith.constant -1 : i32
      %select_n3A_9 = arith.select %select_n3A, %select_n3A_8, %select_n3A_7 : i32
      %eq3A = arith.constant -1 : i32
      %eq3A_10 = arith.cmpi eq, %select_n3A_9, %eq3A : i32
      %select_n3A_11 = arith.constant 39 : i32
      %select_n3A_12 = arith.select %eq3A_10, %select_n3A_11, %select_n3A_9 : i32
      %add3A = arith.constant 0 : i32
      %add3A_13 = arith.addi %select_n3A_12, %add3A : i32
      %select_n3A_14 = arith.constant true
      %select_n3A_15 = arith.constant 0 : i32
      %select_n3A_16 = arith.constant 1 : i32
      %select_n3A_17 = arith.select %select_n3A_14, %select_n3A_16, %select_n3A_15 : i32
      %eq3A_18 = arith.constant 40 : i32
      %eq3A_19 = arith.cmpi eq, %select_n3A_17, %eq3A_18 : i32
      %select_n3A_20 = arith.constant 0 : i32
      %select_n3A_21 = arith.select %eq3A_19, %select_n3A_20, %select_n3A_17 : i32
      %add3A_22 = arith.constant 0 : i32
      %add3A_23 = arith.addi %select_n3A_21, %add3A_22 : i32
      %add3A_24 = arith.constant 1 : i32
      %add3A_25 = arith.addi %select_n3A_21, %add3A_24 : i32
      %select_n3A_26 = arith.constant true
      %select_n3A_27 = arith.select %select_n3A_26, %add3A_25, %select_n3A_21 : i32
      %eq3A_28 = arith.constant 40 : i32
      %eq3A_29 = arith.cmpi eq, %select_n3A_27, %eq3A_28 : i32
      %select_n3A_30 = arith.constant 0 : i32
      %select_n3A_31 = arith.select %eq3A_29, %select_n3A_30, %select_n3A_27 : i32
      %add3A_32 = arith.constant 0 : i32
      %add3A_33 = arith.addi %select_n3A_31, %add3A_32 : i32
      "tpu.trace_start"() <{level = 10 : i32, message = "ep_initialize_0"}> : () -> ()
      %rem3A = arith.constant 0 : i32
      %rem3A_34 = arith.constant 2 : i32
      %rem3A_35 = arith.remui %rem3A, %rem3A_34 : i32
      %get3A = arith.constant 0 : index
      %get3A_36 = memref.load %arg2[%get3A] : memref<40xi32, #tpu.memory_space<smem>>
      %mul3A = arith.constant 128 : i32
      %mul3A_37 = arith.muli %mul3A, %get3A_36 : i32
      %dma_start3A = tpu.memref_slice %run_scoped3A_0[%rem3A_35] : memref<2x!tpu.dma_semaphore, #tpu.memory_space<semaphore_mem>> -> memref<1x!tpu.dma_semaphore, #tpu.memory_space<semaphore_mem>>
      %dma_start3A_38 = tpu.memref_squeeze %dma_start3A : memref<1x!tpu.dma_semaphore, #tpu.memory_space<semaphore_mem>> -> memref<!tpu.dma_semaphore, #tpu.memory_space<semaphore_mem>>
      %dma_start3A_39 = arith.constant 0 : i32
      %dma_start3A_40 = arith.constant 0 : i32
      %dma_start3A_41 = tpu.memref_slice %run_scoped3A[%rem3A_35, %dma_start3A_39, %dma_start3A_40] : memref<2x128x768xf32, #tpu.memory_space<vmem>> -> memref<1x128x768xf32, #tpu.memory_space<vmem>>
      %dma_start3A_42 = tpu.memref_squeeze %dma_start3A_41 : memref<1x128x768xf32, #tpu.memory_space<vmem>> -> memref<128x768xf32, #tpu.memory_space<vmem>>
      %dma_start3A_43 = arith.constant 0 : i32
      %dma_start3A_44 = tpu.memref_slice %arg3[%mul3A_37, %dma_start3A_43] : memref<5120x768xf32, #tpu.memory_space<hbm>> -> memref<128x768xf32, #tpu.memory_space<hbm>>
      tpu.enqueue_dma source(%dma_start3A_44 : memref<128x768xf32, #tpu.memory_space<hbm>>) target(%dma_start3A_42 : memref<128x768xf32, #tpu.memory_space<vmem>>) target_semaphore(%dma_start3A_38 : memref<!tpu.dma_semaphore, #tpu.memory_space<semaphore_mem>>)
      %add3A_45 = arith.constant 0 : i32
      %add3A_46 = arith.constant 1 : i32
      %add3A_47 = arith.addi %add3A_45, %add3A_46 : i32
      %select_n3A_48 = arith.constant true
      %select_n3A_49 = arith.constant 0 : i32
      %select_n3A_50 = arith.select %select_n3A_48, %add3A_47, %select_n3A_49 : i32
      %add3A_51 = arith.constant 0 : i32
      %add3A_52 = arith.constant 0 : i32
      %add3A_53 = arith.addi %add3A_51, %add3A_52 : i32
      %rem3A_54 = arith.constant 0 : i32
      %rem3A_55 = arith.constant 2 : i32
      %rem3A_56 = arith.remui %rem3A_54, %rem3A_55 : i32
      %get3A_57 = arith.index_cast %add3A_53 : i32 to index
      %get3A_58 = memref.load %arg0[%get3A_57] : memref<40xi32, #tpu.memory_space<smem>>
      %mul3A_59 = arith.constant 1 : i32
      %mul3A_60 = arith.muli %mul3A_59, %get3A_58 : i32
      %dma_start3A_61 = tpu.memref_slice %run_scoped3A_2[%rem3A_56] : memref<2x!tpu.dma_semaphore, #tpu.memory_space<semaphore_mem>> -> memref<1x!tpu.dma_semaphore, #tpu.memory_space<semaphore_mem>>
      %dma_start3A_62 = tpu.memref_squeeze %dma_start3A_61 : memref<1x!tpu.dma_semaphore, #tpu.memory_space<semaphore_mem>> -> memref<!tpu.dma_semaphore, #tpu.memory_space<semaphore_mem>>
      %dma_start3A_63 = arith.constant 0 : i32
      %dma_start3A_64 = arith.constant 0 : i32
      %dma_start3A_65 = arith.constant 0 : i32
      %dma_start3A_66 = tpu.memref_slice %run_scoped3A_1[%rem3A_56, %dma_start3A_63, %dma_start3A_64, %dma_start3A_65] : memref<2x1x3072x768xf32, #tpu.memory_space<vmem>> -> memref<1x1x3072x768xf32, #tpu.memory_space<vmem>>
      %dma_start3A_67 = tpu.memref_squeeze %dma_start3A_66 : memref<1x1x3072x768xf32, #tpu.memory_space<vmem>> -> memref<1x3072x768xf32, #tpu.memory_space<vmem>>
      %dma_start3A_68 = arith.constant 0 : i32
      %dma_start3A_69 = arith.constant 0 : i32
      %dma_start3A_70 = tpu.memref_slice %arg4[%mul3A_60, %dma_start3A_68, %dma_start3A_69] : memref<8x3072x768xf32, #tpu.memory_space<hbm>> -> memref<1x3072x768xf32, #tpu.memory_space<hbm>>
      tpu.enqueue_dma source(%dma_start3A_70 : memref<1x3072x768xf32, #tpu.memory_space<hbm>>) target(%dma_start3A_67 : memref<1x3072x768xf32, #tpu.memory_space<vmem>>) target_semaphore(%dma_start3A_62 : memref<!tpu.dma_semaphore, #tpu.memory_space<semaphore_mem>>)
      %add3A_71 = arith.constant 0 : i32
      %add3A_72 = arith.constant 1 : i32
      %add3A_73 = arith.addi %add3A_71, %add3A_72 : i32
      %select_n3A_74 = arith.constant true
      %select_n3A_75 = arith.constant 0 : i32
      %select_n3A_76 = arith.select %select_n3A_74, %add3A_73, %select_n3A_75 : i32
      %add3A_77 = arith.constant 0 : i32
      %add3A_78 = arith.constant 0 : i32
      %add3A_79 = arith.addi %add3A_77, %add3A_78 : i32
      %rem3A_80 = arith.constant 0 : i32
      %rem3A_81 = arith.constant 2 : i32
      %rem3A_82 = arith.remui %rem3A_80, %rem3A_81 : i32
      %get3A_83 = arith.index_cast %add3A_79 : i32 to index
      %get3A_84 = memref.load %arg0[%get3A_83] : memref<40xi32, #tpu.memory_space<smem>>
      %mul3A_85 = arith.constant 1 : i32
      %mul3A_86 = arith.muli %mul3A_85, %get3A_84 : i32
      %dma_start3A_87 = tpu.memref_slice %run_scoped3A_4[%rem3A_82] : memref<2x!tpu.dma_semaphore, #tpu.memory_space<semaphore_mem>> -> memref<1x!tpu.dma_semaphore, #tpu.memory_space<semaphore_mem>>
      %dma_start3A_88 = tpu.memref_squeeze %dma_start3A_87 : memref<1x!tpu.dma_semaphore, #tpu.memory_space<semaphore_mem>> -> memref<!tpu.dma_semaphore, #tpu.memory_space<semaphore_mem>>
      %dma_start3A_89 = arith.constant 0 : i32
      %dma_start3A_90 = arith.constant 0 : i32
      %dma_start3A_91 = arith.constant 0 : i32
      %dma_start3A_92 = tpu.memref_slice %run_scoped3A_3[%rem3A_82, %dma_start3A_89, %dma_start3A_90, %dma_start3A_91] : memref<2x1x768x3072xf32, #tpu.memory_space<vmem>> -> memref<1x1x768x3072xf32, #tpu.memory_space<vmem>>
      %dma_start3A_93 = tpu.memref_squeeze %dma_start3A_92 : memref<1x1x768x3072xf32, #tpu.memory_space<vmem>> -> memref<1x768x3072xf32, #tpu.memory_space<vmem>>
      %dma_start3A_94 = arith.constant 0 : i32
      %dma_start3A_95 = arith.constant 0 : i32
      %dma_start3A_96 = tpu.memref_slice %arg5[%mul3A_86, %dma_start3A_94, %dma_start3A_95] : memref<8x768x3072xf32, #tpu.memory_space<hbm>> -> memref<1x768x3072xf32, #tpu.memory_space<hbm>>
      tpu.enqueue_dma source(%dma_start3A_96 : memref<1x768x3072xf32, #tpu.memory_space<hbm>>) target(%dma_start3A_93 : memref<1x768x3072xf32, #tpu.memory_space<vmem>>) target_semaphore(%dma_start3A_88 : memref<!tpu.dma_semaphore, #tpu.memory_space<semaphore_mem>>)
      %add3A_97 = arith.constant 0 : i32
      %add3A_98 = arith.constant 1 : i32
      %add3A_99 = arith.addi %add3A_97, %add3A_98 : i32
      %select_n3A_100 = arith.constant true
      %select_n3A_101 = arith.constant 0 : i32
      %select_n3A_102 = arith.select %select_n3A_100, %add3A_99, %select_n3A_101 : i32
      "tpu.trace_stop"() : () -> ()
      %scan3A = arith.constant 0 : i32
      %scan3A_103 = arith.constant 0 : i32
      %scan3A_104 = arith.constant 0 : i32
      %scan3A_105 = arith.constant 0 : i32
      %scan3A_106 = arith.constant 0 : i32
      %scan3A_107 = arith.constant 0 : i32
      %scan3A_108 = arith.constant 0 : i32
      %scan3A_109 = arith.constant 0 : i32
      %scan3A_110 = arith.constant 0 : i32
      %scan3A_111 = arith.constant 40 : i32
      %scan3A_112 = arith.addi %scan3A_110, %scan3A_111 : i32
      %scan3A_113 = arith.constant 1 : i32
      %scan3A_114:11 = scf.for %scan3A_168 = %scan3A_110 to %scan3A_112 step %scan3A_113 iter_args(%scan3A_169 = %select_n3A_50, %scan3A_170 = %scan3A, %scan3A_171 = %select_n3A_76, %scan3A_172 = %scan3A_103, %scan3A_173 = %scan3A_104, %scan3A_174 = %select_n3A_102, %scan3A_175 = %scan3A_105, %scan3A_176 = %scan3A_106, %scan3A_177 = %scan3A_107, %scan3A_178 = %scan3A_108, %scan3A_179 = %scan3A_109) -> (i32, i32, i32, i32, i32, i32, i32, i32, i32, i32, i32)  : i32 {
        %eq3A_180 = arith.constant 0 : i32
        %eq3A_181 = arith.cmpi eq, %scan3A_168, %eq3A_180 : i32
        %eq3A_182 = arith.constant 39 : i32
        %eq3A_183 = arith.cmpi eq, %scan3A_168, %eq3A_182 : i32
        %add3A_184 = arith.constant 0 : i32
        %add3A_185 = arith.addi %scan3A_179, %add3A_184 : i32
        %sub3A_186 = arith.constant 1 : i32
        %sub3A_187 = arith.subi %scan3A_179, %sub3A_186 : i32
        %select_n3A_188 = arith.constant true
        %select_n3A_189 = arith.select %select_n3A_188, %sub3A_187, %scan3A_179 : i32
        %eq3A_190 = arith.constant -1 : i32
        %eq3A_191 = arith.cmpi eq, %select_n3A_189, %eq3A_190 : i32
        %select_n3A_192 = arith.constant 39 : i32
        %select_n3A_193 = arith.select %eq3A_191, %select_n3A_192, %select_n3A_189 : i32
        %add3A_194 = arith.constant 0 : i32
        %add3A_195 = arith.addi %select_n3A_193, %add3A_194 : i32
        %add3A_196 = arith.constant 1 : i32
        %add3A_197 = arith.addi %scan3A_179, %add3A_196 : i32
        %select_n3A_198 = arith.constant true
        %select_n3A_199 = arith.select %select_n3A_198, %add3A_197, %scan3A_179 : i32
        %eq3A_200 = arith.constant 40 : i32
        %eq3A_201 = arith.cmpi eq, %select_n3A_199, %eq3A_200 : i32
        %select_n3A_202 = arith.constant 0 : i32
        %select_n3A_203 = arith.select %eq3A_201, %select_n3A_202, %select_n3A_199 : i32
        %add3A_204 = arith.constant 0 : i32
        %add3A_205 = arith.addi %select_n3A_203, %add3A_204 : i32
        %add3A_206 = arith.constant 1 : i32
        %add3A_207 = arith.addi %select_n3A_203, %add3A_206 : i32
        %select_n3A_208 = arith.constant true
        %select_n3A_209 = arith.select %select_n3A_208, %add3A_207, %select_n3A_203 : i32
        %eq3A_210 = arith.constant 40 : i32
        %eq3A_211 = arith.cmpi eq, %select_n3A_209, %eq3A_210 : i32
        %select_n3A_212 = arith.constant 0 : i32
        %select_n3A_213 = arith.select %eq3A_211, %select_n3A_212, %select_n3A_209 : i32
        %add3A_214 = arith.constant 0 : i32
        %add3A_215 = arith.addi %select_n3A_213, %add3A_214 : i32
        %get3A_216 = arith.index_cast %add3A_185 : i32 to index
        %get3A_217 = memref.load %arg2[%get3A_216] : memref<40xi32, #tpu.memory_space<smem>>
        %get3A_218 = arith.index_cast %add3A_205 : i32 to index
        %get3A_219 = memref.load %arg2[%get3A_218] : memref<40xi32, #tpu.memory_space<smem>>
        %ne3A = arith.cmpi ne, %get3A_217, %get3A_219 : i32
        %or3A = arith.constant false
        %or3A_220 = arith.ori %or3A, %ne3A : i1
        %or3A_221 = arith.constant false
        %or3A_222 = arith.ori %or3A_220, %or3A_221 : i1
        %ge3A = arith.constant 39 : i32
        %ge3A_223 = arith.cmpi sge, %scan3A_168, %ge3A : i32
        %not3A = arith.constant true
        %not3A_224 = arith.xori %ge3A_223, %not3A : i1
        %and3A = arith.andi %or3A_222, %not3A_224 : i1
        %convert_element_type3A = arith.extui %and3A : i1 to i32
        %cond3A = arith.constant 0 : i32
        %cond3A_225 = arith.cmpi ne, %convert_element_type3A, %cond3A : i32
        scf.if %cond3A_225 {
          "tpu.trace_start"() <{level = 10 : i32, message = "ep_copy_in"}> : () -> ()
          %rem3A_560 = arith.constant 2 : i32
          %rem3A_561 = arith.remui %scan3A_169, %rem3A_560 : i32
          %get3A_562 = arith.index_cast %add3A_205 : i32 to index
          %get3A_563 = memref.load %arg2[%get3A_562] : memref<40xi32, #tpu.memory_space<smem>>
          %mul3A_564 = arith.constant 128 : i32
          %mul3A_565 = arith.muli %mul3A_564, %get3A_563 : i32
          %dma_start3A_566 = tpu.memref_slice %run_scoped3A_0[%rem3A_561] : memref<2x!tpu.dma_semaphore, #tpu.memory_space<semaphore_mem>> -> memref<1x!tpu.dma_semaphore, #tpu.memory_space<semaphore_mem>>
          %dma_start3A_567 = tpu.memref_squeeze %dma_start3A_566 : memref<1x!tpu.dma_semaphore, #tpu.memory_space<semaphore_mem>> -> memref<!tpu.dma_semaphore, #tpu.memory_space<semaphore_mem>>
          %dma_start3A_568 = arith.constant 0 : i32
          %dma_start3A_569 = arith.constant 0 : i32
          %dma_start3A_570 = tpu.memref_slice %run_scoped3A[%rem3A_561, %dma_start3A_568, %dma_start3A_569] : memref<2x128x768xf32, #tpu.memory_space<vmem>> -> memref<1x128x768xf32, #tpu.memory_space<vmem>>
          %dma_start3A_571 = tpu.memref_squeeze %dma_start3A_570 : memref<1x128x768xf32, #tpu.memory_space<vmem>> -> memref<128x768xf32, #tpu.memory_space<vmem>>
          %dma_start3A_572 = arith.constant 0 : i32
          %dma_start3A_573 = tpu.memref_slice %arg3[%mul3A_565, %dma_start3A_572] : memref<5120x768xf32, #tpu.memory_space<hbm>> -> memref<128x768xf32, #tpu.memory_space<hbm>>
          tpu.enqueue_dma source(%dma_start3A_573 : memref<128x768xf32, #tpu.memory_space<hbm>>) target(%dma_start3A_571 : memref<128x768xf32, #tpu.memory_space<vmem>>) target_semaphore(%dma_start3A_567 : memref<!tpu.dma_semaphore, #tpu.memory_space<semaphore_mem>>)
          "tpu.trace_stop"() : () -> ()
        } else {
        }
        %and3A_226 = arith.constant true
        %and3A_227 = arith.andi %and3A, %and3A_226 : i1
        %add3A_228 = arith.constant 1 : i32
        %add3A_229 = arith.addi %scan3A_169, %add3A_228 : i32
        %select_n3A_230 = arith.select %and3A_227, %add3A_229, %scan3A_169 : i32
        %get3A_231 = arith.index_cast %add3A_185 : i32 to index
        %get3A_232 = memref.load %arg0[%get3A_231] : memref<40xi32, #tpu.memory_space<smem>>
        %get3A_233 = arith.index_cast %add3A_205 : i32 to index
        %get3A_234 = memref.load %arg0[%get3A_233] : memref<40xi32, #tpu.memory_space<smem>>
        %ne3A_235 = arith.cmpi ne, %get3A_232, %get3A_234 : i32
        %or3A_236 = arith.constant false
        %or3A_237 = arith.ori %or3A_236, %ne3A_235 : i1
        %or3A_238 = arith.constant false
        %or3A_239 = arith.ori %or3A_237, %or3A_238 : i1
        %or3A_240 = arith.constant false
        %or3A_241 = arith.ori %or3A_239, %or3A_240 : i1
        %ge3A_242 = arith.constant 39 : i32
        %ge3A_243 = arith.cmpi sge, %scan3A_168, %ge3A_242 : i32
        %not3A_244 = arith.constant true
        %not3A_245 = arith.xori %ge3A_243, %not3A_244 : i1
        %and3A_246 = arith.andi %or3A_241, %not3A_245 : i1
        %add3A_247 = arith.constant 2 : i32
        %add3A_248 = arith.addi %scan3A_172, %add3A_247 : i32
        %add3A_249 = arith.constant 1 : i32
        %add3A_250 = arith.addi %scan3A_173, %add3A_249 : i32
        %select_n3A_251 = arith.constant true
        %select_n3A_252 = arith.select %select_n3A_251, %add3A_250, %scan3A_173 : i32
        %select_n3A_253 = arith.constant false
        %select_n3A_254 = arith.constant 0 : i32
        %select_n3A_255 = arith.select %select_n3A_253, %select_n3A_254, %select_n3A_252 : i32
        %while3A:3 = scf.while (%while3A_560 = %scan3A_173, %while3A_561 = %select_n3A_255, %while3A_562 = %scan3A_171) : (i32, i32, i32) -> (i32, i32, i32) {
          %lt3A = arith.cmpi ult, %while3A_562, %add3A_248 : i32
          %lt3A_563 = arith.constant 40 : i32
          %lt3A_564 = arith.cmpi slt, %while3A_561, %lt3A_563 : i32
          %and3A_565 = arith.constant true
          %and3A_566 = arith.andi %and3A_565, %lt3A_564 : i1
          %and3A_567 = arith.constant true
          %and3A_568 = arith.andi %and3A_567, %lt3A : i1
          %and3A_569 = arith.andi %and3A_568, %and3A_566 : i1
          scf.condition(%and3A_569) %while3A_560, %while3A_561, %while3A_562 : i32, i32, i32
        } do {
        ^bb0(%while3A_560: i32, %while3A_561: i32, %while3A_562: i32):
          %add3A_563 = arith.constant 0 : i32
          %add3A_564 = arith.addi %while3A_560, %add3A_563 : i32
          %add3A_565 = arith.constant 0 : i32
          %add3A_566 = arith.addi %while3A_561, %add3A_565 : i32
          %get3A_567 = arith.index_cast %add3A_564 : i32 to index
          %get3A_568 = memref.load %arg0[%get3A_567] : memref<40xi32, #tpu.memory_space<smem>>
          %get3A_569 = arith.index_cast %add3A_566 : i32 to index
          %get3A_570 = memref.load %arg0[%get3A_569] : memref<40xi32, #tpu.memory_space<smem>>
          %ne3A_571 = arith.cmpi ne, %get3A_568, %get3A_570 : i32
          %or3A_572 = arith.constant false
          %or3A_573 = arith.ori %or3A_572, %ne3A_571 : i1
          %or3A_574 = arith.constant false
          %or3A_575 = arith.ori %or3A_573, %or3A_574 : i1
          %or3A_576 = arith.constant false
          %or3A_577 = arith.ori %or3A_575, %or3A_576 : i1
          %convert_element_type3A_578 = arith.extui %or3A_577 : i1 to i32
          %cond3A_579 = arith.constant 0 : i32
          %cond3A_580 = arith.cmpi ne, %convert_element_type3A_578, %cond3A_579 : i32
          scf.if %cond3A_580 {
            %rem3A_590 = arith.constant 2 : i32
            %rem3A_591 = arith.remui %while3A_562, %rem3A_590 : i32
            %get3A_592 = arith.index_cast %add3A_566 : i32 to index
            %get3A_593 = memref.load %arg0[%get3A_592] : memref<40xi32, #tpu.memory_space<smem>>
            %mul3A_594 = arith.constant 1 : i32
            %mul3A_595 = arith.muli %mul3A_594, %get3A_593 : i32
            %dma_start3A_596 = tpu.memref_slice %run_scoped3A_2[%rem3A_591] : memref<2x!tpu.dma_semaphore, #tpu.memory_space<semaphore_mem>> -> memref<1x!tpu.dma_semaphore, #tpu.memory_space<semaphore_mem>>
            %dma_start3A_597 = tpu.memref_squeeze %dma_start3A_596 : memref<1x!tpu.dma_semaphore, #tpu.memory_space<semaphore_mem>> -> memref<!tpu.dma_semaphore, #tpu.memory_space<semaphore_mem>>
            %dma_start3A_598 = arith.constant 0 : i32
            %dma_start3A_599 = arith.constant 0 : i32
            %dma_start3A_600 = arith.constant 0 : i32
            %dma_start3A_601 = tpu.memref_slice %run_scoped3A_1[%rem3A_591, %dma_start3A_598, %dma_start3A_599, %dma_start3A_600] : memref<2x1x3072x768xf32, #tpu.memory_space<vmem>> -> memref<1x1x3072x768xf32, #tpu.memory_space<vmem>>
            %dma_start3A_602 = tpu.memref_squeeze %dma_start3A_601 : memref<1x1x3072x768xf32, #tpu.memory_space<vmem>> -> memref<1x3072x768xf32, #tpu.memory_space<vmem>>
            %dma_start3A_603 = arith.constant 0 : i32
            %dma_start3A_604 = arith.constant 0 : i32
            %dma_start3A_605 = tpu.memref_slice %arg4[%mul3A_595, %dma_start3A_603, %dma_start3A_604] : memref<8x3072x768xf32, #tpu.memory_space<hbm>> -> memref<1x3072x768xf32, #tpu.memory_space<hbm>>
            tpu.enqueue_dma source(%dma_start3A_605 : memref<1x3072x768xf32, #tpu.memory_space<hbm>>) target(%dma_start3A_602 : memref<1x3072x768xf32, #tpu.memory_space<vmem>>) target_semaphore(%dma_start3A_597 : memref<!tpu.dma_semaphore, #tpu.memory_space<semaphore_mem>>)
          } else {
          }
          %convert_element_type3A_581 = arith.extui %or3A_577 : i1 to i32
          %add3A_582 = arith.addi %while3A_562, %convert_element_type3A_581 : i32
          %add3A_583 = arith.constant 1 : i32
          %add3A_584 = arith.addi %while3A_561, %add3A_583 : i32
          %select_n3A_585 = arith.constant true
          %select_n3A_586 = arith.select %select_n3A_585, %add3A_584, %while3A_561 : i32
          %select_n3A_587 = arith.constant false
          %select_n3A_588 = arith.constant 0 : i32
          %select_n3A_589 = arith.select %select_n3A_587, %select_n3A_588, %select_n3A_586 : i32
          scf.yield %while3A_561, %select_n3A_589, %add3A_582 : i32, i32, i32
        }
        %get3A_256 = arith.index_cast %add3A_185 : i32 to index
        %get3A_257 = memref.load %arg0[%get3A_256] : memref<40xi32, #tpu.memory_space<smem>>
        %get3A_258 = arith.index_cast %add3A_205 : i32 to index
        %get3A_259 = memref.load %arg0[%get3A_258] : memref<40xi32, #tpu.memory_space<smem>>
        %ne3A_260 = arith.cmpi ne, %get3A_257, %get3A_259 : i32
        %or3A_261 = arith.constant false
        %or3A_262 = arith.ori %or3A_261, %ne3A_260 : i1
        %or3A_263 = arith.constant false
        %or3A_264 = arith.ori %or3A_262, %or3A_263 : i1
        %or3A_265 = arith.constant false
        %or3A_266 = arith.ori %or3A_264, %or3A_265 : i1
        %ge3A_267 = arith.constant 39 : i32
        %ge3A_268 = arith.cmpi sge, %scan3A_168, %ge3A_267 : i32
        %not3A_269 = arith.constant true
        %not3A_270 = arith.xori %ge3A_268, %not3A_269 : i1
        %and3A_271 = arith.andi %or3A_266, %not3A_270 : i1
        %add3A_272 = arith.constant 2 : i32
        %add3A_273 = arith.addi %scan3A_175, %add3A_272 : i32
        %add3A_274 = arith.constant 1 : i32
        %add3A_275 = arith.addi %scan3A_176, %add3A_274 : i32
        %select_n3A_276 = arith.constant true
        %select_n3A_277 = arith.select %select_n3A_276, %add3A_275, %scan3A_176 : i32
        %select_n3A_278 = arith.constant false
        %select_n3A_279 = arith.constant 0 : i32
        %select_n3A_280 = arith.select %select_n3A_278, %select_n3A_279, %select_n3A_277 : i32
        %while3A_281:3 = scf.while (%while3A_560 = %scan3A_176, %while3A_561 = %select_n3A_280, %while3A_562 = %scan3A_174) : (i32, i32, i32) -> (i32, i32, i32) {
          %lt3A = arith.cmpi ult, %while3A_562, %add3A_273 : i32
          %lt3A_563 = arith.constant 40 : i32
          %lt3A_564 = arith.cmpi slt, %while3A_561, %lt3A_563 : i32
          %and3A_565 = arith.constant true
          %and3A_566 = arith.andi %and3A_565, %lt3A_564 : i1
          %and3A_567 = arith.constant true
          %and3A_568 = arith.andi %and3A_567, %lt3A : i1
          %and3A_569 = arith.andi %and3A_568, %and3A_566 : i1
          scf.condition(%and3A_569) %while3A_560, %while3A_561, %while3A_562 : i32, i32, i32
        } do {
        ^bb0(%while3A_560: i32, %while3A_561: i32, %while3A_562: i32):
          %add3A_563 = arith.constant 0 : i32
          %add3A_564 = arith.addi %while3A_560, %add3A_563 : i32
          %add3A_565 = arith.constant 0 : i32
          %add3A_566 = arith.addi %while3A_561, %add3A_565 : i32
          %get3A_567 = arith.index_cast %add3A_564 : i32 to index
          %get3A_568 = memref.load %arg0[%get3A_567] : memref<40xi32, #tpu.memory_space<smem>>
          %get3A_569 = arith.index_cast %add3A_566 : i32 to index
          %get3A_570 = memref.load %arg0[%get3A_569] : memref<40xi32, #tpu.memory_space<smem>>
          %ne3A_571 = arith.cmpi ne, %get3A_568, %get3A_570 : i32
          %or3A_572 = arith.constant false
          %or3A_573 = arith.ori %or3A_572, %ne3A_571 : i1
          %or3A_574 = arith.constant false
          %or3A_575 = arith.ori %or3A_573, %or3A_574 : i1
          %or3A_576 = arith.constant false
          %or3A_577 = arith.ori %or3A_575, %or3A_576 : i1
          %convert_element_type3A_578 = arith.extui %or3A_577 : i1 to i32
          %cond3A_579 = arith.constant 0 : i32
          %cond3A_580 = arith.cmpi ne, %convert_element_type3A_578, %cond3A_579 : i32
          scf.if %cond3A_580 {
            %rem3A_590 = arith.constant 2 : i32
            %rem3A_591 = arith.remui %while3A_562, %rem3A_590 : i32
            %get3A_592 = arith.index_cast %add3A_566 : i32 to index
            %get3A_593 = memref.load %arg0[%get3A_592] : memref<40xi32, #tpu.memory_space<smem>>
            %mul3A_594 = arith.constant 1 : i32
            %mul3A_595 = arith.muli %mul3A_594, %get3A_593 : i32
            %dma_start3A_596 = tpu.memref_slice %run_scoped3A_4[%rem3A_591] : memref<2x!tpu.dma_semaphore, #tpu.memory_space<semaphore_mem>> -> memref<1x!tpu.dma_semaphore, #tpu.memory_space<semaphore_mem>>
            %dma_start3A_597 = tpu.memref_squeeze %dma_start3A_596 : memref<1x!tpu.dma_semaphore, #tpu.memory_space<semaphore_mem>> -> memref<!tpu.dma_semaphore, #tpu.memory_space<semaphore_mem>>
            %dma_start3A_598 = arith.constant 0 : i32
            %dma_start3A_599 = arith.constant 0 : i32
            %dma_start3A_600 = arith.constant 0 : i32
            %dma_start3A_601 = tpu.memref_slice %run_scoped3A_3[%rem3A_591, %dma_start3A_598, %dma_start3A_599, %dma_start3A_600] : memref<2x1x768x3072xf32, #tpu.memory_space<vmem>> -> memref<1x1x768x3072xf32, #tpu.memory_space<vmem>>
            %dma_start3A_602 = tpu.memref_squeeze %dma_start3A_601 : memref<1x1x768x3072xf32, #tpu.memory_space<vmem>> -> memref<1x768x3072xf32, #tpu.memory_space<vmem>>
            %dma_start3A_603 = arith.constant 0 : i32
            %dma_start3A_604 = arith.constant 0 : i32
            %dma_start3A_605 = tpu.memref_slice %arg5[%mul3A_595, %dma_start3A_603, %dma_start3A_604] : memref<8x768x3072xf32, #tpu.memory_space<hbm>> -> memref<1x768x3072xf32, #tpu.memory_space<hbm>>
            tpu.enqueue_dma source(%dma_start3A_605 : memref<1x768x3072xf32, #tpu.memory_space<hbm>>) target(%dma_start3A_602 : memref<1x768x3072xf32, #tpu.memory_space<vmem>>) target_semaphore(%dma_start3A_597 : memref<!tpu.dma_semaphore, #tpu.memory_space<semaphore_mem>>)
          } else {
          }
          %convert_element_type3A_581 = arith.extui %or3A_577 : i1 to i32
          %add3A_582 = arith.addi %while3A_562, %convert_element_type3A_581 : i32
          %add3A_583 = arith.constant 1 : i32
          %add3A_584 = arith.addi %while3A_561, %add3A_583 : i32
          %select_n3A_585 = arith.constant true
          %select_n3A_586 = arith.select %select_n3A_585, %add3A_584, %while3A_561 : i32
          %select_n3A_587 = arith.constant false
          %select_n3A_588 = arith.constant 0 : i32
          %select_n3A_589 = arith.select %select_n3A_587, %select_n3A_588, %select_n3A_586 : i32
          scf.yield %while3A_561, %select_n3A_589, %add3A_582 : i32, i32, i32
        }
        %get3A_282 = arith.index_cast %add3A_185 : i32 to index
        %get3A_283 = memref.load %arg2[%get3A_282] : memref<40xi32, #tpu.memory_space<smem>>
        %get3A_284 = arith.index_cast %add3A_205 : i32 to index
        %get3A_285 = memref.load %arg2[%get3A_284] : memref<40xi32, #tpu.memory_space<smem>>
        %ne3A_286 = arith.cmpi ne, %get3A_283, %get3A_285 : i32
        %or3A_287 = arith.constant false
        %or3A_288 = arith.ori %or3A_287, %ne3A_286 : i1
        %or3A_289 = arith.constant false
        %or3A_290 = arith.ori %or3A_288, %or3A_289 : i1
        %ge3A_291 = arith.constant 39 : i32
        %ge3A_292 = arith.cmpi sge, %scan3A_168, %ge3A_291 : i32
        %not3A_293 = arith.constant true
        %not3A_294 = arith.xori %ge3A_292, %not3A_293 : i1
        %and3A_295 = arith.andi %or3A_290, %not3A_294 : i1
        %get3A_296 = arith.index_cast %add3A_185 : i32 to index
        %get3A_297 = memref.load %arg2[%get3A_296] : memref<40xi32, #tpu.memory_space<smem>>
        %get3A_298 = arith.index_cast %add3A_195 : i32 to index
        %get3A_299 = memref.load %arg2[%get3A_298] : memref<40xi32, #tpu.memory_space<smem>>
        %ne3A_300 = arith.cmpi ne, %get3A_297, %get3A_299 : i32
        %or3A_301 = arith.constant false
        %or3A_302 = arith.ori %or3A_301, %ne3A_300 : i1
        %or3A_303 = arith.constant false
        %or3A_304 = arith.ori %or3A_302, %or3A_303 : i1
        %or3A_305 = arith.ori %or3A_304, %eq3A_181 : i1
        %convert_element_type3A_306 = arith.extui %or3A_305 : i1 to i32
        %cond3A_307 = arith.constant 0 : i32
        %cond3A_308 = arith.cmpi ne, %convert_element_type3A_306, %cond3A_307 : i32
        scf.if %cond3A_308 {
          "tpu.trace_start"() <{level = 10 : i32, message = "ep_wait_in"}> : () -> ()
          %get3A_560 = arith.index_cast %add3A_185 : i32 to index
          %get3A_561 = memref.load %arg2[%get3A_560] : memref<40xi32, #tpu.memory_space<smem>>
          %mul3A_562 = arith.constant 128 : i32
          %mul3A_563 = arith.muli %mul3A_562, %get3A_561 : i32
          %rem3A_564 = arith.constant 2 : i32
          %rem3A_565 = arith.remui %scan3A_170, %rem3A_564 : i32
          %dma_wait3A_566 = tpu.memref_slice %run_scoped3A_0[%rem3A_565] : memref<2x!tpu.dma_semaphore, #tpu.memory_space<semaphore_mem>> -> memref<1x!tpu.dma_semaphore, #tpu.memory_space<semaphore_mem>>
          %dma_wait3A_567 = tpu.memref_squeeze %dma_wait3A_566 : memref<1x!tpu.dma_semaphore, #tpu.memory_space<semaphore_mem>> -> memref<!tpu.dma_semaphore, #tpu.memory_space<semaphore_mem>>
          %dma_wait3A_568 = arith.constant 0 : i32
          %dma_wait3A_569 = arith.constant 0 : i32
          %dma_wait3A_570 = tpu.memref_slice %run_scoped3A[%rem3A_565, %dma_wait3A_568, %dma_wait3A_569] : memref<2x128x768xf32, #tpu.memory_space<vmem>> -> memref<1x128x768xf32, #tpu.memory_space<vmem>>
          %dma_wait3A_571 = tpu.memref_squeeze %dma_wait3A_570 : memref<1x128x768xf32, #tpu.memory_space<vmem>> -> memref<128x768xf32, #tpu.memory_space<vmem>>
          %dma_wait3A_572 = arith.constant 0 : i32
          %dma_wait3A_573 = tpu.memref_slice %arg3[%mul3A_563, %dma_wait3A_572] : memref<5120x768xf32, #tpu.memory_space<hbm>> -> memref<128x768xf32, #tpu.memory_space<hbm>>
          tpu.wait_dma2 semaphore(%dma_wait3A_567 : memref<!tpu.dma_semaphore, #tpu.memory_space<semaphore_mem>>) src(%dma_wait3A_573 : memref<128x768xf32, #tpu.memory_space<hbm>>) dst(%dma_wait3A_571 : memref<128x768xf32, #tpu.memory_space<vmem>>)
          "tpu.trace_stop"() : () -> ()
        } else {
        }
        %get3A_309 = arith.index_cast %add3A_185 : i32 to index
        %get3A_310 = memref.load %arg0[%get3A_309] : memref<40xi32, #tpu.memory_space<smem>>
        %get3A_311 = arith.index_cast %add3A_195 : i32 to index
        %get3A_312 = memref.load %arg0[%get3A_311] : memref<40xi32, #tpu.memory_space<smem>>
        %ne3A_313 = arith.cmpi ne, %get3A_310, %get3A_312 : i32
        %or3A_314 = arith.constant false
        %or3A_315 = arith.ori %or3A_314, %ne3A_313 : i1
        %or3A_316 = arith.constant false
        %or3A_317 = arith.ori %or3A_315, %or3A_316 : i1
        %or3A_318 = arith.constant false
        %or3A_319 = arith.ori %or3A_317, %or3A_318 : i1
        %or3A_320 = arith.ori %or3A_319, %eq3A_181 : i1
        %convert_element_type3A_321 = arith.extui %or3A_320 : i1 to i32
        %cond3A_322 = arith.constant 0 : i32
        %cond3A_323 = arith.cmpi ne, %convert_element_type3A_321, %cond3A_322 : i32
        scf.if %cond3A_323 {
          "tpu.trace_start"() <{level = 10 : i32, message = "ep_wait_in"}> : () -> ()
          %get3A_560 = arith.index_cast %add3A_185 : i32 to index
          %get3A_561 = memref.load %arg0[%get3A_560] : memref<40xi32, #tpu.memory_space<smem>>
          %mul3A_562 = arith.constant 1 : i32
          %mul3A_563 = arith.muli %mul3A_562, %get3A_561 : i32
          %rem3A_564 = arith.constant 2 : i32
          %rem3A_565 = arith.remui %scan3A_172, %rem3A_564 : i32
          %dma_wait3A_566 = tpu.memref_slice %run_scoped3A_2[%rem3A_565] : memref<2x!tpu.dma_semaphore, #tpu.memory_space<semaphore_mem>> -> memref<1x!tpu.dma_semaphore, #tpu.memory_space<semaphore_mem>>
          %dma_wait3A_567 = tpu.memref_squeeze %dma_wait3A_566 : memref<1x!tpu.dma_semaphore, #tpu.memory_space<semaphore_mem>> -> memref<!tpu.dma_semaphore, #tpu.memory_space<semaphore_mem>>
          %dma_wait3A_568 = arith.constant 0 : i32
          %dma_wait3A_569 = arith.constant 0 : i32
          %dma_wait3A_570 = arith.constant 0 : i32
          %dma_wait3A_571 = tpu.memref_slice %run_scoped3A_1[%rem3A_565, %dma_wait3A_568, %dma_wait3A_569, %dma_wait3A_570] : memref<2x1x3072x768xf32, #tpu.memory_space<vmem>> -> memref<1x1x3072x768xf32, #tpu.memory_space<vmem>>
          %dma_wait3A_572 = tpu.memref_squeeze %dma_wait3A_571 : memref<1x1x3072x768xf32, #tpu.memory_space<vmem>> -> memref<1x3072x768xf32, #tpu.memory_space<vmem>>
          %dma_wait3A_573 = arith.constant 0 : i32
          %dma_wait3A_574 = arith.constant 0 : i32
          %dma_wait3A_575 = tpu.memref_slice %arg4[%mul3A_563, %dma_wait3A_573, %dma_wait3A_574] : memref<8x3072x768xf32, #tpu.memory_space<hbm>> -> memref<1x3072x768xf32, #tpu.memory_space<hbm>>
          tpu.wait_dma2 semaphore(%dma_wait3A_567 : memref<!tpu.dma_semaphore, #tpu.memory_space<semaphore_mem>>) src(%dma_wait3A_575 : memref<1x3072x768xf32, #tpu.memory_space<hbm>>) dst(%dma_wait3A_572 : memref<1x3072x768xf32, #tpu.memory_space<vmem>>)
          "tpu.trace_stop"() : () -> ()
        } else {
        }
        %get3A_324 = arith.index_cast %add3A_185 : i32 to index
        %get3A_325 = memref.load %arg0[%get3A_324] : memref<40xi32, #tpu.memory_space<smem>>
        %get3A_326 = arith.index_cast %add3A_195 : i32 to index
        %get3A_327 = memref.load %arg0[%get3A_326] : memref<40xi32, #tpu.memory_space<smem>>
        %ne3A_328 = arith.cmpi ne, %get3A_325, %get3A_327 : i32
        %or3A_329 = arith.constant false
        %or3A_330 = arith.ori %or3A_329, %ne3A_328 : i1
        %or3A_331 = arith.constant false
        %or3A_332 = arith.ori %or3A_330, %or3A_331 : i1
        %or3A_333 = arith.constant false
        %or3A_334 = arith.ori %or3A_332, %or3A_333 : i1
        %or3A_335 = arith.ori %or3A_334, %eq3A_181 : i1
        %convert_element_type3A_336 = arith.extui %or3A_335 : i1 to i32
        %cond3A_337 = arith.constant 0 : i32
        %cond3A_338 = arith.cmpi ne, %convert_element_type3A_336, %cond3A_337 : i32
        scf.if %cond3A_338 {
          "tpu.trace_start"() <{level = 10 : i32, message = "ep_wait_in"}> : () -> ()
          %get3A_560 = arith.index_cast %add3A_185 : i32 to index
          %get3A_561 = memref.load %arg0[%get3A_560] : memref<40xi32, #tpu.memory_space<smem>>
          %mul3A_562 = arith.constant 1 : i32
          %mul3A_563 = arith.muli %mul3A_562, %get3A_561 : i32
          %rem3A_564 = arith.constant 2 : i32
          %rem3A_565 = arith.remui %scan3A_175, %rem3A_564 : i32
          %dma_wait3A_566 = tpu.memref_slice %run_scoped3A_4[%rem3A_565] : memref<2x!tpu.dma_semaphore, #tpu.memory_space<semaphore_mem>> -> memref<1x!tpu.dma_semaphore, #tpu.memory_space<semaphore_mem>>
          %dma_wait3A_567 = tpu.memref_squeeze %dma_wait3A_566 : memref<1x!tpu.dma_semaphore, #tpu.memory_space<semaphore_mem>> -> memref<!tpu.dma_semaphore, #tpu.memory_space<semaphore_mem>>
          %dma_wait3A_568 = arith.constant 0 : i32
          %dma_wait3A_569 = arith.constant 0 : i32
          %dma_wait3A_570 = arith.constant 0 : i32
          %dma_wait3A_571 = tpu.memref_slice %run_scoped3A_3[%rem3A_565, %dma_wait3A_568, %dma_wait3A_569, %dma_wait3A_570] : memref<2x1x768x3072xf32, #tpu.memory_space<vmem>> -> memref<1x1x768x3072xf32, #tpu.memory_space<vmem>>
          %dma_wait3A_572 = tpu.memref_squeeze %dma_wait3A_571 : memref<1x1x768x3072xf32, #tpu.memory_space<vmem>> -> memref<1x768x3072xf32, #tpu.memory_space<vmem>>
          %dma_wait3A_573 = arith.constant 0 : i32
          %dma_wait3A_574 = arith.constant 0 : i32
          %dma_wait3A_575 = tpu.memref_slice %arg5[%mul3A_563, %dma_wait3A_573, %dma_wait3A_574] : memref<8x768x3072xf32, #tpu.memory_space<hbm>> -> memref<1x768x3072xf32, #tpu.memory_space<hbm>>
          tpu.wait_dma2 semaphore(%dma_wait3A_567 : memref<!tpu.dma_semaphore, #tpu.memory_space<semaphore_mem>>) src(%dma_wait3A_575 : memref<1x768x3072xf32, #tpu.memory_space<hbm>>) dst(%dma_wait3A_572 : memref<1x768x3072xf32, #tpu.memory_space<vmem>>)
          "tpu.trace_stop"() : () -> ()
        } else {
        }
        %get3A_339 = arith.index_cast %add3A_185 : i32 to index
        %get3A_340 = memref.load %arg2[%get3A_339] : memref<40xi32, #tpu.memory_space<smem>>
        %get3A_341 = arith.index_cast %add3A_195 : i32 to index
        %get3A_342 = memref.load %arg2[%get3A_341] : memref<40xi32, #tpu.memory_space<smem>>
        %ne3A_343 = arith.cmpi ne, %get3A_340, %get3A_342 : i32
        %or3A_344 = arith.constant false
        %or3A_345 = arith.ori %or3A_344, %ne3A_343 : i1
        %or3A_346 = arith.constant false
        %or3A_347 = arith.ori %or3A_345, %or3A_346 : i1
        %or3A_348 = arith.ori %or3A_347, %eq3A_181 : i1
        %convert_element_type3A_349 = arith.extui %or3A_348 : i1 to i32
        %cond3A_350 = arith.constant 0 : i32
        %cond3A_351 = arith.cmpi ne, %convert_element_type3A_349, %cond3A_350 : i32
        scf.if %cond3A_351 {
        } else {
        }
        %rem3A_352 = arith.constant 2 : i32
        %rem3A_353 = arith.remui %scan3A_170, %rem3A_352 : i32
        %rem3A_354 = arith.constant 2 : i32
        %rem3A_355 = arith.remui %scan3A_172, %rem3A_354 : i32
        %rem3A_356 = arith.constant 2 : i32
        %rem3A_357 = arith.remui %scan3A_175, %rem3A_356 : i32
        %rem3A_358 = arith.constant 2 : i32
        %rem3A_359 = arith.remui %scan3A_177, %rem3A_358 : i32
        "tpu.trace_start"() <{level = 10 : i32, message = "ep_run_kernel"}> : () -> ()
        %get3A_360 = arith.index_cast %add3A_185 : i32 to index
        %get3A_361 = memref.load %arg1[%get3A_360] : memref<40xi32, #tpu.memory_space<smem>>
        %ne3A_362 = arith.constant 0 : i32
        %ne3A_363 = arith.cmpi ne, %get3A_361, %ne3A_362 : i32
        %convert_element_type3A_364 = arith.extui %ne3A_363 : i1 to i32
        %cond3A_365 = arith.constant 0 : i32
        %cond3A_366 = arith.cmpi ne, %convert_element_type3A_364, %cond3A_365 : i32
        scf.if %cond3A_366 {
          %get3A_560 = arith.index_cast %rem3A_353 : i32 to index
          %get3A_561 = arith.constant 0 : index
          %get3A_562 = arith.constant 0 : index
          %get3A_563 = vector.load %run_scoped3A[%get3A_560, %get3A_561, %get3A_562] : memref<2x128x768xf32, #tpu.memory_space<vmem>>, vector<1x128x768xf32>
          %get3A_564 = vector.shape_cast %get3A_563 : vector<1x128x768xf32> to vector<128x768xf32>
          %get3A_565 = arith.constant 0 : i32
          %get3A_566 = arith.constant 0 : i32
          %get3A_567 = arith.constant 0 : i32
          %get3A_568 = tpu.memref_slice %run_scoped3A_1[%rem3A_355, %get3A_565, %get3A_566, %get3A_567] : memref<2x1x3072x768xf32, #tpu.memory_space<vmem>> -> memref<1x1x3072x768xf32, #tpu.memory_space<vmem>>
          %get3A_569 = tpu.memref_squeeze %get3A_568 : memref<1x1x3072x768xf32, #tpu.memory_space<vmem>> -> memref<1x3072x768xf32, #tpu.memory_space<vmem>>
          %get3A_570 = arith.constant 0 : index
          %get3A_571 = arith.constant 0 : index
          %get3A_572 = arith.constant 0 : index
          %get3A_573 = vector.load %get3A_569[%get3A_570, %get3A_571, %get3A_572] : memref<1x3072x768xf32, #tpu.memory_space<vmem>>, vector<1x3072x768xf32>
          %get3A_574 = vector.shape_cast %get3A_573 : vector<1x3072x768xf32> to vector<3072x768xf32>
          %dot_general3A = arith.constant dense<0.000000e+00> : vector<128x3072xf32>
          %dot_general3A_575 = tpu.matmul %get3A_564, %get3A_574, %dot_general3A {dimension_numbers = #tpu.dot_dimension_numbers<[1], [1], [0], [0], [0, 0, 1, 0], [], []>, transpose_lhs_hint = false} : vector<128x768xf32>, vector<3072x768xf32>, vector<128x3072xf32> -> vector<128x3072xf32>
          %max3A = arith.constant 0.000000e+00 : f32
          %max3A_576 = vector.broadcast %max3A : f32 to vector<128x3072xf32>
          %max3A_577 = arith.maximumf %dot_general3A_575, %max3A_576 : vector<128x3072xf32>
          %mul3A_578 = arith.mulf %max3A_577, %max3A_577 : vector<128x3072xf32>
          %get3A_579 = arith.constant 0 : i32
          %get3A_580 = arith.constant 0 : i32
          %get3A_581 = arith.constant 0 : i32
          %get3A_582 = tpu.memref_slice %run_scoped3A_3[%rem3A_357, %get3A_579, %get3A_580, %get3A_581] : memref<2x1x768x3072xf32, #tpu.memory_space<vmem>> -> memref<1x1x768x3072xf32, #tpu.memory_space<vmem>>
          %get3A_583 = tpu.memref_squeeze %get3A_582 : memref<1x1x768x3072xf32, #tpu.memory_space<vmem>> -> memref<1x768x3072xf32, #tpu.memory_space<vmem>>
          %get3A_584 = arith.constant 0 : index
          %get3A_585 = arith.constant 0 : index
          %get3A_586 = arith.constant 0 : index
          %get3A_587 = vector.load %get3A_583[%get3A_584, %get3A_585, %get3A_586] : memref<1x768x3072xf32, #tpu.memory_space<vmem>>, vector<1x768x3072xf32>
          %get3A_588 = vector.shape_cast %get3A_587 : vector<1x768x3072xf32> to vector<768x3072xf32>
          %dot_general3A_589 = arith.constant dense<0.000000e+00> : vector<128x768xf32>
          %dot_general3A_590 = tpu.matmul %mul3A_578, %get3A_588, %dot_general3A_589 {dimension_numbers = #tpu.dot_dimension_numbers<[1], [1], [0], [0], [0, 0, 1, 0], [], []>, transpose_lhs_hint = false} : vector<128x3072xf32>, vector<768x3072xf32>, vector<128x768xf32> -> vector<128x768xf32>
          %swap3A = arith.index_cast %rem3A_359 : i32 to index
          %swap3A_591 = arith.constant 0 : index
          %swap3A_592 = arith.constant 0 : index
          %swap3A_593 = vector.load %run_scoped3A_5[%swap3A, %swap3A_591, %swap3A_592] : memref<2x128x768xf32, #tpu.memory_space<vmem>>, vector<1x128x768xf32>
          %swap3A_594 = vector.shape_cast %swap3A_593 : vector<1x128x768xf32> to vector<128x768xf32>
          %swap3A_595 = vector.shape_cast %dot_general3A_590 : vector<128x768xf32> to vector<1x128x768xf32>
          tpu.vector_store %run_scoped3A_5[%swap3A, %swap3A_591, %swap3A_592], %swap3A_595 {strides = array<i32>} : memref<2x128x768xf32, #tpu.memory_space<vmem>>, vector<1x128x768xf32>,
        } else {
        }
        "tpu.trace_stop"() : () -> ()
        %get3A_367 = arith.index_cast %add3A_185 : i32 to index
        %get3A_368 = memref.load %arg2[%get3A_367] : memref<40xi32, #tpu.memory_space<smem>>
        %get3A_369 = arith.index_cast %add3A_205 : i32 to index
        %get3A_370 = memref.load %arg2[%get3A_369] : memref<40xi32, #tpu.memory_space<smem>>
        %ne3A_371 = arith.cmpi ne, %get3A_368, %get3A_370 : i32
        %or3A_372 = arith.constant false
        %or3A_373 = arith.ori %or3A_372, %ne3A_371 : i1
        %or3A_374 = arith.constant false
        %or3A_375 = arith.ori %or3A_373, %or3A_374 : i1
        %or3A_376 = arith.ori %or3A_375, %eq3A_183 : i1
        %convert_element_type3A_377 = arith.extui %or3A_376 : i1 to i32
        %cond3A_378 = arith.constant 0 : i32
        %cond3A_379 = arith.cmpi ne, %convert_element_type3A_377, %cond3A_378 : i32
        scf.if %cond3A_379 {
        } else {
        }
        %and3A_380 = arith.constant false
        %and3A_381 = arith.andi %or3A_376, %and3A_380 : i1
        %get3A_382 = arith.index_cast %add3A_185 : i32 to index
        %get3A_383 = memref.load %arg0[%get3A_382] : memref<40xi32, #tpu.memory_space<smem>>
        %get3A_384 = arith.index_cast %add3A_205 : i32 to index
        %get3A_385 = memref.load %arg0[%get3A_384] : memref<40xi32, #tpu.memory_space<smem>>
        %ne3A_386 = arith.cmpi ne, %get3A_383, %get3A_385 : i32
        %or3A_387 = arith.constant false
        %or3A_388 = arith.ori %or3A_387, %ne3A_386 : i1
        %or3A_389 = arith.constant false
        %or3A_390 = arith.ori %or3A_388, %or3A_389 : i1
        %or3A_391 = arith.constant false
        %or3A_392 = arith.ori %or3A_390, %or3A_391 : i1
        %or3A_393 = arith.ori %or3A_392, %eq3A_183 : i1
        %convert_element_type3A_394 = arith.extui %or3A_393 : i1 to i32
        %cond3A_395 = arith.constant 0 : i32
        %cond3A_396 = arith.cmpi ne, %convert_element_type3A_394, %cond3A_395 : i32
        scf.if %cond3A_396 {
        } else {
        }
        %and3A_397 = arith.constant false
        %and3A_398 = arith.andi %or3A_393, %and3A_397 : i1
        %get3A_399 = arith.index_cast %add3A_185 : i32 to index
        %get3A_400 = memref.load %arg0[%get3A_399] : memref<40xi32, #tpu.memory_space<smem>>
        %get3A_401 = arith.index_cast %add3A_205 : i32 to index
        %get3A_402 = memref.load %arg0[%get3A_401] : memref<40xi32, #tpu.memory_space<smem>>
        %ne3A_403 = arith.cmpi ne, %get3A_400, %get3A_402 : i32
        %or3A_404 = arith.constant false
        %or3A_405 = arith.ori %or3A_404, %ne3A_403 : i1
        %or3A_406 = arith.constant false
        %or3A_407 = arith.ori %or3A_405, %or3A_406 : i1
        %or3A_408 = arith.constant false
        %or3A_409 = arith.ori %or3A_407, %or3A_408 : i1
        %or3A_410 = arith.ori %or3A_409, %eq3A_183 : i1
        %convert_element_type3A_411 = arith.extui %or3A_410 : i1 to i32
        %cond3A_412 = arith.constant 0 : i32
        %cond3A_413 = arith.cmpi ne, %convert_element_type3A_411, %cond3A_412 : i32
        scf.if %cond3A_413 {
        } else {
        }
        %and3A_414 = arith.constant false
        %and3A_415 = arith.andi %or3A_410, %and3A_414 : i1
        %get3A_416 = arith.index_cast %add3A_185 : i32 to index
        %get3A_417 = memref.load %arg2[%get3A_416] : memref<40xi32, #tpu.memory_space<smem>>
        %get3A_418 = arith.index_cast %add3A_205 : i32 to index
        %get3A_419 = memref.load %arg2[%get3A_418] : memref<40xi32, #tpu.memory_space<smem>>
        %ne3A_420 = arith.cmpi ne, %get3A_417, %get3A_419 : i32
        %or3A_421 = arith.constant false
        %or3A_422 = arith.ori %or3A_421, %ne3A_420 : i1
        %or3A_423 = arith.constant false
        %or3A_424 = arith.ori %or3A_422, %or3A_423 : i1
        %or3A_425 = arith.ori %or3A_424, %eq3A_183 : i1
        %convert_element_type3A_426 = arith.extui %or3A_425 : i1 to i32
        %cond3A_427 = arith.constant 0 : i32
        %cond3A_428 = arith.cmpi ne, %convert_element_type3A_426, %cond3A_427 : i32
        scf.if %cond3A_428 {
          "tpu.trace_start"() <{level = 10 : i32, message = "ep_copy_out"}> : () -> ()
          %rem3A_560 = arith.constant 2 : i32
          %rem3A_561 = arith.remui %scan3A_177, %rem3A_560 : i32
          %get3A_562 = arith.index_cast %add3A_185 : i32 to index
          %get3A_563 = memref.load %arg2[%get3A_562] : memref<40xi32, #tpu.memory_space<smem>>
          %mul3A_564 = arith.constant 128 : i32
          %mul3A_565 = arith.muli %mul3A_564, %get3A_563 : i32
          %dma_start3A_566 = tpu.memref_slice %run_scoped3A_6[%rem3A_561] : memref<2x!tpu.dma_semaphore, #tpu.memory_space<semaphore_mem>> -> memref<1x!tpu.dma_semaphore, #tpu.memory_space<semaphore_mem>>
          %dma_start3A_567 = tpu.memref_squeeze %dma_start3A_566 : memref<1x!tpu.dma_semaphore, #tpu.memory_space<semaphore_mem>> -> memref<!tpu.dma_semaphore, #tpu.memory_space<semaphore_mem>>
          %dma_start3A_568 = arith.constant 0 : i32
          %dma_start3A_569 = tpu.memref_slice %arg6[%mul3A_565, %dma_start3A_568] : memref<5120x768xf32, #tpu.memory_space<hbm>> -> memref<128x768xf32, #tpu.memory_space<hbm>>
          %dma_start3A_570 = arith.constant 0 : i32
          %dma_start3A_571 = arith.constant 0 : i32
          %dma_start3A_572 = tpu.memref_slice %run_scoped3A_5[%rem3A_561, %dma_start3A_570, %dma_start3A_571] : memref<2x128x768xf32, #tpu.memory_space<vmem>> -> memref<1x128x768xf32, #tpu.memory_space<vmem>>
          %dma_start3A_573 = tpu.memref_squeeze %dma_start3A_572 : memref<1x128x768xf32, #tpu.memory_space<vmem>> -> memref<128x768xf32, #tpu.memory_space<vmem>>
          tpu.enqueue_dma source(%dma_start3A_573 : memref<128x768xf32, #tpu.memory_space<vmem>>) target(%dma_start3A_569 : memref<128x768xf32, #tpu.memory_space<hbm>>) target_semaphore(%dma_start3A_567 : memref<!tpu.dma_semaphore, #tpu.memory_space<semaphore_mem>>)
          "tpu.trace_stop"() : () -> ()
        } else {
        }
        %and3A_429 = arith.constant true
        %and3A_430 = arith.andi %or3A_425, %and3A_429 : i1
        %add3A_431 = arith.constant 1 : i32
        %add3A_432 = arith.addi %scan3A_177, %add3A_431 : i32
        %select_n3A_433 = arith.select %and3A_430, %add3A_432, %scan3A_177 : i32
        %get3A_434 = arith.index_cast %add3A_185 : i32 to index
        %get3A_435 = memref.load %arg2[%get3A_434] : memref<40xi32, #tpu.memory_space<smem>>
        %get3A_436 = arith.index_cast %add3A_195 : i32 to index
        %get3A_437 = memref.load %arg2[%get3A_436] : memref<40xi32, #tpu.memory_space<smem>>
        %ne3A_438 = arith.cmpi ne, %get3A_435, %get3A_437 : i32
        %or3A_439 = arith.constant false
        %or3A_440 = arith.ori %or3A_439, %ne3A_438 : i1
        %or3A_441 = arith.constant false
        %or3A_442 = arith.ori %or3A_440, %or3A_441 : i1
        %not3A_443 = arith.constant true
        %not3A_444 = arith.xori %eq3A_181, %not3A_443 : i1
        %and3A_445 = arith.andi %or3A_442, %not3A_444 : i1
        %convert_element_type3A_446 = arith.extui %and3A_445 : i1 to i32
        %cond3A_447 = arith.constant 0 : i32
        %cond3A_448 = arith.cmpi ne, %convert_element_type3A_446, %cond3A_447 : i32
        scf.if %cond3A_448 {
        } else {
        }
        %and3A_449 = arith.constant false
        %and3A_450 = arith.andi %and3A_445, %and3A_449 : i1
        %get3A_451 = arith.index_cast %add3A_185 : i32 to index
        %get3A_452 = memref.load %arg0[%get3A_451] : memref<40xi32, #tpu.memory_space<smem>>
        %get3A_453 = arith.index_cast %add3A_195 : i32 to index
        %get3A_454 = memref.load %arg0[%get3A_453] : memref<40xi32, #tpu.memory_space<smem>>
        %ne3A_455 = arith.cmpi ne, %get3A_452, %get3A_454 : i32
        %or3A_456 = arith.constant false
        %or3A_457 = arith.ori %or3A_456, %ne3A_455 : i1
        %or3A_458 = arith.constant false
        %or3A_459 = arith.ori %or3A_457, %or3A_458 : i1
        %or3A_460 = arith.constant false
        %or3A_461 = arith.ori %or3A_459, %or3A_460 : i1
        %not3A_462 = arith.constant true
        %not3A_463 = arith.xori %eq3A_181, %not3A_462 : i1
        %and3A_464 = arith.andi %or3A_461, %not3A_463 : i1
        %convert_element_type3A_465 = arith.extui %and3A_464 : i1 to i32
        %cond3A_466 = arith.constant 0 : i32
        %cond3A_467 = arith.cmpi ne, %convert_element_type3A_465, %cond3A_466 : i32
        scf.if %cond3A_467 {
        } else {
        }
        %and3A_468 = arith.constant false
        %and3A_469 = arith.andi %and3A_464, %and3A_468 : i1
        %get3A_470 = arith.index_cast %add3A_185 : i32 to index
        %get3A_471 = memref.load %arg0[%get3A_470] : memref<40xi32, #tpu.memory_space<smem>>
        %get3A_472 = arith.index_cast %add3A_195 : i32 to index
        %get3A_473 = memref.load %arg0[%get3A_472] : memref<40xi32, #tpu.memory_space<smem>>
        %ne3A_474 = arith.cmpi ne, %get3A_471, %get3A_473 : i32
        %or3A_475 = arith.constant false
        %or3A_476 = arith.ori %or3A_475, %ne3A_474 : i1
        %or3A_477 = arith.constant false
        %or3A_478 = arith.ori %or3A_476, %or3A_477 : i1
        %or3A_479 = arith.constant false
        %or3A_480 = arith.ori %or3A_478, %or3A_479 : i1
        %not3A_481 = arith.constant true
        %not3A_482 = arith.xori %eq3A_181, %not3A_481 : i1
        %and3A_483 = arith.andi %or3A_480, %not3A_482 : i1
        %convert_element_type3A_484 = arith.extui %and3A_483 : i1 to i32
        %cond3A_485 = arith.constant 0 : i32
        %cond3A_486 = arith.cmpi ne, %convert_element_type3A_484, %cond3A_485 : i32
        scf.if %cond3A_486 {
        } else {
        }
        %and3A_487 = arith.constant false
        %and3A_488 = arith.andi %and3A_483, %and3A_487 : i1
        %get3A_489 = arith.index_cast %add3A_185 : i32 to index
        %get3A_490 = memref.load %arg2[%get3A_489] : memref<40xi32, #tpu.memory_space<smem>>
        %get3A_491 = arith.index_cast %add3A_195 : i32 to index
        %get3A_492 = memref.load %arg2[%get3A_491] : memref<40xi32, #tpu.memory_space<smem>>
        %ne3A_493 = arith.cmpi ne, %get3A_490, %get3A_492 : i32
        %or3A_494 = arith.constant false
        %or3A_495 = arith.ori %or3A_494, %ne3A_493 : i1
        %or3A_496 = arith.constant false
        %or3A_497 = arith.ori %or3A_495, %or3A_496 : i1
        %not3A_498 = arith.constant true
        %not3A_499 = arith.xori %eq3A_181, %not3A_498 : i1
        %and3A_500 = arith.andi %or3A_497, %not3A_499 : i1
        %convert_element_type3A_501 = arith.extui %and3A_500 : i1 to i32
        %cond3A_502 = arith.constant 0 : i32
        %cond3A_503 = arith.cmpi ne, %convert_element_type3A_501, %cond3A_502 : i32
        scf.if %cond3A_503 {
          "tpu.trace_start"() <{level = 10 : i32, message = "ep_wait_out"}> : () -> ()
          %rem3A_560 = arith.constant 2 : i32
          %rem3A_561 = arith.remui %scan3A_178, %rem3A_560 : i32
          %get3A_562 = arith.index_cast %add3A_195 : i32 to index
          %get3A_563 = memref.load %arg2[%get3A_562] : memref<40xi32, #tpu.memory_space<smem>>
          %mul3A_564 = arith.constant 128 : i32
          %mul3A_565 = arith.muli %mul3A_564, %get3A_563 : i32
          %dma_wait3A_566 = tpu.memref_slice %run_scoped3A_6[%rem3A_561] : memref<2x!tpu.dma_semaphore, #tpu.memory_space<semaphore_mem>> -> memref<1x!tpu.dma_semaphore, #tpu.memory_space<semaphore_mem>>
          %dma_wait3A_567 = tpu.memref_squeeze %dma_wait3A_566 : memref<1x!tpu.dma_semaphore, #tpu.memory_space<semaphore_mem>> -> memref<!tpu.dma_semaphore, #tpu.memory_space<semaphore_mem>>
          %dma_wait3A_568 = arith.constant 0 : i32
          %dma_wait3A_569 = tpu.memref_slice %arg6[%mul3A_565, %dma_wait3A_568] : memref<5120x768xf32, #tpu.memory_space<hbm>> -> memref<128x768xf32, #tpu.memory_space<hbm>>
          %dma_wait3A_570 = arith.constant 0 : i32
          %dma_wait3A_571 = arith.constant 0 : i32
          %dma_wait3A_572 = tpu.memref_slice %run_scoped3A_5[%rem3A_561, %dma_wait3A_570, %dma_wait3A_571] : memref<2x128x768xf32, #tpu.memory_space<vmem>> -> memref<1x128x768xf32, #tpu.memory_space<vmem>>
          %dma_wait3A_573 = tpu.memref_squeeze %dma_wait3A_572 : memref<1x128x768xf32, #tpu.memory_space<vmem>> -> memref<128x768xf32, #tpu.memory_space<vmem>>
          tpu.wait_dma2 semaphore(%dma_wait3A_567 : memref<!tpu.dma_semaphore, #tpu.memory_space<semaphore_mem>>) src(%dma_wait3A_573 : memref<128x768xf32, #tpu.memory_space<vmem>>) dst(%dma_wait3A_569 : memref<128x768xf32, #tpu.memory_space<hbm>>)
          "tpu.trace_stop"() : () -> ()
        } else {
        }
        %and3A_504 = arith.constant true
        %and3A_505 = arith.andi %and3A_500, %and3A_504 : i1
        %add3A_506 = arith.constant 1 : i32
        %add3A_507 = arith.addi %scan3A_178, %add3A_506 : i32
        %select_n3A_508 = arith.select %and3A_505, %add3A_507, %scan3A_178 : i32
        %get3A_509 = arith.index_cast %add3A_185 : i32 to index
        %get3A_510 = memref.load %arg2[%get3A_509] : memref<40xi32, #tpu.memory_space<smem>>
        %get3A_511 = arith.index_cast %add3A_205 : i32 to index
        %get3A_512 = memref.load %arg2[%get3A_511] : memref<40xi32, #tpu.memory_space<smem>>
        %ne3A_513 = arith.cmpi ne, %get3A_510, %get3A_512 : i32
        %or3A_514 = arith.constant false
        %or3A_515 = arith.ori %or3A_514, %ne3A_513 : i1
        %or3A_516 = arith.constant false
        %or3A_517 = arith.ori %or3A_515, %or3A_516 : i1
        %or3A_518 = arith.ori %or3A_517, %eq3A_183 : i1
        %add3A_519 = arith.constant 1 : i32
        %add3A_520 = arith.addi %scan3A_170, %add3A_519 : i32
        %select_n3A_521 = arith.select %or3A_518, %add3A_520, %scan3A_170 : i32
        %get3A_522 = arith.index_cast %add3A_185 : i32 to index
        %get3A_523 = memref.load %arg0[%get3A_522] : memref<40xi32, #tpu.memory_space<smem>>
        %get3A_524 = arith.index_cast %add3A_205 : i32 to index
        %get3A_525 = memref.load %arg0[%get3A_524] : memref<40xi32, #tpu.memory_space<smem>>
        %ne3A_526 = arith.cmpi ne, %get3A_523, %get3A_525 : i32
        %or3A_527 = arith.constant false
        %or3A_528 = arith.ori %or3A_527, %ne3A_526 : i1
        %or3A_529 = arith.constant false
        %or3A_530 = arith.ori %or3A_528, %or3A_529 : i1
        %or3A_531 = arith.constant false
        %or3A_532 = arith.ori %or3A_530, %or3A_531 : i1
        %or3A_533 = arith.ori %or3A_532, %eq3A_183 : i1
        %add3A_534 = arith.constant 1 : i32
        %add3A_535 = arith.addi %scan3A_172, %add3A_534 : i32
        %select_n3A_536 = arith.select %or3A_533, %add3A_535, %scan3A_172 : i32
        %get3A_537 = arith.index_cast %add3A_185 : i32 to index
        %get3A_538 = memref.load %arg0[%get3A_537] : memref<40xi32, #tpu.memory_space<smem>>
        %get3A_539 = arith.index_cast %add3A_205 : i32 to index
        %get3A_540 = memref.load %arg0[%get3A_539] : memref<40xi32, #tpu.memory_space<smem>>
        %ne3A_541 = arith.cmpi ne, %get3A_538, %get3A_540 : i32
        %or3A_542 = arith.constant false
        %or3A_543 = arith.ori %or3A_542, %ne3A_541 : i1
        %or3A_544 = arith.constant false
        %or3A_545 = arith.ori %or3A_543, %or3A_544 : i1
        %or3A_546 = arith.constant false
        %or3A_547 = arith.ori %or3A_545, %or3A_546 : i1
        %or3A_548 = arith.ori %or3A_547, %eq3A_183 : i1
        %add3A_549 = arith.constant 1 : i32
        %add3A_550 = arith.addi %scan3A_175, %add3A_549 : i32
        %select_n3A_551 = arith.select %or3A_548, %add3A_550, %scan3A_175 : i32
        %add3A_552 = arith.constant 1 : i32
        %add3A_553 = arith.addi %scan3A_179, %add3A_552 : i32
        %select_n3A_554 = arith.constant true
        %select_n3A_555 = arith.select %select_n3A_554, %add3A_553, %scan3A_179 : i32
        %eq3A_556 = arith.constant 40 : i32
        %eq3A_557 = arith.cmpi eq, %select_n3A_555, %eq3A_556 : i32
        %select_n3A_558 = arith.constant 0 : i32
        %select_n3A_559 = arith.select %eq3A_557, %select_n3A_558, %select_n3A_555 : i32
        scf.yield %select_n3A_230, %select_n3A_521, %while3A#2, %select_n3A_536, %while3A#0, %while3A_281#2, %select_n3A_551, %while3A_281#0, %select_n3A_433, %select_n3A_508, %select_n3A_559 : i32, i32, i32, i32, i32, i32, i32, i32, i32, i32, i32
      }
      %scan3A_115 = arith.constant 40 : i32
      %sub3A = arith.constant 1 : i32
      %sub3A_116 = arith.subi %scan3A_114#10, %sub3A : i32
      %select_n3A_117 = arith.constant true
      %select_n3A_118 = arith.select %select_n3A_117, %sub3A_116, %scan3A_114#10 : i32
      %eq3A_119 = arith.constant -1 : i32
      %eq3A_120 = arith.cmpi eq, %select_n3A_118, %eq3A_119 : i32
      %select_n3A_121 = arith.constant 39 : i32
      %select_n3A_122 = arith.select %eq3A_120, %select_n3A_121, %select_n3A_118 : i32
      %add3A_123 = arith.constant 0 : i32
      %add3A_124 = arith.addi %select_n3A_122, %add3A_123 : i32
      %sub3A_125 = arith.constant 1 : i32
      %sub3A_126 = arith.subi %select_n3A_122, %sub3A_125 : i32
      %select_n3A_127 = arith.constant true
      %select_n3A_128 = arith.select %select_n3A_127, %sub3A_126, %select_n3A_122 : i32
      %eq3A_129 = arith.constant -1 : i32
      %eq3A_130 = arith.cmpi eq, %select_n3A_128, %eq3A_129 : i32
      %select_n3A_131 = arith.constant 39 : i32
      %select_n3A_132 = arith.select %eq3A_130, %select_n3A_131, %select_n3A_128 : i32
      %add3A_133 = arith.constant 0 : i32
      %add3A_134 = arith.addi %select_n3A_132, %add3A_133 : i32
      %add3A_135 = arith.constant 1 : i32
      %add3A_136 = arith.addi %select_n3A_122, %add3A_135 : i32
      %select_n3A_137 = arith.constant true
      %select_n3A_138 = arith.select %select_n3A_137, %add3A_136, %select_n3A_122 : i32
      %eq3A_139 = arith.constant 40 : i32
      %eq3A_140 = arith.cmpi eq, %select_n3A_138, %eq3A_139 : i32
      %select_n3A_141 = arith.constant 0 : i32
      %select_n3A_142 = arith.select %eq3A_140, %select_n3A_141, %select_n3A_138 : i32
      %add3A_143 = arith.constant 0 : i32
      %add3A_144 = arith.addi %select_n3A_142, %add3A_143 : i32
      %add3A_145 = arith.constant 1 : i32
      %add3A_146 = arith.addi %select_n3A_142, %add3A_145 : i32
      %select_n3A_147 = arith.constant true
      %select_n3A_148 = arith.select %select_n3A_147, %add3A_146, %select_n3A_142 : i32
      %eq3A_149 = arith.constant 40 : i32
      %eq3A_150 = arith.cmpi eq, %select_n3A_148, %eq3A_149 : i32
      %select_n3A_151 = arith.constant 0 : i32
      %select_n3A_152 = arith.select %eq3A_150, %select_n3A_151, %select_n3A_148 : i32
      %add3A_153 = arith.constant 0 : i32
      %add3A_154 = arith.addi %select_n3A_152, %add3A_153 : i32
      "tpu.trace_start"() <{level = 10 : i32, message = "ep_finalize"}> : () -> ()
      %rem3A_155 = arith.constant 2 : i32
      %rem3A_156 = arith.remui %scan3A_114#9, %rem3A_155 : i32
      %get3A_157 = arith.index_cast %add3A_124 : i32 to index
      %get3A_158 = memref.load %arg2[%get3A_157] : memref<40xi32, #tpu.memory_space<smem>>
      %mul3A_159 = arith.constant 128 : i32
      %mul3A_160 = arith.muli %mul3A_159, %get3A_158 : i32
      %dma_wait3A = tpu.memref_slice %run_scoped3A_6[%rem3A_156] : memref<2x!tpu.dma_semaphore, #tpu.memory_space<semaphore_mem>> -> memref<1x!tpu.dma_semaphore, #tpu.memory_space<semaphore_mem>>
      %dma_wait3A_161 = tpu.memref_squeeze %dma_wait3A : memref<1x!tpu.dma_semaphore, #tpu.memory_space<semaphore_mem>> -> memref<!tpu.dma_semaphore, #tpu.memory_space<semaphore_mem>>
      %dma_wait3A_162 = arith.constant 0 : i32
      %dma_wait3A_163 = tpu.memref_slice %arg6[%mul3A_160, %dma_wait3A_162] : memref<5120x768xf32, #tpu.memory_space<hbm>> -> memref<128x768xf32, #tpu.memory_space<hbm>>
      %dma_wait3A_164 = arith.constant 0 : i32
      %dma_wait3A_165 = arith.constant 0 : i32
      %dma_wait3A_166 = tpu.memref_slice %run_scoped3A_5[%rem3A_156, %dma_wait3A_164, %dma_wait3A_165] : memref<2x128x768xf32, #tpu.memory_space<vmem>> -> memref<1x128x768xf32, #tpu.memory_space<vmem>>
      %dma_wait3A_167 = tpu.memref_squeeze %dma_wait3A_166 : memref<1x128x768xf32, #tpu.memory_space<vmem>> -> memref<128x768xf32, #tpu.memory_space<vmem>>
      tpu.wait_dma2 semaphore(%dma_wait3A_161 : memref<!tpu.dma_semaphore, #tpu.memory_space<semaphore_mem>>) src(%dma_wait3A_167 : memref<128x768xf32, #tpu.memory_space<vmem>>) dst(%dma_wait3A_163 : memref<128x768xf32, #tpu.memory_space<hbm>>)
      "tpu.trace_stop"() : () -> ()
      tpu.yield
    }) : () -> ()
    return
  }
}

</mosaic_0001>

<sc_bundles>
// kernel: kernel.6.cloned.1.call-start
scs
__scs_entry_jumppad:
0x0: {  	(pc) =	sbr.rel $0x88, $3  }
0x1: {  	(tag) =	ssettag $0x0;
	lr =	simm.s32 $0x1  }
0x2: {  	[smem:$0x3F9D] =	sst lr;
	_ =	strace $0xD0000000  }
0x3: {  	_ = 	snop  }
0x4: {  	_ = 	snop  }
0x5: {  	_ = 	snop  }
0x6: {  	_ = 	snop  }
0x7: {  	_ = 	snop  }
__scs_overlays_trampoline_lowered:
0x8: {  	[smem:$0x3FAC] =	sst s0  }
0x9: {  	[smem:$0x3FAD] =	sst s1  }
0xa: {  	[smem:$0x3FAE] =	sst s2  }
0xb: {  	[smem:$0x3FAF] =	sst s3  }
0xc: {  	[smem:$0x3FB0] =	sst s4  }
0xd: {  	[smem:$0x3FB1] =	sst s5  }
0xe: {  	[smem:$0x3FB2] =	sst s6  }
0xf: {  	[smem:$0x3FB3] =	sst s7  }
0x10: {  	[smem:$0x3FB4] =	sst s8  }
0x11: {  	[smem:$0x3FB5] =	sst s9;
	s0 =	simm.s32 @!p0 $0x0  }
0x12: {  	s1 =	sld [smem:$0x3F9B];
	s0 =	simm.s32 @p0 $0x1  }
0x13: {  	[smem:$0x3FB6] =	sst s0;
	s0 =	simm.s32 @!p1 $0x0  }
0x14: {  	s2 =	sld [smem:$0x3F9A];
	s0 =	simm.s32 @p1 $0x1  }
0x15: {  	[smem:$0x3FB7] =	sst s0;
	s0 =	simm.s32 @!p2 $0x0  }
0x16: {  	s3 =	sld [smem:$0x3FDB];
	s0 =	simm.s32 @p2 $0x1  }
0x17: {  	s4 =	simm.s32 $0x1BF5;
	[smem:$0x3FB9] =	sst s0  }
0x18: {  	s0 =	sld [smem:$0x3F9C];
	_ =	swait.ge [sflag:s4], $0x0  }
0x19: {  	s7 =	sld [smem:$0x3F9D]  }
0x1a: {  	s8 =	sadd.s32 $0xFFFFE003, lr  }
0x1b: {  	s9 =	sadd.s32 $0xFFFFFEF7, lr;
	s5 =	simm.s32 $0xFFFFFFFF;
	p2 =	slt.u32 s8, $0xFFFFF086  }
0x1c: {  	p1 =	slt.u32 s9, $0xF7A;
	s5 =	simm.s32 @!p2 $0x0  }
0x1d: {  	s5 =	simm.s32 @p1 $0x1;
	p0 =	seq.s32 s7, s2  }
0x1e: {  	s7 =	smul.u32 @!p0 $0xF7A, s2;
	p2 =	seq.s32 @!p0 s5, $0x0  }
0x1f: {  	s9 =	smul.u32 $0xF7A, s1;
	s8 =	simm.s32 @!p0 $0x1BF5;
	p2 =	por !p2, p0  }
0x20: {  	[sflag:s8] =	ssyncset.s32 @!p0 $0xFFFFF086;
	s6 =	sadd.s32 @!p0 s3, s7;
	s7 =	simm.s32 @!p0 $0x108  }
0x21: {  	s3 =	sadd.s32 s3, s9;
	s6 =	sadd.s32 @!p0 $0x88, s6;
	s7 =	simm.s32 @p2 $0x1082  }
0x22: {  	[simem:s7], [sflag:s8] =	dma.local @!p0 [hbm:s6], $0xF7A  }
0x23: {  	s9 =	sor.u32 $0xD0000000, s2;
	s6 =	simm.s32 $0x108;
	_ =	swait.ge @!p0 [sflag:s8], $0x0  }
0x24: {  	s3 =	sadd.s32 $0x88, s3;
	s6 =	simm.s32 @!p1 $0x1082;
	[sflag:s4] =	ssyncset.s32 $0xFFFFF086  }
0x25: {  	[simem:s6], [sflag:s4] =	dma.local [hbm:s3], $0xF7A  }
0x26: {  	[smem:$0x3F9D] =	sst s1;
	(tag) =	ssettag s2;
	_ =	strace s9  }
0x27: {  	s1 =	sld [smem:$0x3FAD]  }
0x28: {  	s2 =	sld [smem:$0x3FAE]  }
0x29: {  	s4 =	sld [smem:$0x3FB0]  }
0x2a: {  	p0 =	seq.s32 s5, $0x0;
	s5 =	sld [smem:$0x3FB1]  }
0x2b: {  	s6 =	sld [smem:$0x3FB2]  }
0x2c: {  	s7 =	sld [smem:$0x3FB3]  }
0x2d: {  	s3 =	simm.s32 $0x108;
	s8 =	sld [smem:$0x3FB4]  }
0x2e: {  	s3 =	simm.s32 @!p0 $0x1082;
	s9 =	sld [smem:$0x3FB5]  }
0x2f: {  	lr =	sadd.s32 s0, s3;
	s0 =	sld [smem:$0x3FAC]  }
0x30: {  	s3 =	sld [smem:$0x3FAF]  }
0x31: {  	[smem:$0x3FB8] =	sst s10  }
0x32: {  	s10 =	sld [smem:$0x3FB6];
	_ =	sdelay $0x3  }
0x33: {  	p0 =	seq.s32 s10, $0x1;
	s10 =	sld [smem:$0x3FB8];
	_ =	sdelay $0x3  }
0x34: {  	[smem:$0x3FB8] =	sst s10  }
0x35: {  	s10 =	sld [smem:$0x3FB7];
	_ =	sdelay $0x3  }
0x36: {  	p1 =	seq.s32 s10, $0x1;
	s10 =	sld [smem:$0x3FB8];
	_ =	sdelay $0x3  }
0x37: {  	[smem:$0x3FB8] =	sst s10  }
0x38: {  	s10 =	sld [smem:$0x3FB9]  }
0x39: {  	_ = 	snop;
	(pc) =	sbr.ind lr, $3  }
0x3a: {  	_ = 	snop  }
0x3b: {  	_ = 	snop  }
0x3c: {  	p2 =	seq.s32 s10, $0x1;
	s10 =	sld [smem:$0x3FB8]  }
0x3d: {  	_ =	shalt  }
0x3e: {  	_ =	shalt  }
0x3f: {  	_ =	shalt  }
0x40: {  	_ =	shalt  }
0x41: {  	_ =	shalt  }
0x42: {  	_ =	shalt  }
0x43: {  	_ =	shalt  }
0x44: {  	_ =	shalt  }
0x45: {  	_ =	shalt  }
0x46: {  	_ =	shalt  }
0x47: {  	_ =	shalt  }
0x48: {  	_ =	shalt  }
0x49: {  	_ =	shalt  }
0x4a: {  	_ =	shalt  }
0x4b: {  	_ =	shalt  }
0x4c: {  	_ =	shalt  }
0x4d: {  	_ =	shalt  }
0x4e: {  	_ =	shalt  }
0x4f: {  	_ =	shalt  }
0x50: {  	_ =	shalt  }
0x51: {  	_ =	shalt  }
0x52: {  	_ =	shalt  }
0x53: {  	_ =	shalt  }
0x54: {  	_ =	shalt  }
0x55: {  	_ =	shalt  }
0x56: {  	_ =	shalt  }
0x57: {  	_ =	shalt  }
0x58: {  	_ =	shalt  }
0x59: {  	_ =	shalt  }
0x5a: {  	_ =	shalt  }
0x5b: {  	_ =	shalt  }
0x5c: {  	_ =	shalt  }
0x5d: {  	_ =	shalt  }
0x5e: {  	_ =	shalt  }
0x5f: {  	_ =	shalt  }
0x60: {  	_ =	shalt  }
0x61: {  	_ =	shalt  }
0x62: {  	_ =	shalt  }
0x63: {  	_ =	shalt  }
0x64: {  	_ =	shalt  }
0x65: {  	_ =	shalt  }
0x66: {  	_ =	shalt  }
0x67: {  	_ =	shalt  }
0x68: {  	_ =	shalt  }
0x69: {  	_ =	shalt  }
0x6a: {  	_ =	shalt  }
0x6b: {  	_ =	shalt  }
0x6c: {  	_ =	shalt  }
0x6d: {  	_ =	shalt  }
0x6e: {  	_ =	shalt  }
0x6f: {  	_ =	shalt  }
0x70: {  	_ =	shalt  }
0x71: {  	_ =	shalt  }
0x72: {  	_ =	shalt  }
0x73: {  	_ =	shalt  }
0x74: {  	_ =	shalt  }
0x75: {  	_ =	shalt  }
0x76: {  	_ =	shalt  }
0x77: {  	_ =	shalt  }
0x78: {  	_ =	shalt  }
0x79: {  	_ =	shalt  }
0x7a: {  	_ =	shalt  }
0x7b: {  	_ =	shalt  }
0x7c: {  	_ =	shalt  }
0x7d: {  	_ =	shalt  }
0x7e: {  	_ =	shalt  }
0x7f: {  	_ =	shalt  }
0x80: {  	_ =	shalt  }
0x81: {  	_ =	shalt  }
0x82: {  	_ =	shalt  }
0x83: {  	_ =	shalt  }
0x84: {  	_ =	shalt  }
0x85: {  	_ =	shalt  }
0x86: {  	_ =	shalt  }
0x87: {  	_ =	shalt  }
.Lfunc_end0:
.L_simem_size_0:
called_computation_lowered:
.L_overlay_start_0:
0x88: {  	s2 =	sld [smem:$0x3FD9]  }
0x89: {  	s3 =	sld [smem:$0x3FFE];
	_ =	sdelay $0x1  }
0x8a: {  	s1 =	srdreg.scid  }
0x8b: {  	s0 =	sand.u32 $0x1, s1  }
0x8c: {  	s17 =	sshll.u32 s0, $0xA;
	s2 =	sadd.s32 s3, s2  }
0x8d: {  	s2 =	sadd.s32 s2, s17  }
0x8e: {  	[smem:$0x3FC4] =	sst s2  }
0x8f: {  	_ = 	snop  }
0x90: {  	s2 =	sld [smem:$0x3FC9];
	(tm) =	ssettm $0x1  }
0x91: {  	s18 =	sld [smem:$0x3FFB];
	_ =	sdelay $0x3  }
0x92: {  	_ =	strace s18  }
0x93: {  	s3 =	sld [smem:$0x3FFC];
	_ =	sdelay $0x3  }
0x94: {  	_ =	strace s3  }
0x95: {  	s3 =	sld [smem:$0x3FFD];
	_ =	sdelay $0x3  }
0x96: {  	_ =	strace s3  }
0x97: {  	_ =	strace $0x8FFFFFFF  }
0x98: {  	s19 =	sld [smem:$0x3FDB];
	_ =	sdelay $0x1  }
0x99: {  	s4 =	simm.s32 $_scs_section_size  }
0x9a: {  	s5 =	simm.s32 $_size__tile_overlayer_lowered;
	s6 =	simm.s32 $_tile_overlayer_lowered  }
0x9b: {  	s22 =	simm.s32 $0x1BFF;
	s21 =	sshll.u32 s6, $0x1;
	s3 =	sadd.s32 s4, s19  }
0x9c: {  	s7 =	simm.s32 $0x0;
	s20 =	sshll.u32 s5, $0x1;
	s5 =	sadd.s32 s21, s3  }
0x9d: {  	[timem:s7], [sflag:s22] =	dma.local [hbm:s5], s20  }
0x9e: {  	_ =	swait.ge [sflag:s22], s20  }
0x9f: {  	s4 =	ssub.s32 $0x0, s20;
	[sflag:s22] =	ssyncset.done $0x0  }
0xa0: {  	[sflag:s22] =	ssyncadd.s32 s4;
	_ =	sdelay $0x1  }
0xa1: {  	s23 =	simm.s32 $0x1B8B  }
0xa2: {  	_ =	swait.ge [sflag:s23], $0x1  }
0xa3: {  	[sflag:s23] =	ssyncset.done $0x0  }
0xa4: {  	s25 =	simm.s32 $0x1B8E;
	s24 =	sld [smem:$0x3FFE];
	[sflag:s23] =	ssyncadd.s32 $0xFFFFFFFF  }
0xa5: {  	s26 =	simm.s32 $execute0_lowered;
	[smem:$0x3FD2] =	sst s25  }
0xa6: {  	s5 =	sshll.u32 s26, $0x1;
	_ =	strace $0x80000046;
	[dreg:$0x1] =	wrdreg $0xFFFFFFFF  }
0xa7: {  	s28 =	simm.s32 $_size_execute0_lowered;
	s3 =	sadd.s32 s3, s5;
	[dreg:$0x0] =	wrdreg $0x0  }
0xa8: {  	s5 =	sshll.u32 s28, $0x1;
	[dreg:$0x2] =	wrdreg s3  }
0xa9: {  	[dreg:$0x3] =	wrdreg s5  }
0xaa: {  	[dreg:$0x4] =	wrdreg $0xC0  }
0xab: {  	_ =	task [dreg:s7], $0x5FFFF  }
0xac: {  	[dreg:$0x1] =	wrdreg $0xFFFFFFFF  }
0xad: {  	[dreg:$0x0] =	wrdreg $0x60  }
0xae: {  	[dreg:$0x2] =	wrdreg s2  }
0xaf: {  	[dreg:$0x3] =	wrdreg s24  }
0xb0: {  	[dreg:$0x4] =	wrdreg $0x9  }
0xb1: {  	_ =	task.clear_ibuf [dreg:s7], $0x5FFFF;
	_ =	strace $0x90000046  }
0xb2: {  	s29 =	simm.s32 $0x9;
	_ =	strace $0x80000048  }
0xb3: {  	_ =	swait.ge [sflag:s29], $0x1  }
0xb4: {  	[sflag:s29] =	ssyncadd.s32 $0xFFFFFFFF  }
0xb5: {  	_ =	strace $0x90000048  }
0xb6: {  	_ =	sfence  }
0xb7: {  	s30 =	sld [smem:$0x0];
	_ =	sdelay $0x2  }
0xb8: {  	s31 =	sshll.u32 s1, $0xD;
	s1 =	sshrl.u32 s1, $0x2  }
0xb9: {  	s3 =	sand.u32 $0x4000, s31;
	s1 =	sadd.s32 s1, s30  }
0xba: {  	s0 =	sor.u32 s3, s0;
	s1 =	sshll.u32 s1, $0x11  }
0xbb: {  	s0 =	sor.u32 s1, s0  }
0xbc: {  	s0 =	sadd.s32 $0x8F2B, s0  }
0xbd: {  	[sflag:s0] =	ssyncadd.remote.s32 $0x1  }
0xbe: {  	_ =	sfence.sel $0xFFFF  }
0xbf: {  	[dreg:$0x0] =	wrdreg $0xFFFFFFFF;
	(pc) =	sbr.abs _section_cstart, $3  }
0xc0: {  	[dreg:$0x1] =	wrdreg $0xFFFFFFFF  }
0xc1: {  	_ =	task.clear_ibuf [dreg:s7], $0x2FFFF;
	_ =	strace $0x9FFFFFFF  }
0xc2: {  	(tm) =	ssettm $0x7FFFFFFF  }
0xc3: {  	_ =	shalt  }
tec
execute0_lowered:
.L_overlay_start_1:
0x0: {  	(tag) =	ssettag $0x1  }
0x1: {  	s0 =	rddreg [dreg:$0x0]  }
0x2: {  	s1 =	rddreg [dreg:$0x1]  }
0x3: {  	s3 =	srdreg.scid;
	s4 =	stileid.u32  }
0x4: {  	s2 =	simm.s32 $0x0;
	s8 =	simm.s32 $0x180;
	s10 =	simm.s32 $0x1180  }
0x5: {  	s11 =	simm.s32 $0x1980;
	s12 =	simm.s32 $0x2180;
	s13 =	simm.s32 $0x2980  }
0x6: {  	s14 =	simm.s32 $0x3180;
	s15 =	simm.s32 $0x3980;
	s16 =	simm.s32 $0x4180  }
0x7: {  	s17 =	simm.s32 $0x4980;
	s18 =	simm.s32 $0x5180;
	s19 =	simm.s32 $0x5980  }
0x8: {  	s20 =	simm.s32 $0x6180;
	s21 =	simm.s32 $0x6980;
	s22 =	simm.s32 $0x7180  }
0x9: {  	s23 =	simm.s32 $0x7980;
	s24 =	simm.s32 $0x8180;
	s25 =	simm.s32 $0x8980  }
0xa: {  	s26 =	simm.s32 $0x9180;
	s28 =	simm.s32 $0x9980;
	s29 =	simm.s32 $0xA180  }
0xb: {  	s30 =	simm.s32 $0xA980;
	s3 =	sand.u32 $0x1, s3;
	s4 =	sshll.u32 s4, $0x1  }
0xc: {  	s31 =	simm.s32 $0xB180;
	[smem:$0x7FF] =	sst s2;
	s4 =	sor.u32 s3, s4  }
0xd: {  	v10 =	vlaneseq.u32;
	_ =	strace $0x80000047;
	s6 =	ssub.s32 $0x2, s3;
	s5 =	sshll.u32 s4, $0x4  }
0xe: {  	v0 =	vmul.u32 $0x2, v10;
	s4 =	smul.u32 $0x1800, s4;
	s7 =	sshrl.u32 s6, $0x1;
	s5 =	sadd.s32 s5, s1  }
0xf: {  	vm0 =	vmmov $0xffff;
	v9 =	vshrl.u32 v10, $0x3;
	v8 =	vand.u32 $0x7, v10;
	s3 =	sadd.s32 $0x1A00, s1;
	s6 =	ssub.s32 s6, s7;
	s5 =	sadd.s32 $0x1800, s5  }
0x10: {  	v10 =	vor.u32 $0x8, v10;
	v9 =	vmul.u32 $0x8, v9;
	v1 =	vor.u32 $0x1, v0;
	s7 =	simm.s32 $0x2;
	s0 =	sadd.s32 s0, s4;
	[dreg:$0x3] =	wrdreg s5  }
0x11: {  	v2 =	vor.u32 $0x20, v0;
	v3 =	vor.u32 $0x21, v0;
	v4 =	vor.u32 $0x40, v0;
	s4 =	sadd.s32 $0x1B00, s1;
	s6 =	smax.u32 s6, $0x1;
	[dreg:$0x4] =	wrdreg s0  }
0x12: {  	v5 =	vor.u32 $0x41, v0;
	v6 =	vor.u32 $0x60, v0;
	v7 =	vor.u32 $0x61, v0;
	s5 =	sadd.s32 $0x1C00, s1;
	s0 =	simm.s32 $0xB980;
	s1 =	simm.s32 $0x1  }
.LBB2_1:
0x13: {  	s9 =	rddreg [dreg:$0x3]  }
0x14: {  	[tilespmem:s2], [sflag:$0x2] =	stream.linear.gather [hbm4b:s9+s2], $0x80, $0x38;
	[tilespmem:$0xC180] =	vst v63  }
0x15: {  	_ =	swait.ge [sflag:s7], $0x80  }
0x16: {  	[sflag:s7] =	ssyncset.done $0x0  }
0x17: {  	s9 =	rddreg [dreg:$0x4];
	[sflag:s7] =	ssyncadd.s32 $0xFFFFFF80  }
0x18: {  	[tilespmem:s8], [sflag:$0x2] =	stream.linear.gather [hbm4b:s9+s2], $0xC000, $0x38;
	[tilespmem:$0xC180] =	vst v63  }
0x19: {  	_ =	swait.ge [sflag:s7], $0xC000  }
0x1a: {  	[sflag:s7] =	ssyncset.done $0x0  }
0x1b: {  	[sflag:s7] =	ssyncadd.s32 $0xFFFF4000  }
0x1c: {  	v11 =	vld.idx.msk [tilespmem:v0+s2+$0x0], $0xffff;
	_ =	sdelay $0x4  }
0x1d: {  	[tilespmem:$0x80] =	vst v11  }
0x1e: {  	v11 =	vld.idx.msk [tilespmem:v1+s2+$0x0], $0xffff;
	_ =	sdelay $0x4  }
0x1f: {  	[tilespmem:$0x100] =	vst v11  }
0x20: {  	v11 =	vld.idx.msk [tilespmem:v2+s2+$0x0], $0xffff;
	_ =	sdelay $0x4  }
0x21: {  	[tilespmem:$0x90] =	vst v11  }
0x22: {  	v11 =	vld.idx.msk [tilespmem:v3+s2+$0x0], $0xffff;
	_ =	sdelay $0x4  }
0x23: {  	[tilespmem:$0x110] =	vst v11  }
0x24: {  	v11 =	vld.idx.msk [tilespmem:v4+s2+$0x0], $0xffff;
	_ =	sdelay $0x4  }
0x25: {  	[tilespmem:$0xA0] =	vst v11  }
0x26: {  	v11 =	vld.idx.msk [tilespmem:v5+s2+$0x0], $0xffff;
	_ =	sdelay $0x1  }
0x27: {  	v12 =	vld [tilespmem:$0x80];
	_ =	sdelay $0x2  }
0x28: {  	[tilespmem:$0x120] =	vst v11  }
0x29: {  	v11 =	vld.idx.msk [tilespmem:v6+s2+$0x0], $0xffff  }
0x2a: {  	v13 =	vshrl.u32 v12, $0x3  }
0x2b: {  	v13 =	vmul.u32 $0x30, v13  }
0x2c: {  	v12 =	vand.u32 $0x7, v12  }
0x2d: {  	v12 =	vor.u32 v12, v13  }
0x2e: {  	[tilespmem:$0xB0] =	vst v11;
	v11 =	vperm.xlane v12, v8  }
0x2f: {  	v56 =	vld.idx.msk [tilespmem:v7+s2+$0x0], $0xffff  }
0x30: {  	v11 =	vadd.s32 v9, v11;
	_ =	sdelay $0x3  }
0x31: {  	v12 =	vperm.xlane v12, v10;
	[tilespmem:$0x130] =	vst v56  }
0x32: {  	[hbm4b:s3+s2] =	stream.indirect_vreg.scatter [tilespmem:s8], [sflag:$0x1], $0x80, v11, vm0, $0xb8;
	[tilespmem:$0xC180] =	vst v63  }
0x33: {  	s9 =	simm.s32 $0x980;
	v12 =	vadd.s32 v9, v12  }
0x34: {  	[hbm4b:s4+s2] =	stream.indirect_vreg.scatter [tilespmem:s9], [sflag:$0x1], $0x80, v11, vm0, $0xb8;
	[tilespmem:$0xC180] =	vst v63  }
0x35: {  	_ = 	snop  }
0x36: {  	[hbm4b:s5+s2] =	stream.indirect_vreg.scatter [tilespmem:s10], [sflag:$0x1], $0x80, v11, vm0, $0xb8;
	[tilespmem:$0xC180] =	vst v63  }
0x37: {  	_ = 	snop  }
0x38: {  	[hbm4b:s3+s2] =	stream.indirect_vreg.scatter [tilespmem:s11], [sflag:$0x1], $0x80, v12, vm0, $0xb8;
	[tilespmem:$0xC180] =	vst v63  }
0x39: {  	_ = 	snop  }
0x3a: {  	[hbm4b:s4+s2] =	stream.indirect_vreg.scatter [tilespmem:s12], [sflag:$0x1], $0x80, v12, vm0, $0xb8;
	[tilespmem:$0xC180] =	vst v63  }
0x3b: {  	_ = 	snop  }
0x3c: {  	[hbm4b:s5+s2] =	stream.indirect_vreg.scatter [tilespmem:s13], [sflag:$0x1], $0x80, v12, vm0, $0xb8;
	[tilespmem:$0xC180] =	vst v63  }
0x3d: {  	v11 =	vld [tilespmem:$0x90];
	_ =	sdelay $0x4  }
0x3e: {  	v57 =	vshrl.u32 v11, $0x3  }
0x3f: {  	v12 =	vmul.u32 $0x30, v57  }
0x40: {  	v11 =	vand.u32 $0x7, v11  }
0x41: {  	v11 =	vor.u32 v11, v12  }
0x42: {  	v12 =	vperm.xlane v11, v8;
	_ =	sdelay $0x1  }
0x43: {  	v12 =	vadd.s32 v9, v12;
	_ =	sdelay $0x3  }
0x44: {  	v11 =	vperm.xlane v11, v10  }
0x45: {  	[hbm4b:s3+s2] =	stream.indirect_vreg.scatter [tilespmem:s14], [sflag:$0x1], $0x80, v12, vm0, $0xb8;
	[tilespmem:$0xC180] =	vst v63  }
0x46: {  	v11 =	vadd.s32 v9, v11  }
0x47: {  	[hbm4b:s4+s2] =	stream.indirect_vreg.scatter [tilespmem:s15], [sflag:$0x1], $0x80, v12, vm0, $0xb8;
	[tilespmem:$0xC180] =	vst v63  }
0x48: {  	_ = 	snop  }
0x49: {  	[hbm4b:s5+s2] =	stream.indirect_vreg.scatter [tilespmem:s16], [sflag:$0x1], $0x80, v12, vm0, $0xb8;
	[tilespmem:$0xC180] =	vst v63  }
0x4a: {  	_ = 	snop  }
0x4b: {  	[hbm4b:s3+s2] =	stream.indirect_vreg.scatter [tilespmem:s17], [sflag:$0x1], $0x80, v11, vm0, $0xb8;
	[tilespmem:$0xC180] =	vst v63  }
0x4c: {  	_ = 	snop  }
0x4d: {  	[hbm4b:s4+s2] =	stream.indirect_vreg.scatter [tilespmem:s18], [sflag:$0x1], $0x80, v11, vm0, $0xb8;
	[tilespmem:$0xC180] =	vst v63  }
0x4e: {  	_ = 	snop  }
0x4f: {  	[hbm4b:s5+s2] =	stream.indirect_vreg.scatter [tilespmem:s19], [sflag:$0x1], $0x80, v11, vm0, $0xb8;
	[tilespmem:$0xC180] =	vst v63  }
0x50: {  	v11 =	vld [tilespmem:$0xA0];
	_ =	sdelay $0x4  }
0x51: {  	v58 =	vshrl.u32 v11, $0x3  }
0x52: {  	v12 =	vmul.u32 $0x30, v58  }
0x53: {  	v11 =	vand.u32 $0x7, v11  }
0x54: {  	v11 =	vor.u32 v11, v12  }
0x55: {  	v12 =	vperm.xlane v11, v8;
	_ =	sdelay $0x1  }
0x56: {  	v12 =	vadd.s32 v9, v12;
	_ =	sdelay $0x3  }
0x57: {  	v11 =	vperm.xlane v11, v10  }
0x58: {  	[hbm4b:s3+s2] =	stream.indirect_vreg.scatter [tilespmem:s20], [sflag:$0x1], $0x80, v12, vm0, $0xb8;
	[tilespmem:$0xC180] =	vst v63  }
0x59: {  	v11 =	vadd.s32 v9, v11  }
0x5a: {  	[hbm4b:s4+s2] =	stream.indirect_vreg.scatter [tilespmem:s21], [sflag:$0x1], $0x80, v12, vm0, $0xb8;
	[tilespmem:$0xC180] =	vst v63  }
0x5b: {  	_ = 	snop  }
0x5c: {  	[hbm4b:s5+s2] =	stream.indirect_vreg.scatter [tilespmem:s22], [sflag:$0x1], $0x80, v12, vm0, $0xb8;
	[tilespmem:$0xC180] =	vst v63  }
0x5d: {  	_ = 	snop  }
0x5e: {  	[hbm4b:s3+s2] =	stream.indirect_vreg.scatter [tilespmem:s23], [sflag:$0x1], $0x80, v11, vm0, $0xb8;
	[tilespmem:$0xC180] =	vst v63  }
0x5f: {  	_ = 	snop  }
0x60: {  	[hbm4b:s4+s2] =	stream.indirect_vreg.scatter [tilespmem:s24], [sflag:$0x1], $0x80, v11, vm0, $0xb8;
	[tilespmem:$0xC180] =	vst v63  }
0x61: {  	_ = 	snop  }
0x62: {  	[hbm4b:s5+s2] =	stream.indirect_vreg.scatter [tilespmem:s25], [sflag:$0x1], $0x80, v11, vm0, $0xb8;
	[tilespmem:$0xC180] =	vst v63  }
0x63: {  	v11 =	vld [tilespmem:$0xB0];
	_ =	sdelay $0x4  }
0x64: {  	v59 =	vshrl.u32 v11, $0x3  }
0x65: {  	v12 =	vmul.u32 $0x30, v59  }
0x66: {  	v11 =	vand.u32 $0x7, v11  }
0x67: {  	v11 =	vor.u32 v11, v12  }
0x68: {  	v12 =	vperm.xlane v11, v8;
	_ =	sdelay $0x1  }
0x69: {  	v12 =	vadd.s32 v9, v12;
	_ =	sdelay $0x3  }
0x6a: {  	v11 =	vperm.xlane v11, v10  }
0x6b: {  	[hbm4b:s3+s2] =	stream.indirect_vreg.scatter [tilespmem:s26], [sflag:$0x1], $0x80, v12, vm0, $0xb8;
	[tilespmem:$0xC180] =	vst v63  }
0x6c: {  	v11 =	vadd.s32 v9, v11  }
0x6d: {  	[hbm4b:s4+s2] =	stream.indirect_vreg.scatter [tilespmem:s28], [sflag:$0x1], $0x80, v12, vm0, $0xb8;
	[tilespmem:$0xC180] =	vst v63  }
0x6e: {  	_ = 	snop  }
0x6f: {  	[hbm4b:s5+s2] =	stream.indirect_vreg.scatter [tilespmem:s29], [sflag:$0x1], $0x80, v12, vm0, $0xb8;
	[tilespmem:$0xC180] =	vst v63  }
0x70: {  	_ = 	snop  }
0x71: {  	[hbm4b:s3+s2] =	stream.indirect_vreg.scatter [tilespmem:s30], [sflag:$0x1], $0x80, v11, vm0, $0xb8;
	[tilespmem:$0xC180] =	vst v63  }
0x72: {  	_ = 	snop  }
0x73: {  	[hbm4b:s4+s2] =	stream.indirect_vreg.scatter [tilespmem:s31], [sflag:$0x1], $0x80, v11, vm0, $0xb8;
	[tilespmem:$0xC180] =	vst v63  }
0x74: {  	_ = 	snop  }
0x75: {  	[hbm4b:s5+s2] =	stream.indirect_vreg.scatter [tilespmem:s0], [sflag:$0x1], $0x80, v11, vm0, $0xb8;
	[tilespmem:$0xC180] =	vst v63  }
0x76: {  	v11 =	vld [tilespmem:$0x100];
	_ =	sdelay $0x4  }
0x77: {  	v60 =	vshrl.u32 v11, $0x3  }
0x78: {  	v12 =	vmul.u32 $0x30, v60  }
0x79: {  	v11 =	vand.u32 $0x7, v11  }
0x7a: {  	v11 =	vor.u32 v11, v12  }
0x7b: {  	v12 =	vperm.xlane v11, v8;
	_ =	sdelay $0x1  }
0x7c: {  	v12 =	vadd.s32 v9, v12;
	_ =	sdelay $0x3  }
0x7d: {  	v11 =	vperm.xlane v11, v10  }
0x7e: {  	[hbm4b:s3+s2] =	stream.indirect_vreg.scatter [tilespmem:s8], [sflag:$0x1], $0x80, v12, vm0, $0xb8;
	[tilespmem:$0xC180] =	vst v63  }
0x7f: {  	v11 =	vadd.s32 v9, v11  }
0x80: {  	[hbm4b:s4+s2] =	stream.indirect_vreg.scatter [tilespmem:s9], [sflag:$0x1], $0x80, v12, vm0, $0xb8;
	[tilespmem:$0xC180] =	vst v63  }
0x81: {  	_ = 	snop  }
0x82: {  	[hbm4b:s5+s2] =	stream.indirect_vreg.scatter [tilespmem:s10], [sflag:$0x1], $0x80, v12, vm0, $0xb8;
	[tilespmem:$0xC180] =	vst v63  }
0x83: {  	_ = 	snop  }
0x84: {  	[hbm4b:s3+s2] =	stream.indirect_vreg.scatter [tilespmem:s11], [sflag:$0x1], $0x80, v11, vm0, $0xb8;
	[tilespmem:$0xC180] =	vst v63  }
0x85: {  	_ = 	snop  }
0x86: {  	[hbm4b:s4+s2] =	stream.indirect_vreg.scatter [tilespmem:s12], [sflag:$0x1], $0x80, v11, vm0, $0xb8;
	[tilespmem:$0xC180] =	vst v63  }
0x87: {  	_ = 	snop  }
0x88: {  	[hbm4b:s5+s2] =	stream.indirect_vreg.scatter [tilespmem:s13], [sflag:$0x1], $0x80, v11, vm0, $0xb8;
	[tilespmem:$0xC180] =	vst v63  }
0x89: {  	v11 =	vld [tilespmem:$0x110];
	_ =	sdelay $0x4  }
0x8a: {  	v61 =	vshrl.u32 v11, $0x3  }
0x8b: {  	v12 =	vmul.u32 $0x30, v61  }
0x8c: {  	v11 =	vand.u32 $0x7, v11  }
0x8d: {  	v11 =	vor.u32 v11, v12  }
0x8e: {  	v12 =	vperm.xlane v11, v8;
	_ =	sdelay $0x1  }
0x8f: {  	v12 =	vadd.s32 v9, v12;
	_ =	sdelay $0x3  }
0x90: {  	v11 =	vperm.xlane v11, v10  }
0x91: {  	[hbm4b:s3+s2] =	stream.indirect_vreg.scatter [tilespmem:s14], [sflag:$0x1], $0x80, v12, vm0, $0xb8;
	[tilespmem:$0xC180] =	vst v63  }
0x92: {  	v11 =	vadd.s32 v9, v11  }
0x93: {  	[hbm4b:s4+s2] =	stream.indirect_vreg.scatter [tilespmem:s15], [sflag:$0x1], $0x80, v12, vm0, $0xb8;
	[tilespmem:$0xC180] =	vst v63  }
0x94: {  	_ = 	snop  }
0x95: {  	[hbm4b:s5+s2] =	stream.indirect_vreg.scatter [tilespmem:s16], [sflag:$0x1], $0x80, v12, vm0, $0xb8;
	[tilespmem:$0xC180] =	vst v63  }
0x96: {  	_ = 	snop  }
0x97: {  	[hbm4b:s3+s2] =	stream.indirect_vreg.scatter [tilespmem:s17], [sflag:$0x1], $0x80, v11, vm0, $0xb8;
	[tilespmem:$0xC180] =	vst v63  }
0x98: {  	_ = 	snop  }
0x99: {  	[hbm4b:s4+s2] =	stream.indirect_vreg.scatter [tilespmem:s18], [sflag:$0x1], $0x80, v11, vm0, $0xb8;
	[tilespmem:$0xC180] =	vst v63  }
0x9a: {  	_ = 	snop  }
0x9b: {  	[hbm4b:s5+s2] =	stream.indirect_vreg.scatter [tilespmem:s19], [sflag:$0x1], $0x80, v11, vm0, $0xb8;
	[tilespmem:$0xC180] =	vst v63  }
0x9c: {  	v11 =	vld [tilespmem:$0x120];
	_ =	sdelay $0x4  }
0x9d: {  	v62 =	vshrl.u32 v11, $0x3  }
0x9e: {  	v12 =	vmul.u32 $0x30, v62  }
0x9f: {  	v11 =	vand.u32 $0x7, v11  }
0xa0: {  	v11 =	vor.u32 v11, v12  }
0xa1: {  	v12 =	vperm.xlane v11, v8;
	_ =	sdelay $0x1  }
0xa2: {  	v12 =	vadd.s32 v9, v12;
	_ =	sdelay $0x3  }
0xa3: {  	v11 =	vperm.xlane v11, v10  }
0xa4: {  	[hbm4b:s3+s2] =	stream.indirect_vreg.scatter [tilespmem:s20], [sflag:$0x1], $0x80, v12, vm0, $0xb8;
	[tilespmem:$0xC180] =	vst v63  }
0xa5: {  	v11 =	vadd.s32 v9, v11  }
0xa6: {  	[hbm4b:s4+s2] =	stream.indirect_vreg.scatter [tilespmem:s21], [sflag:$0x1], $0x80, v12, vm0, $0xb8;
	[tilespmem:$0xC180] =	vst v63  }
0xa7: {  	_ = 	snop  }
0xa8: {  	[hbm4b:s5+s2] =	stream.indirect_vreg.scatter [tilespmem:s22], [sflag:$0x1], $0x80, v12, vm0, $0xb8;
	[tilespmem:$0xC180] =	vst v63  }
0xa9: {  	_ = 	snop  }
0xaa: {  	[hbm4b:s3+s2] =	stream.indirect_vreg.scatter [tilespmem:s23], [sflag:$0x1], $0x80, v11, vm0, $0xb8;
	[tilespmem:$0xC180] =	vst v63  }
0xab: {  	_ = 	snop  }
0xac: {  	[hbm4b:s4+s2] =	stream.indirect_vreg.scatter [tilespmem:s24], [sflag:$0x1], $0x80, v11, vm0, $0xb8;
	[tilespmem:$0xC180] =	vst v63  }
0xad: {  	_ = 	snop  }
0xae: {  	[hbm4b:s5+s2] =	stream.indirect_vreg.scatter [tilespmem:s25], [sflag:$0x1], $0x80, v11, vm0, $0xb8;
	[tilespmem:$0xC180] =	vst v63  }
0xaf: {  	v11 =	vld [tilespmem:$0x130];
	_ =	sdelay $0x4  }
0xb0: {  	v63 =	vshrl.u32 v11, $0x3  }
0xb1: {  	v12 =	vmul.u32 $0x30, v63  }
0xb2: {  	v11 =	vand.u32 $0x7, v11  }
0xb3: {  	v11 =	vor.u32 v11, v12  }
0xb4: {  	v12 =	vperm.xlane v11, v8;
	_ =	sdelay $0x1  }
0xb5: {  	v12 =	vadd.s32 v9, v12;
	_ =	sdelay $0x3  }
0xb6: {  	v11 =	vperm.xlane v11, v10  }
0xb7: {  	[hbm4b:s3+s2] =	stream.indirect_vreg.scatter [tilespmem:s26], [sflag:$0x1], $0x80, v12, vm0, $0xb8;
	[tilespmem:$0xC180] =	vst v63  }
0xb8: {  	v11 =	vadd.s32 v9, v11  }
0xb9: {  	[hbm4b:s4+s2] =	stream.indirect_vreg.scatter [tilespmem:s28], [sflag:$0x1], $0x80, v12, vm0, $0xb8;
	[tilespmem:$0xC180] =	vst v63  }
0xba: {  	_ = 	snop  }
0xbb: {  	[hbm4b:s5+s2] =	stream.indirect_vreg.scatter [tilespmem:s29], [sflag:$0x1], $0x80, v12, vm0, $0xb8;
	[tilespmem:$0xC180] =	vst v63  }
0xbc: {  	_ = 	snop  }
0xbd: {  	[hbm4b:s3+s2] =	stream.indirect_vreg.scatter [tilespmem:s30], [sflag:$0x1], $0x80, v11, vm0, $0xb8;
	[tilespmem:$0xC180] =	vst v63  }
0xbe: {  	_ = 	snop  }
0xbf: {  	[hbm4b:s4+s2] =	stream.indirect_vreg.scatter [tilespmem:s31], [sflag:$0x1], $0x80, v11, vm0, $0xb8;
	[tilespmem:$0xC180] =	vst v63  }
0xc0: {  	_ = 	snop  }
0xc1: {  	[hbm4b:s5+s2] =	stream.indirect_vreg.scatter [tilespmem:s0], [sflag:$0x1], $0x80, v11, vm0, $0xb8;
	[tilespmem:$0xC180] =	vst v63  }
0xc2: {  	p0 =	sne.s32 s6, $0x1;
	_ =	swait.ge [sflag:s1], $0xC000  }
.Ltmp0:
0xc3: {  	[sflag:s1] =	ssyncset.done $0x0;
	(pc) =	sbr.rel @p0 .LBB2_1-.Ltmp0, $4  }
0xc4: {  	[sflag:s1] =	ssyncadd.s32 $0xFFFF4000  }
0xc5: {  	_ =	swait.ge [sflag:s1], $0xC000  }
0xc6: {  	[sflag:s1] =	ssyncset.done $0x0  }
0xc7: {  	s6 =	sadd.s32 $0xFFFFFFFF, s6;
	[sflag:s1] =	ssyncadd.s32 $0xFFFF4000  }
0xc8: {  	_ =	sfence.sel $0x180000  }
0xc9: {  	[bflag:$0x0] =	sbarrier.arrive $0xFFFF  }
0xca: {  	_ =	strace $0x90000047  }
0xcb: {  	s0 =	stileid.u32;
	[bflag:$0x2] =	sbarrier.arrive $0xFFFF  }
0xcc: {  	p0 =	sne.s32 s0, $0x0;
	s0 =	rddreg [dreg:$0x2]  }
0xcd: {  	s0 =	sadd.s32 @!p0 $0x100000, s0  }
0xce: {  	[sflag:s0] =	ssyncadd.tile.s32 @!p0 $0x1;
	_ =	shalt  }
.Lfunc_end2:
_tile_overlayer_lowered:
.L_overlay_start_2:
0xcf: {  	(tag) =	ssettag $0x2  }
0xd0: {  	s0 =	rddreg [dreg:$0x0];
	s2 =	stileid.u32  }
0xd1: {  	s1 =	rddreg [dreg:$0x1];
	p0 =	sne.s32 s2, $0x0  }
0xd2: {  	s3 =	rddreg [dreg:$0x2];
	[bflag:$0x3] =	sbarrier.arrive $0xFFFF;
	s2 =	simm.s32 @!p0 $0x1C02  }
0xd3: {  	[timem:s3], [sflag:s2] =	dma.local @!p0 [hbm:s0], s1  }
0xd4: {  	s0 =	simm.s32 @!p0 $0x2  }
0xd5: {  	_ =	swait.ge @!p0 [sflag:s0], s1  }
0xd6: {  	s1 =	ssub.s32 @!p0 $0x0, s1;
	[sflag:s0] =	ssyncset.done @!p0 $0x0  }
0xd7: {  	[sflag:s0] =	ssyncadd.s32 @!p0 s1  }
0xd8: {  	[bflag:$0x3] =	sbarrier.arrive $0xFFFF  }
0xd9: {  	_ =	shalt  }

// kernel: kernel.9.cloned.1.call-start
scs
__scs_entry_jumppad:
0x0: {  	(pc) =	sbr.rel $0x88, $3  }
0x1: {  	(tag) =	ssettag $0x0;
	lr =	simm.s32 $0x1  }
0x2: {  	[smem:$0x3F9D] =	sst lr;
	_ =	strace $0xD0000000  }
0x3: {  	_ = 	snop  }
0x4: {  	_ = 	snop  }
0x5: {  	_ = 	snop  }
0x6: {  	_ = 	snop  }
0x7: {  	_ = 	snop  }
__scs_overlays_trampoline_lowered:
0x8: {  	[smem:$0x3FAC] =	sst s0  }
0x9: {  	[smem:$0x3FAD] =	sst s1  }
0xa: {  	[smem:$0x3FAE] =	sst s2  }
0xb: {  	[smem:$0x3FAF] =	sst s3  }
0xc: {  	[smem:$0x3FB0] =	sst s4  }
0xd: {  	[smem:$0x3FB1] =	sst s5  }
0xe: {  	[smem:$0x3FB2] =	sst s6  }
0xf: {  	[smem:$0x3FB3] =	sst s7  }
0x10: {  	[smem:$0x3FB4] =	sst s8  }
0x11: {  	[smem:$0x3FB5] =	sst s9;
	s0 =	simm.s32 @!p0 $0x0  }
0x12: {  	s1 =	sld [smem:$0x3F9B];
	s0 =	simm.s32 @p0 $0x1  }
0x13: {  	[smem:$0x3FB6] =	sst s0;
	s0 =	simm.s32 @!p1 $0x0  }
0x14: {  	s2 =	sld [smem:$0x3F9A];
	s0 =	simm.s32 @p1 $0x1  }
0x15: {  	[smem:$0x3FB7] =	sst s0;
	s0 =	simm.s32 @!p2 $0x0  }
0x16: {  	s3 =	sld [smem:$0x3FDB];
	s0 =	simm.s32 @p2 $0x1  }
0x17: {  	s4 =	simm.s32 $0x1BF5;
	[smem:$0x3FB9] =	sst s0  }
0x18: {  	s0 =	sld [smem:$0x3F9C];
	_ =	swait.ge [sflag:s4], $0x0  }
0x19: {  	s7 =	sld [smem:$0x3F9D]  }
0x1a: {  	s8 =	sadd.s32 $0xFFFFE003, lr  }
0x1b: {  	s9 =	sadd.s32 $0xFFFFFEF7, lr;
	s5 =	simm.s32 $0xFFFFFFFF;
	p2 =	slt.u32 s8, $0xFFFFF086  }
0x1c: {  	p1 =	slt.u32 s9, $0xF7A;
	s5 =	simm.s32 @!p2 $0x0  }
0x1d: {  	s5 =	simm.s32 @p1 $0x1;
	p0 =	seq.s32 s7, s2  }
0x1e: {  	s7 =	smul.u32 @!p0 $0xF7A, s2;
	p2 =	seq.s32 @!p0 s5, $0x0  }
0x1f: {  	s9 =	smul.u32 $0xF7A, s1;
	s8 =	simm.s32 @!p0 $0x1BF5;
	p2 =	por !p2, p0  }
0x20: {  	[sflag:s8] =	ssyncset.s32 @!p0 $0xFFFFF086;
	s6 =	sadd.s32 @!p0 s3, s7;
	s7 =	simm.s32 @!p0 $0x108  }
0x21: {  	s3 =	sadd.s32 s3, s9;
	s6 =	sadd.s32 @!p0 $0x88, s6;
	s7 =	simm.s32 @p2 $0x1082  }
0x22: {  	[simem:s7], [sflag:s8] =	dma.local @!p0 [hbm:s6], $0xF7A  }
0x23: {  	s9 =	sor.u32 $0xD0000000, s2;
	s6 =	simm.s32 $0x108;
	_ =	swait.ge @!p0 [sflag:s8], $0x0  }
0x24: {  	s3 =	sadd.s32 $0x88, s3;
	s6 =	simm.s32 @!p1 $0x1082;
	[sflag:s4] =	ssyncset.s32 $0xFFFFF086  }
0x25: {  	[simem:s6], [sflag:s4] =	dma.local [hbm:s3], $0xF7A  }
0x26: {  	[smem:$0x3F9D] =	sst s1;
	(tag) =	ssettag s2;
	_ =	strace s9  }
0x27: {  	s1 =	sld [smem:$0x3FAD]  }
0x28: {  	s2 =	sld [smem:$0x3FAE]  }
0x29: {  	s4 =	sld [smem:$0x3FB0]  }
0x2a: {  	p0 =	seq.s32 s5, $0x0;
	s5 =	sld [smem:$0x3FB1]  }
0x2b: {  	s6 =	sld [smem:$0x3FB2]  }
0x2c: {  	s7 =	sld [smem:$0x3FB3]  }
0x2d: {  	s3 =	simm.s32 $0x108;
	s8 =	sld [smem:$0x3FB4]  }
0x2e: {  	s3 =	simm.s32 @!p0 $0x1082;
	s9 =	sld [smem:$0x3FB5]  }
0x2f: {  	lr =	sadd.s32 s0, s3;
	s0 =	sld [smem:$0x3FAC]  }
0x30: {  	s3 =	sld [smem:$0x3FAF]  }
0x31: {  	[smem:$0x3FB8] =	sst s10  }
0x32: {  	s10 =	sld [smem:$0x3FB6];
	_ =	sdelay $0x3  }
0x33: {  	p0 =	seq.s32 s10, $0x1;
	s10 =	sld [smem:$0x3FB8];
	_ =	sdelay $0x3  }
0x34: {  	[smem:$0x3FB8] =	sst s10  }
0x35: {  	s10 =	sld [smem:$0x3FB7];
	_ =	sdelay $0x3  }
0x36: {  	p1 =	seq.s32 s10, $0x1;
	s10 =	sld [smem:$0x3FB8];
	_ =	sdelay $0x3  }
0x37: {  	[smem:$0x3FB8] =	sst s10  }
0x38: {  	s10 =	sld [smem:$0x3FB9]  }
0x39: {  	_ = 	snop;
	(pc) =	sbr.ind lr, $3  }
0x3a: {  	_ = 	snop  }
0x3b: {  	_ = 	snop  }
0x3c: {  	p2 =	seq.s32 s10, $0x1;
	s10 =	sld [smem:$0x3FB8]  }
0x3d: {  	_ =	shalt  }
0x3e: {  	_ =	shalt  }
0x3f: {  	_ =	shalt  }
0x40: {  	_ =	shalt  }
0x41: {  	_ =	shalt  }
0x42: {  	_ =	shalt  }
0x43: {  	_ =	shalt  }
0x44: {  	_ =	shalt  }
0x45: {  	_ =	shalt  }
0x46: {  	_ =	shalt  }
0x47: {  	_ =	shalt  }
0x48: {  	_ =	shalt  }
0x49: {  	_ =	shalt  }
0x4a: {  	_ =	shalt  }
0x4b: {  	_ =	shalt  }
0x4c: {  	_ =	shalt  }
0x4d: {  	_ =	shalt  }
0x4e: {  	_ =	shalt  }
0x4f: {  	_ =	shalt  }
0x50: {  	_ =	shalt  }
0x51: {  	_ =	shalt  }
0x52: {  	_ =	shalt  }
0x53: {  	_ =	shalt  }
0x54: {  	_ =	shalt  }
0x55: {  	_ =	shalt  }
0x56: {  	_ =	shalt  }
0x57: {  	_ =	shalt  }
0x58: {  	_ =	shalt  }
0x59: {  	_ =	shalt  }
0x5a: {  	_ =	shalt  }
0x5b: {  	_ =	shalt  }
0x5c: {  	_ =	shalt  }
0x5d: {  	_ =	shalt  }
0x5e: {  	_ =	shalt  }
0x5f: {  	_ =	shalt  }
0x60: {  	_ =	shalt  }
0x61: {  	_ =	shalt  }
0x62: {  	_ =	shalt  }
0x63: {  	_ =	shalt  }
0x64: {  	_ =	shalt  }
0x65: {  	_ =	shalt  }
0x66: {  	_ =	shalt  }
0x67: {  	_ =	shalt  }
0x68: {  	_ =	shalt  }
0x69: {  	_ =	shalt  }
0x6a: {  	_ =	shalt  }
0x6b: {  	_ =	shalt  }
0x6c: {  	_ =	shalt  }
0x6d: {  	_ =	shalt  }
0x6e: {  	_ =	shalt  }
0x6f: {  	_ =	shalt  }
0x70: {  	_ =	shalt  }
0x71: {  	_ =	shalt  }
0x72: {  	_ =	shalt  }
0x73: {  	_ =	shalt  }
0x74: {  	_ =	shalt  }
0x75: {  	_ =	shalt  }
0x76: {  	_ =	shalt  }
0x77: {  	_ =	shalt  }
0x78: {  	_ =	shalt  }
0x79: {  	_ =	shalt  }
0x7a: {  	_ =	shalt  }
0x7b: {  	_ =	shalt  }
0x7c: {  	_ =	shalt  }
0x7d: {  	_ =	shalt  }
0x7e: {  	_ =	shalt  }
0x7f: {  	_ =	shalt  }
0x80: {  	_ =	shalt  }
0x81: {  	_ =	shalt  }
0x82: {  	_ =	shalt  }
0x83: {  	_ =	shalt  }
0x84: {  	_ =	shalt  }
0x85: {  	_ =	shalt  }
0x86: {  	_ =	shalt  }
0x87: {  	_ =	shalt  }
.Lfunc_end0:
.L_simem_size_0:
called_computation.1_lowered:
.L_overlay_start_0:
0x88: {  	s2 =	sld [smem:$0x3FD9]  }
0x89: {  	s3 =	sld [smem:$0x3FFE];
	_ =	sdelay $0x1  }
0x8a: {  	s1 =	srdreg.scid  }
0x8b: {  	s0 =	sand.u32 $0x1, s1  }
0x8c: {  	s14 =	sshll.u32 s0, $0xA;
	s2 =	sadd.s32 s3, s2  }
0x8d: {  	s2 =	sadd.s32 s2, s14  }
0x8e: {  	[smem:$0x3FC4] =	sst s2  }
0x8f: {  	_ = 	snop  }
0x90: {  	s2 =	sld [smem:$0x3FD0];
	_ =	sdelay $0x2  }
0x91: {  	s15 =	simm.s32 $0xA;
	s4 =	simm.s32 $0x10  }
0x92: {  	[smem:s4], [sflag:s15] =	dma.local [hbm:s2], $0x1  }
0x93: {  	_ =	swait.eq [sflag:s15], $0x1  }
0x94: {  	[sflag:s15] =	ssyncset.done $0x0  }
0x95: {  	[sflag:s15] =	ssyncadd.s32 $0xFFFFFFFF  }
0x96: {  	s16 =	sld [smem:$0x10];
	(tm) =	ssettm $0x1  }
0x97: {  	s17 =	sld [smem:$0x3FFB];
	_ =	sdelay $0x3  }
0x98: {  	_ =	strace s17  }
0x99: {  	s3 =	sld [smem:$0x3FFC];
	_ =	sdelay $0x3  }
0x9a: {  	_ =	strace s3  }
0x9b: {  	s3 =	sld [smem:$0x3FFD];
	_ =	sdelay $0x3  }
0x9c: {  	_ =	strace s3  }
0x9d: {  	_ =	strace $0x8FFFFFFF  }
0x9e: {  	s18 =	sld [smem:$0x3FDB];
	_ =	sdelay $0x1  }
0x9f: {  	s19 =	simm.s32 $_scs_section_size  }
0xa0: {  	s5 =	simm.s32 $_size__tile_overlayer_lowered;
	s6 =	simm.s32 $_tile_overlayer_lowered  }
0xa1: {  	s22 =	simm.s32 $0x1BFF;
	s21 =	sshll.u32 s6, $0x1;
	s3 =	sadd.s32 s19, s18  }
0xa2: {  	s7 =	simm.s32 $0x0;
	s20 =	sshll.u32 s5, $0x1;
	s5 =	sadd.s32 s21, s3  }
0xa3: {  	[timem:s7], [sflag:s22] =	dma.local [hbm:s5], s20  }
0xa4: {  	_ =	swait.ge [sflag:s22], s20  }
0xa5: {  	s4 =	ssub.s32 $0x0, s20;
	[sflag:s22] =	ssyncset.done $0x0  }
0xa6: {  	[sflag:s22] =	ssyncadd.s32 s4;
	_ =	sdelay $0x1  }
0xa7: {  	s23 =	simm.s32 $0x1B8B  }
0xa8: {  	_ =	swait.ge [sflag:s23], $0x1  }
0xa9: {  	[sflag:s23] =	ssyncset.done $0x0  }
0xaa: {  	s25 =	simm.s32 $0x1B8E;
	s24 =	sld [smem:$0x3FFE];
	[sflag:s23] =	ssyncadd.s32 $0xFFFFFFFF  }
0xab: {  	s26 =	simm.s32 $execute0_lowered;
	[smem:$0x3FD2] =	sst s25  }
0xac: {  	s5 =	sshll.u32 s26, $0x1;
	_ =	strace $0x80000049;
	[dreg:$0x1] =	wrdreg $0xFFFFFFFF  }
0xad: {  	s28 =	simm.s32 $_size_execute0_lowered;
	s3 =	sadd.s32 s3, s5;
	[dreg:$0x0] =	wrdreg $0x0  }
0xae: {  	s5 =	sshll.u32 s28, $0x1;
	[dreg:$0x2] =	wrdreg s3  }
0xaf: {  	[dreg:$0x3] =	wrdreg s5  }
0xb0: {  	[dreg:$0x4] =	wrdreg $0xC0  }
0xb1: {  	_ =	task [dreg:s7], $0x5FFFF  }
0xb2: {  	[dreg:$0x1] =	wrdreg $0xFFFFFFFF  }
0xb3: {  	[dreg:$0x0] =	wrdreg $0x60  }
0xb4: {  	[dreg:$0x2] =	wrdreg s24  }
0xb5: {  	[dreg:$0x3] =	wrdreg s16  }
0xb6: {  	[dreg:$0x4] =	wrdreg $0x9  }
0xb7: {  	_ =	task.clear_ibuf [dreg:s7], $0x5FFFF;
	_ =	strace $0x90000049  }
0xb8: {  	s29 =	simm.s32 $0x9;
	_ =	strace $0x8000004B  }
0xb9: {  	_ =	swait.ge [sflag:s29], $0x1  }
0xba: {  	[sflag:s29] =	ssyncadd.s32 $0xFFFFFFFF  }
0xbb: {  	_ =	strace $0x9000004B  }
0xbc: {  	_ =	sfence  }
0xbd: {  	s30 =	sld [smem:$0x0];
	_ =	sdelay $0x2  }
0xbe: {  	s31 =	sshll.u32 s1, $0xD;
	s1 =	sshrl.u32 s1, $0x2  }
0xbf: {  	s3 =	sand.u32 $0x4000, s31;
	s1 =	sadd.s32 s1, s30  }
0xc0: {  	s0 =	sor.u32 s3, s0;
	s1 =	sshll.u32 s1, $0x11  }
0xc1: {  	s0 =	sor.u32 s1, s0  }
0xc2: {  	s0 =	sadd.s32 $0x8F2B, s0  }
0xc3: {  	[sflag:s0] =	ssyncadd.remote.s32 $0x1  }
0xc4: {  	_ =	sfence.sel $0xFFFF  }
0xc5: {  	[dreg:$0x0] =	wrdreg $0xFFFFFFFF;
	(pc) =	sbr.abs _section_cstart, $3  }
0xc6: {  	[dreg:$0x1] =	wrdreg $0xFFFFFFFF  }
0xc7: {  	_ =	task.clear_ibuf [dreg:s7], $0x2FFFF;
	_ =	strace $0x9FFFFFFF  }
0xc8: {  	(tm) =	ssettm $0x7FFFFFFF  }
0xc9: {  	_ =	shalt  }
tec
execute0_lowered:
.L_overlay_start_1:
0x0: {  	(tag) =	ssettag $0x1  }
0x1: {  	s0 =	rddreg [dreg:$0x0]  }
0x2: {  	s1 =	rddreg [dreg:$0x1]  }
0x3: {  	s3 =	srdreg.scid;
	s4 =	stileid.u32  }
0x4: {  	s2 =	simm.s32 $0x0;
	s10 =	simm.s32 $0x2;
	s11 =	simm.s32 $0x180  }
0x5: {  	s12 =	simm.s32 $0x200;
	s29 =	simm.s32 $0x12200;
	s30 =	simm.s32 $0x12A00  }
0x6: {  	v10 =	vlaneseq.u32;
	s31 =	simm.s32 $0x13200;
	s13 =	simm.s32 $0x14A00;
	s14 =	simm.s32 $0x15200  }
0x7: {  	s15 =	simm.s32 $0x15A00;
	s16 =	simm.s32 $0x16200;
	s17 =	simm.s32 $0x16A00;
	v0 =	vmul.u32 $0x2, v10  }
0x8: {  	s18 =	simm.s32 $0x17200;
	s19 =	simm.s32 $0x17A00;
	s20 =	simm.s32 $0x1  }
0x9: {  	s3 =	sand.u32 $0x1, s3;
	s4 =	sshll.u32 s4, $0x1;
	[smem:$0x7FF] =	sst s2;
	v1 =	vor.u32 $0x1, v0  }
0xa: {  	s21 =	simm.s32 $0x0;
	s5 =	sor.u32 s3, s4;
	_ =	strace $0x8000004A;
	[tilespmem:$0x1FFA0] =	vst v1;
	v1 =	vor.u32 $0x20, v0  }
0xb: {  	s6 =	ssub.s32 $0x2, s3;
	s3 =	sadd.s32 $0x79C00, s0;
	s4 =	sshll.u32 s5, $0x4;
	[tilespmem:$0x1FFB0] =	vst v1;
	v1 =	vor.u32 $0x21, v0  }
0xc: {  	s28 =	sshrl.u32 s6, $0x1;
	s8 =	smul.u32 $0x1800, s5;
	s7 =	sadd.s32 s4, s0;
	[tilespmem:$0x1FFC0] =	vst v1;
	v1 =	vor.u32 $0x40, v0  }
0xd: {  	vm0 =	vmmov $0xffff;
	s9 =	ssub.s32 s6, s28;
	s6 =	sadd.s32 $0x79D00, s0;
	s4 =	sadd.s32 $0x1800, s7;
	[tilespmem:$0x1FFD0] =	vst v1;
	v1 =	vor.u32 $0x41, v0  }
0xe: {  	v9 =	vshrl.u32 v10, $0x3;
	v8 =	vand.u32 $0x7, v10;
	s5 =	sadd.s32 $0x79A00, s7;
	s7 =	sadd.s32 $0x79E00, s0;
	s8 =	sadd.s32 s1, s8;
	[tilespmem:$0x1FFE0] =	vst v1;
	v1 =	vor.u32 $0x60, v0  }
0xf: {  	v10 =	vor.u32 $0x8, v10;
	v9 =	vmul.u32 $0x8, v9;
	v7 =	vor.u32 $0x61, v0;
	s9 =	smax.u32 s9, $0x1;
	s0 =	simm.s32 $0x13A00;
	s1 =	simm.s32 $0x14200;
	[tilespmem:$0x1FFF0] =	vst v1  }
.LBB2_1:
0x10: {  	[tilespmem:s2], [sflag:$0x2] =	stream.linear.gather [hbm4b:s4+s2], $0x80, $0x38;
	[tilespmem:$0x18200] =	vst v63  }
0x11: {  	_ =	swait.ge [sflag:s10], $0x80  }
0x12: {  	[sflag:s10] =	ssyncset.done $0x0  }
0x13: {  	[sflag:s10] =	ssyncadd.s32 $0xFFFFFF80  }
0x14: {  	[tilespmem:s11], [sflag:$0x2] =	stream.linear.gather [hbm4b:s5+s2], $0x80, $0x38;
	[tilespmem:$0x18200] =	vst v63  }
0x15: {  	_ =	swait.ge [sflag:s10], $0x80  }
0x16: {  	[sflag:s10] =	ssyncset.done $0x0;
	v1 =	vld [tilespmem:$0x1FFA0]  }
0x17: {  	[sflag:s10] =	ssyncadd.s32 $0xFFFFFF80  }
0x18: {  	v11 =	vld.idx.msk [tilespmem:v0+s2+$0x0], $0xffff;
	_ =	sdelay $0x4  }
0x19: {  	[tilespmem:$0x80] =	vst v11  }
0x1a: {  	v11 =	vld.idx.msk [tilespmem:v1+s2+$0x0], $0xffff  }
0x1b: {  	v1 =	vld [tilespmem:$0x1FFB0];
	_ =	sdelay $0x6  }
0x1c: {  	[tilespmem:$0x100] =	vst v11  }
0x1d: {  	v11 =	vld.idx.msk [tilespmem:v1+s2+$0x0], $0xffff  }
0x1e: {  	v1 =	vld [tilespmem:$0x1FFC0];
	_ =	sdelay $0x6  }
0x1f: {  	[tilespmem:$0x90] =	vst v11  }
0x20: {  	v11 =	vld.idx.msk [tilespmem:v1+s2+$0x0], $0xffff  }
0x21: {  	v1 =	vld [tilespmem:$0x1FFD0];
	_ =	sdelay $0x6  }
0x22: {  	[tilespmem:$0x110] =	vst v11  }
0x23: {  	v11 =	vld.idx.msk [tilespmem:v1+s2+$0x0], $0xffff  }
0x24: {  	v1 =	vld [tilespmem:$0x1FFE0];
	_ =	sdelay $0x6  }
0x25: {  	[tilespmem:$0xA0] =	vst v11  }
0x26: {  	v11 =	vld.idx.msk [tilespmem:v1+s2+$0x0], $0xffff  }
0x27: {  	v1 =	vld [tilespmem:$0x1FFF0];
	_ =	sdelay $0x3  }
0x28: {  	v12 =	vld [tilespmem:$0x80];
	_ =	sdelay $0x2  }
0x29: {  	[tilespmem:$0x120] =	vst v11  }
0x2a: {  	v11 =	vld.idx.msk [tilespmem:v1+s2+$0x0], $0xffff  }
0x2b: {  	v13 =	vshrl.u32 v12, $0x3  }
0x2c: {  	v13 =	vmul.u32 $0x30, v13  }
0x2d: {  	v12 =	vand.u32 $0x7, v12  }
0x2e: {  	v12 =	vor.u32 v12, v13  }
0x2f: {  	[tilespmem:$0xB0] =	vst v11;
	v11 =	vperm.xlane v12, v8  }
0x30: {  	v13 =	vld.idx.msk [tilespmem:v7+s2+$0x0], $0xffff  }
0x31: {  	v11 =	vadd.s32 v9, v11;
	_ =	sdelay $0x3  }
0x32: {  	v12 =	vperm.xlane v12, v10;
	[tilespmem:$0x130] =	vst v13  }
0x33: {  	[tilespmem:s12], [sflag:$0x1] =	stream.indirect_vreg.gather [hbm4b:s3+s2], $0x80, v11, vm0, $0xb8;
	[tilespmem:$0x18200] =	vst v63  }
0x34: {  	s22 =	simm.s32 $0xA00;
	v12 =	vadd.s32 v9, v12  }
0x35: {  	[tilespmem:s22], [sflag:$0x1] =	stream.indirect_vreg.gather [hbm4b:s6+s2], $0x80, v11, vm0, $0xb8;
	[tilespmem:$0x18200] =	vst v63  }
0x36: {  	s23 =	simm.s32 $0x1200  }
0x37: {  	[tilespmem:s23], [sflag:$0x1] =	stream.indirect_vreg.gather [hbm4b:s7+s2], $0x80, v11, vm0, $0xb8;
	[tilespmem:$0x18200] =	vst v63  }
0x38: {  	s24 =	simm.s32 $0x1A00  }
0x39: {  	[tilespmem:s24], [sflag:$0x1] =	stream.indirect_vreg.gather [hbm4b:s3+s2], $0x80, v12, vm0, $0xb8;
	[tilespmem:$0x18200] =	vst v63  }
0x3a: {  	s25 =	simm.s32 $0x2200  }
0x3b: {  	[tilespmem:s25], [sflag:$0x1] =	stream.indirect_vreg.gather [hbm4b:s6+s2], $0x80, v12, vm0, $0xb8;
	[tilespmem:$0x18200] =	vst v63  }
0x3c: {  	s26 =	simm.s32 $0x2A00  }
0x3d: {  	[tilespmem:s26], [sflag:$0x1] =	stream.indirect_vreg.gather [hbm4b:s7+s2], $0x80, v12, vm0, $0xb8;
	[tilespmem:$0x18200] =	vst v63  }
0x3e: {  	v11 =	vld [tilespmem:$0x90];
	_ =	sdelay $0x4  }
0x3f: {  	v12 =	vshrl.u32 v11, $0x3  }
0x40: {  	v12 =	vmul.u32 $0x30, v12  }
0x41: {  	v11 =	vand.u32 $0x7, v11  }
0x42: {  	v11 =	vor.u32 v11, v12  }
0x43: {  	v12 =	vperm.xlane v11, v8;
	_ =	sdelay $0x1  }
0x44: {  	v12 =	vadd.s32 v9, v12;
	_ =	sdelay $0x3  }
0x45: {  	s28 =	simm.s32 $0x3200;
	v11 =	vperm.xlane v11, v10  }
0x46: {  	[tilespmem:s28], [sflag:$0x1] =	stream.indirect_vreg.gather [hbm4b:s3+s2], $0x80, v12, vm0, $0xb8;
	[tilespmem:$0x18200] =	vst v63  }
0x47: {  	s23 =	simm.s32 $0x3A00;
	v11 =	vadd.s32 v9, v11  }
0x48: {  	[tilespmem:s23], [sflag:$0x1] =	stream.indirect_vreg.gather [hbm4b:s6+s2], $0x80, v12, vm0, $0xb8;
	[tilespmem:$0x18200] =	vst v63  }
0x49: {  	s24 =	simm.s32 $0x4200  }
0x4a: {  	[tilespmem:s24], [sflag:$0x1] =	stream.indirect_vreg.gather [hbm4b:s7+s2], $0x80, v12, vm0, $0xb8;
	[tilespmem:$0x18200] =	vst v63  }
0x4b: {  	s25 =	simm.s32 $0x4A00  }
0x4c: {  	[tilespmem:s25], [sflag:$0x1] =	stream.indirect_vreg.gather [hbm4b:s3+s2], $0x80, v11, vm0, $0xb8;
	[tilespmem:$0x18200] =	vst v63  }
0x4d: {  	s26 =	simm.s32 $0x5200  }
0x4e: {  	[tilespmem:s26], [sflag:$0x1] =	stream.indirect_vreg.gather [hbm4b:s6+s2], $0x80, v11, vm0, $0xb8;
	[tilespmem:$0x18200] =	vst v63  }
0x4f: {  	s28 =	simm.s32 $0x5A00  }
0x50: {  	[tilespmem:s28], [sflag:$0x1] =	stream.indirect_vreg.gather [hbm4b:s7+s2], $0x80, v11, vm0, $0xb8;
	[tilespmem:$0x18200] =	vst v63  }
0x51: {  	v11 =	vld [tilespmem:$0xA0];
	_ =	sdelay $0x4  }
0x52: {  	v12 =	vshrl.u32 v11, $0x3  }
0x53: {  	v12 =	vmul.u32 $0x30, v12  }
0x54: {  	v11 =	vand.u32 $0x7, v11  }
0x55: {  	v11 =	vor.u32 v11, v12  }
0x56: {  	v12 =	vperm.xlane v11, v8;
	_ =	sdelay $0x1  }
0x57: {  	v12 =	vadd.s32 v9, v12;
	_ =	sdelay $0x3  }
0x58: {  	s23 =	simm.s32 $0x6200;
	v11 =	vperm.xlane v11, v10  }
0x59: {  	[tilespmem:s23], [sflag:$0x1] =	stream.indirect_vreg.gather [hbm4b:s3+s2], $0x80, v12, vm0, $0xb8;
	[tilespmem:$0x18200] =	vst v63  }
0x5a: {  	s24 =	simm.s32 $0x6A00;
	v11 =	vadd.s32 v9, v11  }
0x5b: {  	[tilespmem:s24], [sflag:$0x1] =	stream.indirect_vreg.gather [hbm4b:s6+s2], $0x80, v12, vm0, $0xb8;
	[tilespmem:$0x18200] =	vst v63  }
0x5c: {  	s25 =	simm.s32 $0x7200  }
0x5d: {  	[tilespmem:s25], [sflag:$0x1] =	stream.indirect_vreg.gather [hbm4b:s7+s2], $0x80, v12, vm0, $0xb8;
	[tilespmem:$0x18200] =	vst v63  }
0x5e: {  	s26 =	simm.s32 $0x7A00  }
0x5f: {  	[tilespmem:s26], [sflag:$0x1] =	stream.indirect_vreg.gather [hbm4b:s3+s2], $0x80, v11, vm0, $0xb8;
	[tilespmem:$0x18200] =	vst v63  }
0x60: {  	s28 =	simm.s32 $0x8200  }
0x61: {  	[tilespmem:s28], [sflag:$0x1] =	stream.indirect_vreg.gather [hbm4b:s6+s2], $0x80, v11, vm0, $0xb8;
	[tilespmem:$0x18200] =	vst v63  }
0x62: {  	s23 =	simm.s32 $0x8A00  }
0x63: {  	[tilespmem:s23], [sflag:$0x1] =	stream.indirect_vreg.gather [hbm4b:s7+s2], $0x80, v11, vm0, $0xb8;
	[tilespmem:$0x18200] =	vst v63  }
0x64: {  	v11 =	vld [tilespmem:$0xB0];
	_ =	sdelay $0x4  }
0x65: {  	v12 =	vshrl.u32 v11, $0x3  }
0x66: {  	v12 =	vmul.u32 $0x30, v12  }
0x67: {  	v11 =	vand.u32 $0x7, v11  }
0x68: {  	v11 =	vor.u32 v11, v12  }
0x69: {  	v12 =	vperm.xlane v11, v8;
	_ =	sdelay $0x1  }
0x6a: {  	v12 =	vadd.s32 v9, v12;
	_ =	sdelay $0x3  }
0x6b: {  	s24 =	simm.s32 $0x9200;
	v11 =	vperm.xlane v11, v10  }
0x6c: {  	[tilespmem:s24], [sflag:$0x1] =	stream.indirect_vreg.gather [hbm4b:s3+s2], $0x80, v12, vm0, $0xb8;
	[tilespmem:$0x18200] =	vst v63  }
0x6d: {  	s25 =	simm.s32 $0x9A00;
	v11 =	vadd.s32 v9, v11  }
0x6e: {  	[tilespmem:s25], [sflag:$0x1] =	stream.indirect_vreg.gather [hbm4b:s6+s2], $0x80, v12, vm0, $0xb8;
	[tilespmem:$0x18200] =	vst v63  }
0x6f: {  	s26 =	simm.s32 $0xA200  }
0x70: {  	[tilespmem:s26], [sflag:$0x1] =	stream.indirect_vreg.gather [hbm4b:s7+s2], $0x80, v12, vm0, $0xb8;
	[tilespmem:$0x18200] =	vst v63  }
0x71: {  	s28 =	simm.s32 $0xAA00  }
0x72: {  	[tilespmem:s28], [sflag:$0x1] =	stream.indirect_vreg.gather [hbm4b:s3+s2], $0x80, v11, vm0, $0xb8;
	[tilespmem:$0x18200] =	vst v63  }
0x73: {  	s23 =	simm.s32 $0xB200  }
0x74: {  	[tilespmem:s23], [sflag:$0x1] =	stream.indirect_vreg.gather [hbm4b:s6+s2], $0x80, v11, vm0, $0xb8;
	[tilespmem:$0x18200] =	vst v63  }
0x75: {  	s24 =	simm.s32 $0xBA00  }
0x76: {  	[tilespmem:s24], [sflag:$0x1] =	stream.indirect_vreg.gather [hbm4b:s7+s2], $0x80, v11, vm0, $0xb8;
	[tilespmem:$0x18200] =	vst v63  }
0x77: {  	v11 =	vld [tilespmem:$0x100];
	_ =	sdelay $0x4  }
0x78: {  	v12 =	vshrl.u32 v11, $0x3  }
0x79: {  	v12 =	vmul.u32 $0x30, v12  }
0x7a: {  	v11 =	vand.u32 $0x7, v11  }
0x7b: {  	v11 =	vor.u32 v11, v12  }
0x7c: {  	v12 =	vperm.xlane v11, v8;
	_ =	sdelay $0x1  }
0x7d: {  	v12 =	vadd.s32 v9, v12;
	_ =	sdelay $0x3  }
0x7e: {  	s25 =	simm.s32 $0xC200;
	v11 =	vperm.xlane v11, v10  }
0x7f: {  	[tilespmem:s25], [sflag:$0x1] =	stream.indirect_vreg.gather [hbm4b:s3+s2], $0x80, v12, vm0, $0xb8;
	[tilespmem:$0x18200] =	vst v63  }
0x80: {  	s26 =	simm.s32 $0xCA00;
	v11 =	vadd.s32 v9, v11  }
0x81: {  	[tilespmem:s26], [sflag:$0x1] =	stream.indirect_vreg.gather [hbm4b:s6+s2], $0x80, v12, vm0, $0xb8;
	[tilespmem:$0x18200] =	vst v63  }
0x82: {  	s28 =	simm.s32 $0xD200  }
0x83: {  	[tilespmem:s28], [sflag:$0x1] =	stream.indirect_vreg.gather [hbm4b:s7+s2], $0x80, v12, vm0, $0xb8;
	[tilespmem:$0x18200] =	vst v63  }
0x84: {  	s23 =	simm.s32 $0xDA00  }
0x85: {  	[tilespmem:s23], [sflag:$0x1] =	stream.indirect_vreg.gather [hbm4b:s3+s2], $0x80, v11, vm0, $0xb8;
	[tilespmem:$0x18200] =	vst v63  }
0x86: {  	s24 =	simm.s32 $0xE200  }
0x87: {  	[tilespmem:s24], [sflag:$0x1] =	stream.indirect_vreg.gather [hbm4b:s6+s2], $0x80, v11, vm0, $0xb8;
	[tilespmem:$0x18200] =	vst v63  }
0x88: {  	s25 =	simm.s32 $0xEA00  }
0x89: {  	[tilespmem:s25], [sflag:$0x1] =	stream.indirect_vreg.gather [hbm4b:s7+s2], $0x80, v11, vm0, $0xb8;
	[tilespmem:$0x18200] =	vst v63  }
0x8a: {  	v11 =	vld [tilespmem:$0x110];
	_ =	sdelay $0x4  }
0x8b: {  	v12 =	vshrl.u32 v11, $0x3  }
0x8c: {  	v12 =	vmul.u32 $0x30, v12  }
0x8d: {  	v11 =	vand.u32 $0x7, v11  }
0x8e: {  	v11 =	vor.u32 v11, v12  }
0x8f: {  	v12 =	vperm.xlane v11, v8;
	_ =	sdelay $0x1  }
0x90: {  	v12 =	vadd.s32 v9, v12;
	_ =	sdelay $0x3  }
0x91: {  	s26 =	simm.s32 $0xF200;
	v11 =	vperm.xlane v11, v10  }
0x92: {  	[tilespmem:s26], [sflag:$0x1] =	stream.indirect_vreg.gather [hbm4b:s3+s2], $0x80, v12, vm0, $0xb8;
	[tilespmem:$0x18200] =	vst v63  }
0x93: {  	s28 =	simm.s32 $0xFA00;
	v11 =	vadd.s32 v9, v11  }
0x94: {  	[tilespmem:s28], [sflag:$0x1] =	stream.indirect_vreg.gather [hbm4b:s6+s2], $0x80, v12, vm0, $0xb8;
	[tilespmem:$0x18200] =	vst v63  }
0x95: {  	s23 =	simm.s32 $0x10200  }
0x96: {  	[tilespmem:s23], [sflag:$0x1] =	stream.indirect_vreg.gather [hbm4b:s7+s2], $0x80, v12, vm0, $0xb8;
	[tilespmem:$0x18200] =	vst v63  }
0x97: {  	s24 =	simm.s32 $0x10A00  }
0x98: {  	[tilespmem:s24], [sflag:$0x1] =	stream.indirect_vreg.gather [hbm4b:s3+s2], $0x80, v11, vm0, $0xb8;
	[tilespmem:$0x18200] =	vst v63  }
0x99: {  	s25 =	simm.s32 $0x11200  }
0x9a: {  	[tilespmem:s25], [sflag:$0x1] =	stream.indirect_vreg.gather [hbm4b:s6+s2], $0x80, v11, vm0, $0xb8;
	[tilespmem:$0x18200] =	vst v63  }
0x9b: {  	s26 =	simm.s32 $0x11A00  }
0x9c: {  	[tilespmem:s26], [sflag:$0x1] =	stream.indirect_vreg.gather [hbm4b:s7+s2], $0x80, v11, vm0, $0xb8;
	[tilespmem:$0x18200] =	vst v63  }
0x9d: {  	v11 =	vld [tilespmem:$0x120];
	_ =	sdelay $0x4  }
0x9e: {  	v12 =	vshrl.u32 v11, $0x3  }
0x9f: {  	v12 =	vmul.u32 $0x30, v12  }
0xa0: {  	v11 =	vand.u32 $0x7, v11  }
0xa1: {  	v11 =	vor.u32 v11, v12  }
0xa2: {  	v12 =	vperm.xlane v11, v8;
	_ =	sdelay $0x1  }
0xa3: {  	v12 =	vadd.s32 v9, v12;
	_ =	sdelay $0x3  }
0xa4: {  	v11 =	vperm.xlane v11, v10  }
0xa5: {  	[tilespmem:s29], [sflag:$0x1] =	stream.indirect_vreg.gather [hbm4b:s3+s2], $0x80, v12, vm0, $0xb8;
	[tilespmem:$0x18200] =	vst v63  }
0xa6: {  	v11 =	vadd.s32 v9, v11  }
0xa7: {  	[tilespmem:s30], [sflag:$0x1] =	stream.indirect_vreg.gather [hbm4b:s6+s2], $0x80, v12, vm0, $0xb8;
	[tilespmem:$0x18200] =	vst v63  }
0xa8: {  	_ = 	snop  }
0xa9: {  	[tilespmem:s31], [sflag:$0x1] =	stream.indirect_vreg.gather [hbm4b:s7+s2], $0x80, v12, vm0, $0xb8;
	[tilespmem:$0x18200] =	vst v63  }
0xaa: {  	_ = 	snop  }
0xab: {  	[tilespmem:s0], [sflag:$0x1] =	stream.indirect_vreg.gather [hbm4b:s3+s2], $0x80, v11, vm0, $0xb8;
	[tilespmem:$0x18200] =	vst v63  }
0xac: {  	_ = 	snop  }
0xad: {  	[tilespmem:s1], [sflag:$0x1] =	stream.indirect_vreg.gather [hbm4b:s6+s2], $0x80, v11, vm0, $0xb8;
	[tilespmem:$0x18200] =	vst v63  }
0xae: {  	_ = 	snop  }
0xaf: {  	[tilespmem:s13], [sflag:$0x1] =	stream.indirect_vreg.gather [hbm4b:s7+s2], $0x80, v11, vm0, $0xb8;
	[tilespmem:$0x18200] =	vst v63  }
0xb0: {  	v11 =	vld [tilespmem:$0x130];
	_ =	sdelay $0x4  }
0xb1: {  	v12 =	vshrl.u32 v11, $0x3  }
0xb2: {  	v12 =	vmul.u32 $0x30, v12  }
0xb3: {  	v11 =	vand.u32 $0x7, v11  }
0xb4: {  	v11 =	vor.u32 v11, v12  }
0xb5: {  	v12 =	vperm.xlane v11, v8;
	_ =	sdelay $0x1  }
0xb6: {  	v12 =	vadd.s32 v9, v12;
	_ =	sdelay $0x3  }
0xb7: {  	v11 =	vperm.xlane v11, v10  }
0xb8: {  	[tilespmem:s14], [sflag:$0x1] =	stream.indirect_vreg.gather [hbm4b:s3+s2], $0x80, v12, vm0, $0xb8;
	[tilespmem:$0x18200] =	vst v63  }
0xb9: {  	v11 =	vadd.s32 v9, v11  }
0xba: {  	[tilespmem:s15], [sflag:$0x1] =	stream.indirect_vreg.gather [hbm4b:s6+s2], $0x80, v12, vm0, $0xb8;
	[tilespmem:$0x18200] =	vst v63  }
0xbb: {  	_ = 	snop  }
0xbc: {  	[tilespmem:s16], [sflag:$0x1] =	stream.indirect_vreg.gather [hbm4b:s7+s2], $0x80, v12, vm0, $0xb8;
	[tilespmem:$0x18200] =	vst v63  }
0xbd: {  	_ = 	snop  }
0xbe: {  	[tilespmem:s17], [sflag:$0x1] =	stream.indirect_vreg.gather [hbm4b:s3+s2], $0x80, v11, vm0, $0xb8;
	[tilespmem:$0x18200] =	vst v63  }
0xbf: {  	_ = 	snop  }
0xc0: {  	[tilespmem:s18], [sflag:$0x1] =	stream.indirect_vreg.gather [hbm4b:s6+s2], $0x80, v11, vm0, $0xb8;
	[tilespmem:$0x18200] =	vst v63  }
0xc1: {  	_ = 	snop  }
0xc2: {  	[tilespmem:s19], [sflag:$0x1] =	stream.indirect_vreg.gather [hbm4b:s7+s2], $0x80, v11, vm0, $0xb8;
	[tilespmem:$0x18200] =	vst v63  }
0xc3: {  	_ =	swait.ge [sflag:s20], $0xC000  }
0xc4: {  	[sflag:s20] =	ssyncset.done $0x0  }
0xc5: {  	s28 =	simm.s32 $0x0;
	[sflag:s20] =	ssyncadd.s32 $0xFFFF4000  }
0xc6: {  	s22 =	smul.u32 $0x1800, s28;
	_ =	swait.ge [sflag:s20], $0xC000  }
0xc7: {  	s23 =	sand.u32 $0x380, s2;
	[sflag:s20] =	ssyncset.done $0x0  }
0xc8: {  	s22 =	sor.u32 s23, s22;
	[sflag:s20] =	ssyncadd.s32 $0xFFFF4000  }
0xc9: {  	v11 =	vld [tilespmem:s22+$0xC200]  }
0xca: {  	v12 =	vld [tilespmem:s22+$0x210]  }
0xcb: {  	v13 =	vld [tilespmem:s22+$0xC210]  }
0xcc: {  	v14 =	vld [tilespmem:s22+$0x220]  }
0xcd: {  	v15 =	vld [tilespmem:s22+$0xC220]  }
0xce: {  	v16 =	vld [tilespmem:s22+$0x230]  }
0xcf: {  	v17 =	vld [tilespmem:s22+$0xC230]  }
0xd0: {  	v18 =	vld [tilespmem:s22+$0x240]  }
0xd1: {  	v19 =	vld [tilespmem:s22+$0xC240]  }
0xd2: {  	v20 =	vld [tilespmem:s22+$0xC250]  }
0xd3: {  	v21 =	vld [tilespmem:s22+$0xC260]  }
0xd4: {  	v22 =	vld [tilespmem:s22+$0xC270]  }
0xd5: {  	v23 =	vld [tilespmem:s22+$0xC600]  }
0xd6: {  	v24 =	vld [tilespmem:s22+$0xC610]  }
0xd7: {  	v25 =	vld [tilespmem:s22+$0xC620]  }
0xd8: {  	v26 =	vld [tilespmem:s22+$0xC630]  }
0xd9: {  	v27 =	vld [tilespmem:s22+$0xC640]  }
0xda: {  	v28 =	vld [tilespmem:s22+$0xC650]  }
0xdb: {  	v29 =	vld [tilespmem:s22+$0xC660]  }
0xdc: {  	v30 =	vld [tilespmem:s22+$0xC670]  }
0xdd: {  	v31 =	vld [tilespmem:s22+$0xCA00]  }
0xde: {  	v32 =	vld [tilespmem:s22+$0xCA10]  }
0xdf: {  	v33 =	vld [tilespmem:s22+$0xCA20]  }
0xe0: {  	v34 =	vld [tilespmem:s22+$0xCA30]  }
0xe1: {  	v35 =	vld [tilespmem:s22+$0xCA40]  }
0xe2: {  	v36 =	vld [tilespmem:s22+$0xCA50]  }
0xe3: {  	v37 =	vld [tilespmem:s22+$0xCA60]  }
0xe4: {  	v38 =	vld [tilespmem:s22+$0xCA70]  }
0xe5: {  	v40 =	vld [tilespmem:s22+$0xCE00]  }
0xe6: {  	v42 =	vld [tilespmem:s22+$0xCE10]  }
0xe7: {  	v43 =	vld [tilespmem:s22+$0xCE20]  }
0xe8: {  	v44 =	vld [tilespmem:s22+$0xCE30]  }
0xe9: {  	v45 =	vld [tilespmem:s22+$0xCE40]  }
0xea: {  	v46 =	vld [tilespmem:s22+$0xCE50]  }
0xeb: {  	v47 =	vld [tilespmem:s22+$0xCE60]  }
0xec: {  	v48 =	vld [tilespmem:s22+$0xCE70]  }
0xed: {  	v49 =	vld [tilespmem:s22+$0xD200]  }
0xee: {  	v50 =	vld [tilespmem:s22+$0xD210]  }
0xef: {  	v51 =	vld [tilespmem:s22+$0xD220]  }
0xf0: {  	v52 =	vld [tilespmem:s22+$0xD230]  }
0xf1: {  	v53 =	vld [tilespmem:s22+$0xD240]  }
0xf2: {  	v54 =	vld [tilespmem:s22+$0xD250]  }
0xf3: {  	v55 =	vld [tilespmem:s22+$0xD260]  }
0xf4: {  	v39 =	vmov s2;
	s23 =	simm.s32 $0x1;
	s24 =	simm.s32 $0x0;
	s25 =	simm.s32 $0x0;
	v56 =	vld [tilespmem:s22+$0x1600]  }
.LBB2_2:
0xf5: {  	p0 =	sne.s32 s23, $0x3F;
	v41 =	vor.u32 $0x1, v39;
	v57 =	vld [tilespmem:s22+$0x1610]  }
0xf6: {  	v58 =	vld [tilespmem:s22+$0xD610]  }
0xf7: {  	v59 =	vld [tilespmem:s22+$0xD630]  }
0xf8: {  	v60 =	vld [tilespmem:s22+$0x1620]  }
0xf9: {  	v39 =	vld.idx.msk [tilespmem:v39+s11+$0x0], $0xffff  }
0xfa: {  	v41 =	vld.idx.msk [tilespmem:v41+s11+$0x0], $0xffff  }
0xfb: {  	v61 =	vld [tilespmem:s22+$0x1630]  }
0xfc: {  	v62 =	vld [tilespmem:s22+$0xD620]  }
0xfd: {  	v63 =	vld [tilespmem:s22+$0xD600]  }
0xfe: {  	v1 =	vld [tilespmem:s22+$0xD270]  }
0xff: {  	v57 =	vmul.f32 v57, v39;
	v60 =	vmul.f32 v60, v39;
	v2 =	vld [tilespmem:s22+$0x1270]  }
0x100: {  	v59 =	vmul.f32 v59, v41;
	v3 =	vld [tilespmem:s22+$0x1260];
	v61 =	vmul.f32 v61, v39  }
0x101: {  	v58 =	vmul.f32 v58, v41;
	v4 =	vld [tilespmem:s22+$0x1250];
	v62 =	vmul.f32 v62, v41  }
0x102: {  	v56 =	vmul.f32 v56, v39;
	v5 =	vld [tilespmem:s22+$0x1240];
	v63 =	vmul.f32 v63, v41;
	v59 =	vadd.f32 v59, v61  }
0x103: {  	v57 =	vadd.f32 v58, v57;
	v61 =	vld [tilespmem:s22+$0x1230];
	v1 =	vmul.f32 v1, v41;
	v58 =	vadd.f32 v62, v60  }
0x104: {  	v55 =	vmul.f32 v55, v41;
	v60 =	vld [tilespmem:s22+$0x1220];
	v2 =	vmul.f32 v2, v39;
	v56 =	vadd.f32 v63, v56;
	[tilespmem:s22+$0x1630] =	vst v59  }
0x105: {  	v54 =	vmul.f32 v54, v41;
	v59 =	vld [tilespmem:s22+$0x1210];
	v3 =	vmul.f32 v3, v39;
	[tilespmem:s22+$0x1620] =	vst v58  }
0x106: {  	v53 =	vmul.f32 v53, v41;
	v58 =	vld [tilespmem:s22+$0x1200];
	v4 =	vmul.f32 v4, v39;
	v1 =	vadd.f32 v1, v2;
	[tilespmem:s22+$0x1610] =	vst v57  }
0x107: {  	v52 =	vmul.f32 v52, v41;
	v2 =	vld [tilespmem:s22+$0xE70];
	v5 =	vmul.f32 v5, v39;
	v3 =	vadd.f32 v55, v3;
	[tilespmem:s22+$0x1600] =	vst v56  }
0x108: {  	v51 =	vmul.f32 v51, v41;
	v55 =	vld [tilespmem:s22+$0xE60];
	v56 =	vmul.f32 v61, v39;
	v4 =	vadd.f32 v54, v4;
	[tilespmem:s22+$0x1270] =	vst v1  }
0x109: {  	v50 =	vmul.f32 v50, v41;
	v1 =	vld [tilespmem:s22+$0xE50];
	v54 =	vmul.f32 v60, v39;
	v5 =	vadd.f32 v53, v5;
	[tilespmem:s22+$0x1260] =	vst v3  }
0x10a: {  	v49 =	vmul.f32 v49, v41;
	v3 =	vld [tilespmem:s22+$0xE40];
	v53 =	vmul.f32 v59, v39;
	v52 =	vadd.f32 v52, v56;
	[tilespmem:s22+$0x1250] =	vst v4  }
0x10b: {  	v48 =	vmul.f32 v48, v41;
	v4 =	vld [tilespmem:s22+$0xE30];
	v56 =	vmul.f32 v58, v39;
	v51 =	vadd.f32 v51, v54;
	[tilespmem:s22+$0x1240] =	vst v5  }
0x10c: {  	v47 =	vmul.f32 v47, v41;
	v5 =	vld [tilespmem:s22+$0xE20];
	v2 =	vmul.f32 v2, v39;
	v50 =	vadd.f32 v50, v53;
	[tilespmem:s22+$0x1230] =	vst v52  }
0x10d: {  	v46 =	vmul.f32 v46, v41;
	v52 =	vld [tilespmem:s22+$0xE10];
	v53 =	vmul.f32 v55, v39;
	v49 =	vadd.f32 v49, v56;
	[tilespmem:s22+$0x1220] =	vst v51  }
0x10e: {  	v45 =	vmul.f32 v45, v41;
	v51 =	vld [tilespmem:s22+$0xE00];
	v1 =	vmul.f32 v1, v39;
	v2 =	vadd.f32 v48, v2;
	[tilespmem:s22+$0x1210] =	vst v50  }
0x10f: {  	v44 =	vmul.f32 v44, v41;
	v48 =	vld [tilespmem:s22+$0xA70];
	v3 =	vmul.f32 v3, v39;
	v47 =	vadd.f32 v47, v53;
	[tilespmem:s22+$0x1200] =	vst v49  }
0x110: {  	v43 =	vmul.f32 v43, v41;
	v49 =	vld [tilespmem:s22+$0xA60];
	v4 =	vmul.f32 v4, v39;
	v1 =	vadd.f32 v46, v1;
	[tilespmem:s22+$0xE70] =	vst v2  }
0x111: {  	v42 =	vmul.f32 v42, v41;
	v2 =	vld [tilespmem:s22+$0xA50];
	v5 =	vmul.f32 v5, v39;
	v3 =	vadd.f32 v45, v3;
	[tilespmem:s22+$0xE60] =	vst v47  }
0x112: {  	v40 =	vmul.f32 v40, v41;
	v45 =	vld [tilespmem:s22+$0xA40];
	v46 =	vmul.f32 v52, v39;
	v4 =	vadd.f32 v44, v4;
	[tilespmem:s22+$0xE50] =	vst v1  }
0x113: {  	v38 =	vmul.f32 v38, v41;
	v1 =	vld [tilespmem:s22+$0xA30];
	v44 =	vmul.f32 v51, v39;
	v5 =	vadd.f32 v43, v5;
	[tilespmem:s22+$0xE40] =	vst v3  }
0x114: {  	v37 =	vmul.f32 v37, v41;
	v3 =	vld [tilespmem:s22+$0xA20];
	v43 =	vmul.f32 v48, v39;
	v42 =	vadd.f32 v42, v46;
	[tilespmem:s22+$0xE30] =	vst v4  }
0x115: {  	v36 =	vmul.f32 v36, v41;
	v4 =	vld [tilespmem:s22+$0xA10];
	v46 =	vmul.f32 v49, v39;
	v40 =	vadd.f32 v40, v44;
	[tilespmem:s22+$0xE20] =	vst v5  }
0x116: {  	v35 =	vmul.f32 v35, v41;
	v5 =	vld [tilespmem:s22+$0xA00];
	v2 =	vmul.f32 v2, v39;
	v38 =	vadd.f32 v38, v43;
	[tilespmem:s22+$0xE10] =	vst v42  }
0x117: {  	v34 =	vmul.f32 v34, v41;
	v42 =	vld [tilespmem:s22+$0x670];
	v43 =	vmul.f32 v45, v39;
	v37 =	vadd.f32 v37, v46;
	[tilespmem:s22+$0xE00] =	vst v40  }
0x118: {  	v33 =	vmul.f32 v33, v41;
	v40 =	vld [tilespmem:s22+$0x660];
	v1 =	vmul.f32 v1, v39;
	v2 =	vadd.f32 v36, v2;
	[tilespmem:s22+$0xA70] =	vst v38  }
0x119: {  	v32 =	vmul.f32 v32, v41;
	v36 =	vld [tilespmem:s22+$0x650];
	v3 =	vmul.f32 v3, v39;
	v35 =	vadd.f32 v35, v43;
	[tilespmem:s22+$0xA60] =	vst v37  }
0x11a: {  	v31 =	vmul.f32 v31, v41;
	v37 =	vld [tilespmem:s22+$0x640];
	v4 =	vmul.f32 v4, v39;
	v1 =	vadd.f32 v34, v1;
	[tilespmem:s22+$0xA50] =	vst v2  }
0x11b: {  	v30 =	vmul.f32 v30, v41;
	v2 =	vld [tilespmem:s22+$0x630];
	v5 =	vmul.f32 v5, v39;
	v3 =	vadd.f32 v33, v3;
	[tilespmem:s22+$0xA40] =	vst v35  }
0x11c: {  	v29 =	vmul.f32 v29, v41;
	v33 =	vld [tilespmem:s22+$0x620];
	v34 =	vmul.f32 v42, v39;
	v4 =	vadd.f32 v32, v4;
	[tilespmem:s22+$0xA30] =	vst v1  }
0x11d: {  	v28 =	vmul.f32 v28, v41;
	v1 =	vld [tilespmem:s22+$0x610];
	v32 =	vmul.f32 v40, v39;
	v5 =	vadd.f32 v31, v5;
	[tilespmem:s22+$0xA20] =	vst v3  }
0x11e: {  	v27 =	vmul.f32 v27, v41;
	v3 =	vld [tilespmem:s22+$0x600];
	v31 =	vmul.f32 v36, v39;
	v30 =	vadd.f32 v30, v34;
	[tilespmem:s22+$0xA10] =	vst v4  }
0x11f: {  	v26 =	vmul.f32 v26, v41;
	v4 =	vld [tilespmem:s22+$0x270];
	v34 =	vmul.f32 v37, v39;
	v29 =	vadd.f32 v29, v32;
	[tilespmem:s22+$0xA00] =	vst v5  }
0x120: {  	v25 =	vmul.f32 v25, v41;
	v5 =	vld [tilespmem:s22+$0x260];
	v2 =	vmul.f32 v2, v39;
	v28 =	vadd.f32 v28, v31;
	[tilespmem:s22+$0x670] =	vst v30  }
0x121: {  	v24 =	vmul.f32 v24, v41;
	v30 =	vld [tilespmem:s22+$0x250];
	v31 =	vmul.f32 v33, v39;
	v27 =	vadd.f32 v27, v34;
	[tilespmem:s22+$0x660] =	vst v29  }
0x122: {  	v23 =	vmul.f32 v23, v41;
	v1 =	vmul.f32 v1, v39;
	v2 =	vadd.f32 v26, v2;
	[tilespmem:s22+$0x650] =	vst v28;
	v26 =	vld [tilespmem:s22+$0xD640]  }
0x123: {  	v22 =	vmul.f32 v22, v41;
	v3 =	vmul.f32 v3, v39;
	v25 =	vadd.f32 v25, v31;
	[tilespmem:s22+$0x640] =	vst v27;
	v27 =	vld [tilespmem:s22+$0xD650]  }
0x124: {  	v21 =	vmul.f32 v21, v41;
	v4 =	vmul.f32 v4, v39;
	v1 =	vadd.f32 v24, v1;
	[tilespmem:s22+$0x630] =	vst v2;
	v2 =	vld [tilespmem:s22+$0xD660]  }
0x125: {  	v20 =	vmul.f32 v20, v41;
	v5 =	vmul.f32 v5, v39;
	v3 =	vadd.f32 v23, v3;
	[tilespmem:s22+$0x620] =	vst v25;
	v23 =	vld [tilespmem:s22+$0xD670]  }
0x126: {  	v19 =	vmul.f32 v19, v41;
	v24 =	vmul.f32 v30, v39;
	v4 =	vadd.f32 v22, v4;
	[tilespmem:s22+$0x610] =	vst v1;
	v1 =	vld [tilespmem:s22+$0x1640]  }
0x127: {  	v18 =	vmul.f32 v18, v39;
	v17 =	vmul.f32 v17, v41;
	v5 =	vadd.f32 v21, v5;
	[tilespmem:s22+$0x600] =	vst v3;
	v3 =	vld [tilespmem:s22+$0x1650]  }
0x128: {  	v16 =	vmul.f32 v16, v39;
	v15 =	vmul.f32 v15, v41;
	v20 =	vadd.f32 v20, v24;
	[tilespmem:s22+$0x270] =	vst v4;
	v4 =	vld [tilespmem:s22+$0x1660]  }
0x129: {  	v14 =	vmul.f32 v14, v39;
	v13 =	vmul.f32 v13, v41;
	v18 =	vadd.f32 v19, v18;
	[tilespmem:s22+$0x260] =	vst v5;
	v5 =	vld [tilespmem:s22+$0x1670]  }
0x12a: {  	s26 =	sshrl.u32 s23, $0x3;
	v12 =	vmul.f32 v12, v39;
	v16 =	vadd.f32 v17, v16;
	v17 =	vmul.f32 v26, v41;
	v19 =	vld [tilespmem:s22+$0x200];
	[tilespmem:s22+$0x250] =	vst v20  }
0x12b: {  	s24 =	sadd.s32 $0x80, s24;
	s26 =	smul.u32 $0x1800, s26;
	v14 =	vadd.f32 v15, v14;
	v15 =	vmul.f32 v27, v41;
	[tilespmem:s22+$0x240] =	vst v18;
	v1 =	vmul.f32 v1, v39  }
0x12c: {  	s28 =	sand.u32 $0x380, s24;
	v12 =	vadd.f32 v13, v12;
	v2 =	vmul.f32 v2, v41;
	[tilespmem:s22+$0x230] =	vst v16;
	v3 =	vmul.f32 v3, v39  }
0x12d: {  	s26 =	sor.u32 s28, s26;
	[tilespmem:s22+$0x220] =	vst v14;
	v1 =	vadd.f32 v17, v1;
	v4 =	vmul.f32 v4, v39;
	v14 =	vmul.f32 v23, v41  }
0x12e: {  	v16 =	vmul.f32 v11, v41;
	v11 =	vld [tilespmem:s26+$0xC200];
	[tilespmem:s22+$0x210] =	vst v12;
	v3 =	vadd.f32 v15, v3;
	v5 =	vmul.f32 v5, v39  }
0x12f: {  	v12 =	vld [tilespmem:s26+$0x210];
	v15 =	vmul.f32 v19, v39;
	[tilespmem:s22+$0x1640] =	vst v1;
	v1 =	vadd.f32 v2, v4  }
0x130: {  	v13 =	vld [tilespmem:s26+$0xC210];
	[tilespmem:s22+$0x1650] =	vst v3;
	v2 =	vadd.f32 v14, v5  }
0x131: {  	v14 =	vld [tilespmem:s26+$0x220];
	v3 =	vadd.f32 v16, v15;
	[tilespmem:s22+$0x1660] =	vst v1  }
0x132: {  	v15 =	vld [tilespmem:s26+$0xC220];
	[tilespmem:s22+$0x1670] =	vst v2  }
0x133: {  	v16 =	vld [tilespmem:s26+$0x230];
	[tilespmem:s22+$0x200] =	vst v3;
	s22 =	smov.u32 s26  }
0x134: {  	v17 =	vld [tilespmem:s22+$0xC230]  }
0x135: {  	v18 =	vld [tilespmem:s22+$0x240]  }
0x136: {  	v19 =	vld [tilespmem:s22+$0xC240]  }
0x137: {  	v20 =	vld [tilespmem:s22+$0xC250]  }
0x138: {  	v21 =	vld [tilespmem:s22+$0xC260]  }
0x139: {  	v22 =	vld [tilespmem:s22+$0xC270]  }
0x13a: {  	v23 =	vld [tilespmem:s22+$0xC600]  }
0x13b: {  	v24 =	vld [tilespmem:s22+$0xC610]  }
0x13c: {  	v25 =	vld [tilespmem:s22+$0xC620]  }
0x13d: {  	v26 =	vld [tilespmem:s22+$0xC630]  }
0x13e: {  	v27 =	vld [tilespmem:s22+$0xC640]  }
0x13f: {  	v28 =	vld [tilespmem:s22+$0xC650]  }
0x140: {  	v29 =	vld [tilespmem:s22+$0xC660]  }
0x141: {  	v30 =	vld [tilespmem:s22+$0xC670]  }
0x142: {  	v31 =	vld [tilespmem:s22+$0xCA00]  }
0x143: {  	v32 =	vld [tilespmem:s22+$0xCA10]  }
0x144: {  	v33 =	vld [tilespmem:s22+$0xCA20]  }
0x145: {  	v34 =	vld [tilespmem:s22+$0xCA30]  }
0x146: {  	v35 =	vld [tilespmem:s22+$0xCA40]  }
0x147: {  	v36 =	vld [tilespmem:s22+$0xCA50]  }
0x148: {  	v37 =	vld [tilespmem:s22+$0xCA60]  }
0x149: {  	v38 =	vld [tilespmem:s22+$0xCA70]  }
0x14a: {  	v40 =	vld [tilespmem:s22+$0xCE00]  }
0x14b: {  	v42 =	vld [tilespmem:s22+$0xCE10]  }
0x14c: {  	v43 =	vld [tilespmem:s22+$0xCE20]  }
0x14d: {  	v44 =	vld [tilespmem:s22+$0xCE30]  }
0x14e: {  	v45 =	vld [tilespmem:s22+$0xCE40]  }
0x14f: {  	v46 =	vld [tilespmem:s22+$0xCE50]  }
0x150: {  	v47 =	vld [tilespmem:s22+$0xCE60]  }
0x151: {  	v48 =	vld [tilespmem:s22+$0xCE70]  }
0x152: {  	v49 =	vld [tilespmem:s22+$0xD200]  }
0x153: {  	v50 =	vld [tilespmem:s22+$0xD210]  }
0x154: {  	v51 =	vld [tilespmem:s22+$0xD220]  }
.Ltmp0:
0x155: {  	v52 =	vld [tilespmem:s22+$0xD230];
	(pc) =	sbr.rel @p0 .LBB2_2-.Ltmp0, $4  }
0x156: {  	v53 =	vld [tilespmem:s22+$0xD240]  }
0x157: {  	v54 =	vld [tilespmem:s22+$0xD250]  }
0x158: {  	s25 =	sadd.s32 $0x2, s25;
	v55 =	vld [tilespmem:s22+$0xD260]  }
0x159: {  	s23 =	sadd.s32 $0x1, s23;
	v39 =	vmov s25;
	v56 =	vld [tilespmem:s22+$0x1600]  }
0x15a: {  	v1 =	vor.u32 $0x1, v39;
	v2 =	vld [tilespmem:s22+$0x1610]  }
0x15b: {  	v3 =	vld [tilespmem:s22+$0xD610]  }
0x15c: {  	v4 =	vld [tilespmem:s22+$0xD630]  }
0x15d: {  	v5 =	vld [tilespmem:s22+$0x1620]  }
0x15e: {  	v39 =	vld.idx.msk [tilespmem:v39+s11+$0x0], $0xffff  }
0x15f: {  	v41 =	vld.idx.msk [tilespmem:v1+s11+$0x0], $0xffff  }
0x160: {  	v1 =	vld [tilespmem:s22+$0x1630]  }
0x161: {  	v57 =	vld [tilespmem:s22+$0xD620]  }
0x162: {  	v60 =	vld [tilespmem:s22+$0x1270]  }
0x163: {  	v61 =	vld [tilespmem:s22+$0x1260]  }
0x164: {  	v62 =	vld [tilespmem:s22+$0x1250];
	v5 =	vmul.f32 v5, v39;
	v2 =	vmul.f32 v2, v39  }
0x165: {  	v6 =	vld [tilespmem:s22+$0x1220];
	v1 =	vmul.f32 v1, v39;
	v4 =	vmul.f32 v4, v41  }
0x166: {  	v59 =	vld [tilespmem:s22+$0xD270];
	v56 =	vmul.f32 v56, v39;
	v57 =	vmul.f32 v57, v41  }
0x167: {  	v58 =	vld [tilespmem:s22+$0xD600];
	v60 =	vmul.f32 v60, v39;
	v3 =	vmul.f32 v3, v41;
	v1 =	vadd.f32 v4, v1  }
0x168: {  	v61 =	vmul.f32 v61, v39;
	v55 =	vmul.f32 v55, v41;
	v4 =	vld [tilespmem:s22+$0x1230];
	v5 =	vadd.f32 v57, v5  }
0x169: {  	v63 =	vld [tilespmem:s22+$0x1240];
	v62 =	vmul.f32 v62, v39;
	v54 =	vmul.f32 v54, v41;
	v2 =	vadd.f32 v3, v2;
	[tilespmem:s22+$0x1630] =	vst v1  }
0x16a: {  	v6 =	vmul.f32 v6, v39;
	v51 =	vmul.f32 v51, v41;
	v3 =	vld [tilespmem:s22+$0x1200];
	v55 =	vadd.f32 v55, v61;
	[tilespmem:s22+$0x1620] =	vst v5  }
0x16b: {  	v16 =	vmul.f32 v16, v39;
	v54 =	vadd.f32 v54, v62;
	v61 =	vld [tilespmem:s22+$0xE40];
	v5 =	vmul.f32 v59, v41;
	[tilespmem:s22+$0x1610] =	vst v2  }
0x16c: {  	v12 =	vmul.f32 v12, v39;
	v17 =	vmul.f32 v17, v41;
	v6 =	vadd.f32 v51, v6;
	v2 =	vld [tilespmem:s22+$0xE70];
	[tilespmem:s22+$0x1260] =	vst v55  }
0x16d: {  	v52 =	vmul.f32 v52, v41;
	v62 =	vld [tilespmem:s22+$0xE30];
	[tilespmem:s22+$0x1250] =	vst v54;
	v5 =	vadd.f32 v5, v60;
	v4 =	vmul.f32 v4, v39  }
0x16e: {  	v53 =	vmul.f32 v53, v41;
	v13 =	vmul.f32 v13, v41;
	v16 =	vadd.f32 v17, v16;
	[tilespmem:s22+$0x1220] =	vst v6;
	v6 =	vld [tilespmem:s22+$0xE00]  }
0x16f: {  	v50 =	vmul.f32 v50, v41;
	v57 =	vmul.f32 v58, v41;
	[tilespmem:s22+$0x1270] =	vst v5;
	v5 =	vld [tilespmem:s22+$0xE50];
	v4 =	vadd.f32 v52, v4  }
0x170: {  	v49 =	vmul.f32 v49, v41;
	v12 =	vadd.f32 v13, v12;
	v1 =	vld [tilespmem:s22+$0x1210];
	[tilespmem:s22+$0x230] =	vst v16;
	v3 =	vmul.f32 v3, v39  }
0x171: {  	v48 =	vmul.f32 v48, v41;
	v56 =	vadd.f32 v57, v56;
	v2 =	vmul.f32 v2, v39;
	[tilespmem:s22+$0x1230] =	vst v4;
	v4 =	vld [tilespmem:s22+$0xE10]  }
0x172: {  	v47 =	vmul.f32 v47, v41;
	v58 =	vld [tilespmem:s22+$0xA40];
	[tilespmem:s22+$0x210] =	vst v12;
	v60 =	vmul.f32 v63, v39;
	v3 =	vadd.f32 v49, v3  }
0x173: {  	v40 =	vmul.f32 v40, v41;
	[tilespmem:s22+$0x1600] =	vst v56;
	v56 =	vld [tilespmem:s22+$0xE60];
	v6 =	vmul.f32 v6, v39;
	v2 =	vadd.f32 v48, v2  }
0x174: {  	v46 =	vmul.f32 v46, v41;
	v53 =	vadd.f32 v53, v60;
	[tilespmem:s22+$0x1200] =	vst v3;
	v3 =	vld [tilespmem:s22+$0xA60];
	v5 =	vmul.f32 v5, v39  }
0x175: {  	v45 =	vmul.f32 v45, v41;
	v1 =	vmul.f32 v1, v39;
	v6 =	vadd.f32 v40, v6;
	[tilespmem:s22+$0xE70] =	vst v2;
	v2 =	vld [tilespmem:s22+$0xA50]  }
0x176: {  	v42 =	vmul.f32 v42, v41;
	v63 =	vld [tilespmem:s22+$0xE20];
	[tilespmem:s22+$0x1240] =	vst v53;
	v5 =	vadd.f32 v46, v5;
	v4 =	vmul.f32 v4, v39  }
0x177: {  	v44 =	vmul.f32 v44, v41;
	v57 =	vmul.f32 v61, v39;
	v1 =	vadd.f32 v50, v1;
	[tilespmem:s22+$0xE00] =	vst v6;
	v6 =	vld [tilespmem:s22+$0x660]  }
0x178: {  	v43 =	vmul.f32 v43, v41;
	v56 =	vmul.f32 v56, v39;
	[tilespmem:s22+$0xE50] =	vst v5;
	v5 =	vld [tilespmem:s22+$0xA30];
	v4 =	vadd.f32 v42, v4  }
0x179: {  	v37 =	vmul.f32 v37, v41;
	v45 =	vadd.f32 v45, v57;
	[tilespmem:s22+$0x1210] =	vst v1;
	v1 =	vld [tilespmem:s22+$0xA70];
	v3 =	vmul.f32 v3, v39  }
0x17a: {  	v36 =	vmul.f32 v36, v41;
	v47 =	vadd.f32 v47, v56;
	v2 =	vmul.f32 v2, v39;
	[tilespmem:s22+$0xE10] =	vst v4;
	v4 =	vld [tilespmem:s22+$0x670]  }
0x17b: {  	v38 =	vmul.f32 v38, v41;
	v59 =	vmul.f32 v62, v39;
	v62 =	vld [tilespmem:s22+$0xA10];
	[tilespmem:s22+$0xE40] =	vst v45;
	v3 =	vadd.f32 v37, v3  }
0x17c: {  	v29 =	vmul.f32 v29, v41;
	[tilespmem:s22+$0xE60] =	vst v47;
	v47 =	vld [tilespmem:s22+$0x620];
	v6 =	vmul.f32 v6, v39;
	v2 =	vadd.f32 v36, v2  }
0x17d: {  	v34 =	vmul.f32 v34, v41;
	v44 =	vadd.f32 v44, v59;
	[tilespmem:s22+$0xA60] =	vst v3;
	v3 =	vld [tilespmem:s22+$0x640];
	v5 =	vmul.f32 v5, v39  }
0x17e: {  	v32 =	vmul.f32 v32, v41;
	v1 =	vmul.f32 v1, v39;
	v6 =	vadd.f32 v29, v6;
	[tilespmem:s22+$0xA50] =	vst v2;
	v2 =	vld [tilespmem:s22+$0x630]  }
0x17f: {  	v30 =	vmul.f32 v30, v41;
	v51 =	vld [tilespmem:s22+$0x270];
	[tilespmem:s22+$0xE30] =	vst v44;
	v5 =	vadd.f32 v34, v5;
	v4 =	vmul.f32 v4, v39  }
0x180: {  	v27 =	vmul.f32 v27, v41;
	v54 =	vld [tilespmem:s22+$0xD660];
	v60 =	vmul.f32 v63, v39;
	v1 =	vadd.f32 v38, v1;
	[tilespmem:s22+$0x660] =	vst v6  }
0x181: {  	v52 =	vmul.f32 v47, v39;
	v6 =	vmul.f32 v25, v41;
	[tilespmem:s22+$0xA30] =	vst v5;
	v5 =	vld [tilespmem:s22+$0x610];
	v4 =	vadd.f32 v30, v4  }
0x182: {  	v48 =	vmul.f32 v62, v39;
	v43 =	vadd.f32 v43, v60;
	[tilespmem:s22+$0xA70] =	vst v1;
	v1 =	vld [tilespmem:s22+$0x650];
	v3 =	vmul.f32 v3, v39  }
0x183: {  	v50 =	vld [tilespmem:s22+$0x600];
	v6 =	vadd.f32 v6, v52;
	v2 =	vmul.f32 v2, v39;
	[tilespmem:s22+$0x670] =	vst v4;
	v4 =	vmul.f32 v26, v41  }
0x184: {  	v28 =	vmul.f32 v28, v41;
	v55 =	vld [tilespmem:s22+$0x250];
	v56 =	vmul.f32 v51, v39;
	v32 =	vadd.f32 v32, v48;
	[tilespmem:s22+$0xE20] =	vst v43  }
0x185: {  	[tilespmem:s22+$0x620] =	vst v6;
	v6 =	vmul.f32 v22, v41;
	v3 =	vadd.f32 v27, v3;
	v2 =	vadd.f32 v4, v2;
	v4 =	vld [tilespmem:s22+$0x260]  }
0x186: {  	v24 =	vmul.f32 v24, v41;
	v61 =	vld [tilespmem:s22+$0xA20];
	[tilespmem:s22+$0xA10] =	vst v32;
	v5 =	vmul.f32 v5, v39  }
0x187: {  	v20 =	vmul.f32 v20, v41;
	v57 =	vld [tilespmem:s22+$0xD670];
	v1 =	vmul.f32 v1, v39;
	v6 =	vadd.f32 v6, v56;
	[tilespmem:s22+$0x640] =	vst v3  }
0x188: {  	v63 =	vld [tilespmem:s22+$0xA00];
	v53 =	vmul.f32 v50, v39;
	[tilespmem:s22+$0x630] =	vst v2;
	v2 =	vmul.f32 v23, v41;
	v5 =	vadd.f32 v24, v5  }
0x189: {  	v59 =	vmul.f32 v55, v39;
	v43 =	vmul.f32 v58, v39;
	v58 =	vld [tilespmem:s22+$0x1640];
	v1 =	vadd.f32 v28, v1;
	[tilespmem:s22+$0x270] =	vst v6  }
0x18a: {  	v3 =	vld [tilespmem:s22+$0xD650];
	v2 =	vadd.f32 v2, v53;
	[tilespmem:s22+$0x610] =	vst v5;
	v5 =	vmul.f32 v21, v41;
	v4 =	vmul.f32 v4, v39  }
0x18b: {  	v35 =	vmul.f32 v35, v41;
	v46 =	vmul.f32 v61, v39;
	v61 =	vadd.f32 v20, v59;
	[tilespmem:s22+$0x650] =	vst v1;
	v1 =	vld [tilespmem:s22+$0xD640]  }
0x18c: {  	v6 =	vmul.f32 v18, v39;
	[tilespmem:s22+$0x600] =	vst v2;
	v2 =	vld [tilespmem:s22+$0x1650];
	v4 =	vadd.f32 v5, v4;
	v5 =	vmul.f32 v19, v41  }
0x18d: {  	v33 =	vmul.f32 v33, v41;
	v60 =	vld [tilespmem:s22+$0x1660];
	v35 =	vadd.f32 v35, v43;
	[tilespmem:s22+$0x250] =	vst v61  }
0x18e: {  	v14 =	vmul.f32 v14, v39;
	[tilespmem:s22+$0x260] =	vst v4;
	v4 =	vmul.f32 v15, v41;
	v5 =	vadd.f32 v5, v6;
	v6 =	vld [tilespmem:s22+$0x1670]  }
0x18f: {  	v31 =	vmul.f32 v31, v41;
	v62 =	vld [tilespmem:s22+$0x200];
	v49 =	vmul.f32 v63, v39;
	v33 =	vadd.f32 v33, v46;
	[tilespmem:s22+$0xA40] =	vst v35  }
0x190: {  	v1 =	vmul.f32 v1, v41;
	v4 =	vadd.f32 v4, v14;
	[tilespmem:s22+$0x240] =	vst v5;
	v5 =	vmul.f32 v58, v39  }
0x191: {  	v31 =	vadd.f32 v31, v49;
	[tilespmem:s22+$0xA20] =	vst v33;
	v3 =	vmul.f32 v3, v41;
	v2 =	vmul.f32 v2, v39  }
0x192: {  	v63 =	vmul.f32 v54, v41;
	[tilespmem:s22+$0x220] =	vst v4;
	v1 =	vadd.f32 v1, v5;
	v4 =	vmul.f32 v60, v39  }
0x193: {  	[tilespmem:s22+$0xA00] =	vst v31;
	v5 =	vmul.f32 v57, v41;
	v2 =	vadd.f32 v3, v2;
	v3 =	vmul.f32 v6, v39  }
0x194: {  	v6 =	vmul.f32 v11, v41;
	v11 =	vmul.f32 v62, v39;
	[tilespmem:s22+$0x1640] =	vst v1;
	v1 =	vadd.f32 v63, v4  }
0x195: {  	[tilespmem:s22+$0x1650] =	vst v2;
	v2 =	vadd.f32 v5, v3  }
0x196: {  	s21 =	sadd.s32 $0x1, s21;
	v3 =	vadd.f32 v6, v11;
	[tilespmem:s22+$0x1660] =	vst v1  }
0x197: {  	p0 =	sne.s32 s21, s9;
	[tilespmem:s22+$0x1670] =	vst v2  }
.Ltmp1:
0x198: {  	[tilespmem:s22+$0x200] =	vst v3;
	(pc) =	sbr.rel @p0 .LBB2_1-.Ltmp1, $4  }
0x199: {  	[hbm4b:s8+s2] =	stream.linear.scatter [tilespmem:s12], [sflag:$0x2], $0xC000, $0x38;
	[tilespmem:$0x18200] =	vst v63  }
0x19a: {  	_ =	swait.ge [sflag:s10], $0xC000  }
0x19b: {  	[sflag:s10] =	ssyncset.done $0x0  }
0x19c: {  	[sflag:s10] =	ssyncadd.s32 $0xFFFF4000  }
0x19d: {  	_ =	sfence.sel $0x180000  }
0x19e: {  	[bflag:$0x0] =	sbarrier.arrive $0xFFFF  }
0x19f: {  	_ =	strace $0x9000004A  }
0x1a0: {  	s0 =	stileid.u32;
	[bflag:$0x2] =	sbarrier.arrive $0xFFFF  }
0x1a1: {  	p0 =	sne.s32 s0, $0x0;
	s0 =	rddreg [dreg:$0x2]  }
0x1a2: {  	s0 =	sadd.s32 @!p0 $0x100000, s0  }
0x1a3: {  	[sflag:s0] =	ssyncadd.tile.s32 @!p0 $0x1;
	_ =	shalt  }
.Lfunc_end2:
_tile_overlayer_lowered:
.L_overlay_start_2:
0x1a4: {  	(tag) =	ssettag $0x2  }
0x1a5: {  	s0 =	rddreg [dreg:$0x0];
	s2 =	stileid.u32  }
0x1a6: {  	s1 =	rddreg [dreg:$0x1];
	p0 =	sne.s32 s2, $0x0  }
0x1a7: {  	s3 =	rddreg [dreg:$0x2];
	[bflag:$0x3] =	sbarrier.arrive $0xFFFF;
	s2 =	simm.s32 @!p0 $0x1C02  }
0x1a8: {  	[timem:s3], [sflag:s2] =	dma.local @!p0 [hbm:s0], s1  }
0x1a9: {  	s0 =	simm.s32 @!p0 $0x2  }
0x1aa: {  	_ =	swait.ge @!p0 [sflag:s0], s1  }
0x1ab: {  	s1 =	ssub.s32 @!p0 $0x0, s1;
	[sflag:s0] =	ssyncset.done @!p0 $0x0  }
0x1ac: {  	[sflag:s0] =	ssyncadd.s32 @!p0 s1  }
0x1ad: {  	[bflag:$0x3] =	sbarrier.arrive $0xFFFF  }
0x1ae: {  	_ =	shalt  }

</sc_bundles>
